<compile_context>
chip_gen: v7x
topology: tpu7x:2x2x1
jax: 0.10.2.dev20260603
libtpu: 0.0.44.dev20260713+nightly
codegen_flags: <defaults>
</compile_context>

<pallas_src>
import functools

import jax
import jax.numpy as jnp
from jax import lax
from jax.experimental import pallas as pl
from jax.experimental.pallas import tpu as pltpu
from jax.experimental.pallas import tpu_sc as plsc

NC = 2
NS = 16
NW = NC * NS
L = 16


def _make_lookup(X0: int, X1: int, V: int, D: int):
  IT = X0 // 128
  JT = X1 // 8
  assert X0 % 128 == 0 and X1 % 8 == 0 and IT % NW == 0
  it_per_w = IT // NW
  n_units = it_per_w * JT
  assert n_units % 2 == 0
  mesh = plsc.VectorSubcoreMesh(
      core_axis_name="c", subcore_axis_name="s", num_cores=NC,
      num_subcores=NS)

  @functools.partial(
      pl.kernel,
      out_type=jax.ShapeDtypeStruct((D, JT, IT, 8, 128), jnp.float32),
      mesh=mesh,
      scratch_types=[
          pltpu.VMEM((128, X1), jnp.int32),
          pltpu.VMEM((2, D, 8, 128), jnp.float32),
          pltpu.VMEM((V * D,), jnp.float32),
          pltpu.SemaphoreType.DMA,
          pltpu.SemaphoreType.DMA,
      ],
      compiler_params=pltpu.CompilerParams(
          use_tc_tiling_on_sc=False, needs_layout_passes=False),
  )
  def lookup(x_hbm, wte_hbm, out_hbm, xblk, out_t2, tab_v, sem0, sem1):
    wid = lax.axis_index("s") * NC + lax.axis_index("c")
    pltpu.sync_copy(wte_hbm, tab_v)
    iota = lax.iota(jnp.int32, L)
    zero = iota * 0
    sems = (sem0, sem1)

    def unit(u, b):
      a = u // JT
      jt = u - a * JT
      it = wid * it_per_w + a

      @pl.when(jt == 0)
      def _():
        pltpu.sync_copy(x_hbm.at[pl.ds(it * 128, 128)], xblk)

      @pl.when(u >= 2)
      def _():
        pltpu.make_async_copy(
            out_t2.at[b], out_hbm.at[:, jt, it], sems[b]).wait()

      @plsc.parallel_loop(0, 64)
      def group(g):
        js = g // 8
        ig = g - js * 8
        jv = zero + (jt * 8 + js)
        i16 = ig * L + iota
        xg = plsc.load_gather(xblk, [i16, jv])
        src = xg * D
        for d in range(D):
          vals = plsc.load_gather(tab_v, [src + d])
          out_t2[b, d, js, pl.ds(ig * L, L)] = vals

      pltpu.async_copy(out_t2.at[b], out_hbm.at[:, jt, it], sems[b])

    def pair(u2, carry):
      unit(u2 * 2, 0)
      unit(u2 * 2 + 1, 1)
      return carry

    lax.fori_loop(0, n_units // 2, pair, 0)
    pltpu.make_async_copy(out_t2.at[0], out_hbm.at[:, 0, 0], sem0).wait()
    pltpu.make_async_copy(out_t2.at[1], out_hbm.at[:, 0, 0], sem1).wait()

  return lookup


def kernel(x, wte):
  X0, X1 = x.shape
  V, D = wte.shape
  out5 = _make_lookup(X0, X1, V, D)(x, wte.reshape(V * D))
  return out5.transpose(2, 4, 1, 3, 0).reshape(X0, X1, D)

# --- scband reference (transcript-rebuilt; emitter-appended) ---
"""Pipeline reference for scband-m-30442728194742 (READ-ONLY COPY).

The authoritative reference and input builder live on the scoring server;
editing this copy changes nothing except your own understanding.
"""

import jax, jax.numpy as jnp
import numpy as np


def setup_inputs(seed: int = 0) -> dict:
    key = jax.random.key(seed)
    k1, k2 = jax.random.split(key)
    x = jax.random.randint(k1, (16384, 200), 0, 36, dtype=jnp.int32)
    wte = jax.random.normal(k2, (36, 36), dtype=jnp.float32)
    return {"x": x, "wte": wte}


def reference(x, wte):
    # nn.Embedding forward == row gather from the embedding table
    return jnp.take(wte, x, axis=0)

if __name__ == "__main__":
    import jax
    _d = setup_inputs()
    print(jax.jit(kernel)(*tuple(_d.values())))

</pallas_src>

<mosaic_0001>
#map = affine_map<(d0, d1) -> (0, 0)>
#map1 = affine_map<(d0, d1) -> (0)>
#map2 = affine_map<(d0, d1) -> (0, 0, 0, 0, 0)>
module attributes {stable_mosaic.version = 14 : i64} {
  func.func @lookup(%arg0: i32, %arg1: i32, %arg2: memref<16384x200xi32, #tpu.memory_space<hbm>>, %arg3: memref<1296xf32, #tpu.memory_space<hbm>>, %arg4: memref<36x25x128x8x128xf32, #tpu.memory_space<hbm>>, %arg5: memref<128x200xi32, #tpu.memory_space<vmem>>, %arg6: memref<2x36x8x128xf32, #tpu.memory_space<vmem>>, %arg7: memref<1296xf32, #tpu.memory_space<vmem>>, %arg8: memref<!tpu.dma_semaphore, #tpu.memory_space<semaphore_mem>>, %arg9: memref<!tpu.dma_semaphore, #tpu.memory_space<semaphore_mem>>) attributes {dimension_semantics = [#tpu.dimension_semantics<core_parallel>, #tpu.dimension_semantics<subcore_parallel>], iteration_bounds = array<i64: 2, 16>, scalar_prefetch = 0 : i64, scratch_operands = 5 : i64, tpu.core_type = #tpu.core_type<sc_vector_subcore>, window_params = [{transform_indices = #map}, {transform_indices = #map1}, {transform_indices = #map2}]} {
    %mul3A = arith.constant 2 : i32
    %mul3A_0 = arith.muli %arg1, %mul3A : i32
    %add3A = arith.addi %mul3A_0, %arg0 : i32
    "tpu.region"() ({
      %run_scoped3A = tpu.sem_alloc : memref<!tpu.dma_semaphore, #tpu.memory_space<semaphore_mem>>
      tpu.enqueue_dma source(%arg3 : memref<1296xf32, #tpu.memory_space<hbm>>) target(%arg7 : memref<1296xf32, #tpu.memory_space<vmem>>) target_semaphore(%run_scoped3A : memref<!tpu.dma_semaphore, #tpu.memory_space<semaphore_mem>>)
      tpu.wait_dma2 semaphore(%run_scoped3A : memref<!tpu.dma_semaphore, #tpu.memory_space<semaphore_mem>>) src(%arg3 : memref<1296xf32, #tpu.memory_space<hbm>>) dst(%arg7 : memref<1296xf32, #tpu.memory_space<vmem>>)
      tpu.yield
    }) : () -> ()
    %iota3A = tpu.iota {dimensions = array<i32: 0>} : vector<16xi32>
    %mul3A_1 = arith.constant 0 : i32
    %mul3A_2 = vector.broadcast %mul3A_1 : i32 to vector<16xi32>
    %mul3A_3 = arith.muli %iota3A, %mul3A_2 : vector<16xi32>
    %scan3A = arith.constant 0 : i32
    %scan3A_4 = arith.constant 0 : i32
    %scan3A_5 = arith.constant 50 : i32
    %scan3A_6 = arith.addi %scan3A_4, %scan3A_5 : i32
    %scan3A_7 = arith.constant 1 : i32
    scf.for %scan3A_54 = %scan3A_4 to %scan3A_6 step %scan3A_7  : i32 {
      %mul3A_55 = arith.constant 2 : i32
      %mul3A_56 = arith.muli %scan3A_54, %mul3A_55 : i32
      %jit3A = arith.constant 25 : i32
      %div3A = arith.divsi %mul3A_56, %jit3A : i32
      %sign3A = arith.constant 0 : i32
      %sign3A_57 = arith.cmpi sgt, %mul3A_56, %sign3A : i32
      %sign3A_58 = arith.extui %sign3A_57 : i1 to i32
      %sign3A_59 = arith.constant 0 : i32
      %sign3A_60 = arith.cmpi slt, %mul3A_56, %sign3A_59 : i32
      %sign3A_61 = arith.extui %sign3A_60 : i1 to i32
      %sign3A_62 = arith.subi %sign3A_58, %sign3A_61 : i32
      %sign3A_63 = arith.constant 0 : i32
      %sign3A_64 = arith.cmpi sgt, %jit3A, %sign3A_63 : i32
      %sign3A_65 = arith.extui %sign3A_64 : i1 to i32
      %sign3A_66 = arith.constant 0 : i32
      %sign3A_67 = arith.cmpi slt, %jit3A, %sign3A_66 : i32
      %sign3A_68 = arith.extui %sign3A_67 : i1 to i32
      %sign3A_69 = arith.subi %sign3A_65, %sign3A_68 : i32
      %ne3A = arith.cmpi ne, %sign3A_62, %sign3A_69 : i32
      %rem3A = arith.remsi %mul3A_56, %jit3A : i32
      %ne3A_70 = arith.constant 0 : i32
      %ne3A_71 = arith.cmpi ne, %rem3A, %ne3A_70 : i32
      %and3A = arith.andi %ne3A, %ne3A_71 : i1
      %sub3A = arith.constant 1 : i32
      %sub3A_72 = arith.subi %div3A, %sub3A : i32
      %select_n3A = arith.select %and3A, %sub3A_72, %div3A : i32
      %mul3A_73 = arith.constant 25 : i32
      %mul3A_74 = arith.muli %select_n3A, %mul3A_73 : i32
      %sub3A_75 = arith.subi %mul3A_56, %mul3A_74 : i32
      %mul3A_76 = arith.constant 4 : i32
      %mul3A_77 = arith.muli %add3A, %mul3A_76 : i32
      %add3A_78 = arith.addi %mul3A_77, %select_n3A : i32
      %eq3A = arith.constant 0 : i32
      %eq3A_79 = arith.cmpi eq, %sub3A_75, %eq3A : i32
      %convert_element_type3A = arith.extui %eq3A_79 : i1 to i32
      %cond3A = arith.constant 0 : i32
      %cond3A_80 = arith.cmpi ne, %convert_element_type3A, %cond3A : i32
      scf.if %cond3A_80 {
        %mul3A_175 = arith.constant 128 : i32
        %mul3A_176 = arith.muli %add3A_78, %mul3A_175 : i32
        "tpu.region"() ({
          %run_scoped3A = tpu.sem_alloc : memref<!tpu.dma_semaphore, #tpu.memory_space<semaphore_mem>>
          %dma_start3A_177 = arith.constant 0 : i32
          %dma_start3A_178 = tpu.memref_slice %arg2[%mul3A_176, %dma_start3A_177] : memref<16384x200xi32, #tpu.memory_space<hbm>> -> memref<128x200xi32, #tpu.memory_space<hbm>>
          %dma_start3A_179 = arith.constant 0 : i32
          %dma_start3A_180 = tpu.memref_slice %arg2[%mul3A_176, %dma_start3A_179] : memref<16384x200xi32, #tpu.memory_space<hbm>> -> memref<128x200xi32, #tpu.memory_space<hbm>>
          tpu.enqueue_dma source(%dma_start3A_180 : memref<128x200xi32, #tpu.memory_space<hbm>>) target(%arg5 : memref<128x200xi32, #tpu.memory_space<vmem>>) target_semaphore(%run_scoped3A : memref<!tpu.dma_semaphore, #tpu.memory_space<semaphore_mem>>)
          %dma_wait3A_181 = arith.constant 0 : i32
          %dma_wait3A_182 = tpu.memref_slice %arg2[%mul3A_176, %dma_wait3A_181] : memref<16384x200xi32, #tpu.memory_space<hbm>> -> memref<128x200xi32, #tpu.memory_space<hbm>>
          %dma_wait3A_183 = arith.constant 0 : i32
          %dma_wait3A_184 = tpu.memref_slice %arg2[%mul3A_176, %dma_wait3A_183] : memref<16384x200xi32, #tpu.memory_space<hbm>> -> memref<128x200xi32, #tpu.memory_space<hbm>>
          tpu.wait_dma2 semaphore(%run_scoped3A : memref<!tpu.dma_semaphore, #tpu.memory_space<semaphore_mem>>) src(%dma_wait3A_184 : memref<128x200xi32, #tpu.memory_space<hbm>>) dst(%arg5 : memref<128x200xi32, #tpu.memory_space<vmem>>)
          tpu.yield
        }) : () -> ()
      } else {
      }
      %ge3A = arith.constant 2 : i32
      %ge3A_81 = arith.cmpi sge, %mul3A_56, %ge3A : i32
      %convert_element_type3A_82 = arith.extui %ge3A_81 : i1 to i32
      %cond3A_83 = arith.constant 0 : i32
      %cond3A_84 = arith.cmpi ne, %convert_element_type3A_82, %cond3A_83 : i32
      scf.if %cond3A_84 {
        %dma_wait3A_175 = arith.constant 0 : i32
        %dma_wait3A_176 = arith.constant 0 : i32
        %dma_wait3A_177 = arith.constant 0 : i32
        %dma_wait3A_178 = arith.constant 0 : i32
        %dma_wait3A_179 = tpu.memref_slice %arg6[%dma_wait3A_175, %dma_wait3A_176, %dma_wait3A_177, %dma_wait3A_178] : memref<2x36x8x128xf32, #tpu.memory_space<vmem>> -> memref<1x36x8x128xf32, #tpu.memory_space<vmem>>
        %dma_wait3A_180 = tpu.memref_squeeze %dma_wait3A_179 : memref<1x36x8x128xf32, #tpu.memory_space<vmem>> -> memref<36x8x128xf32, #tpu.memory_space<vmem>>
        %dma_wait3A_181 = arith.constant 0 : i32
        %dma_wait3A_182 = arith.constant 0 : i32
        %dma_wait3A_183 = arith.constant 0 : i32
        %dma_wait3A_184 = tpu.memref_slice %arg4[%dma_wait3A_181, %sub3A_75, %add3A_78, %dma_wait3A_182, %dma_wait3A_183] : memref<36x25x128x8x128xf32, #tpu.memory_space<hbm>> -> memref<36x1x1x8x128xf32, #tpu.memory_space<hbm>>
        %dma_wait3A_185 = tpu.memref_squeeze %dma_wait3A_184 : memref<36x1x1x8x128xf32, #tpu.memory_space<hbm>> -> memref<36x8x128xf32, #tpu.memory_space<hbm>>
        %dma_wait3A_186 = arith.constant 0 : i32
        %dma_wait3A_187 = arith.constant 0 : i32
        %dma_wait3A_188 = arith.constant 0 : i32
        %dma_wait3A_189 = tpu.memref_slice %arg4[%dma_wait3A_186, %sub3A_75, %add3A_78, %dma_wait3A_187, %dma_wait3A_188] : memref<36x25x128x8x128xf32, #tpu.memory_space<hbm>> -> memref<36x1x1x8x128xf32, #tpu.memory_space<hbm>>
        %dma_wait3A_190 = tpu.memref_squeeze %dma_wait3A_189 : memref<36x1x1x8x128xf32, #tpu.memory_space<hbm>> -> memref<36x8x128xf32, #tpu.memory_space<hbm>>
        %dma_wait3A_191 = arith.constant 0 : i32
        %dma_wait3A_192 = arith.constant 0 : i32
        %dma_wait3A_193 = arith.constant 0 : i32
        %dma_wait3A_194 = tpu.memref_slice %arg6[%dma_wait3A_175, %dma_wait3A_191, %dma_wait3A_192, %dma_wait3A_193] : memref<2x36x8x128xf32, #tpu.memory_space<vmem>> -> memref<1x36x8x128xf32, #tpu.memory_space<vmem>>
        %dma_wait3A_195 = tpu.memref_squeeze %dma_wait3A_194 : memref<1x36x8x128xf32, #tpu.memory_space<vmem>> -> memref<36x8x128xf32, #tpu.memory_space<vmem>>
        tpu.wait_dma2 semaphore(%arg8 : memref<!tpu.dma_semaphore, #tpu.memory_space<semaphore_mem>>) src(%dma_wait3A_195 : memref<36x8x128xf32, #tpu.memory_space<vmem>>) dst(%dma_wait3A_190 : memref<36x8x128xf32, #tpu.memory_space<hbm>>)
      } else {
      }
      %parallel_loop3A = arith.constant 0 : i32
      %parallel_loop3A_85 = arith.constant 64 : i32
      %parallel_loop3A_86 = arith.constant 1 : i32
      scf.for %parallel_loop3A_175 = %parallel_loop3A to %parallel_loop3A_85 step %parallel_loop3A_86  : i32 {
        %parallel_loop3A_176 = arith.constant 8 : i32
        %parallel_loop3A_177 = arith.divsi %parallel_loop3A_175, %parallel_loop3A_176 : i32
        %parallel_loop3A_178 = arith.constant 0 : i32
        %parallel_loop3A_179 = arith.cmpi sgt, %parallel_loop3A_175, %parallel_loop3A_178 : i32
        %parallel_loop3A_180 = arith.extui %parallel_loop3A_179 : i1 to i32
        %parallel_loop3A_181 = arith.constant 0 : i32
        %parallel_loop3A_182 = arith.cmpi slt, %parallel_loop3A_175, %parallel_loop3A_181 : i32
        %parallel_loop3A_183 = arith.extui %parallel_loop3A_182 : i1 to i32
        %parallel_loop3A_184 = arith.subi %parallel_loop3A_180, %parallel_loop3A_183 : i32
        %parallel_loop3A_185 = arith.constant 0 : i32
        %parallel_loop3A_186 = arith.cmpi sgt, %parallel_loop3A_176, %parallel_loop3A_185 : i32
        %parallel_loop3A_187 = arith.extui %parallel_loop3A_186 : i1 to i32
        %parallel_loop3A_188 = arith.constant 0 : i32
        %parallel_loop3A_189 = arith.cmpi slt, %parallel_loop3A_176, %parallel_loop3A_188 : i32
        %parallel_loop3A_190 = arith.extui %parallel_loop3A_189 : i1 to i32
        %parallel_loop3A_191 = arith.subi %parallel_loop3A_187, %parallel_loop3A_190 : i32
        %parallel_loop3A_192 = arith.cmpi ne, %parallel_loop3A_184, %parallel_loop3A_191 : i32
        %parallel_loop3A_193 = arith.remsi %parallel_loop3A_175, %parallel_loop3A_176 : i32
        %parallel_loop3A_194 = arith.constant 0 : i32
        %parallel_loop3A_195 = arith.cmpi ne, %parallel_loop3A_193, %parallel_loop3A_194 : i32
        %parallel_loop3A_196 = arith.andi %parallel_loop3A_192, %parallel_loop3A_195 : i1
        %parallel_loop3A_197 = arith.constant 1 : i32
        %parallel_loop3A_198 = arith.subi %parallel_loop3A_177, %parallel_loop3A_197 : i32
        %parallel_loop3A_199 = arith.select %parallel_loop3A_196, %parallel_loop3A_198, %parallel_loop3A_177 : i32
        %parallel_loop3A_200 = arith.constant 8 : i32
        %parallel_loop3A_201 = arith.muli %parallel_loop3A_199, %parallel_loop3A_200 : i32
        %parallel_loop3A_202 = arith.subi %parallel_loop3A_175, %parallel_loop3A_201 : i32
        %parallel_loop3A_203 = arith.constant 8 : i32
        %parallel_loop3A_204 = arith.muli %sub3A_75, %parallel_loop3A_203 : i32
        %parallel_loop3A_205 = arith.addi %parallel_loop3A_204, %parallel_loop3A_199 : i32
        %parallel_loop3A_206 = vector.broadcast %parallel_loop3A_205 : i32 to vector<16xi32>
        %parallel_loop3A_207 = arith.addi %mul3A_3, %parallel_loop3A_206 : vector<16xi32>
        %parallel_loop3A_208 = arith.constant 16 : i32
        %parallel_loop3A_209 = arith.muli %parallel_loop3A_202, %parallel_loop3A_208 : i32
        %parallel_loop3A_210 = vector.broadcast %parallel_loop3A_209 : i32 to vector<16xi32>
        %parallel_loop3A_211 = arith.addi %parallel_loop3A_210, %iota3A : vector<16xi32>
        %parallel_loop3A_212 = tpu.vector_load_idx %arg5[%parallel_loop3A_211, %parallel_loop3A_207] : memref<128x200xi32, #tpu.memory_space<vmem>>[vector<16xi32>, vector<16xi32>], vector<16xi32>,
        %parallel_loop3A_213 = arith.constant 36 : i32
        %parallel_loop3A_214 = vector.broadcast %parallel_loop3A_213 : i32 to vector<16xi32>
        %parallel_loop3A_215 = arith.muli %parallel_loop3A_212, %parallel_loop3A_214 : vector<16xi32>
        %parallel_loop3A_216 = arith.constant 0 : i32
        %parallel_loop3A_217 = vector.broadcast %parallel_loop3A_216 : i32 to vector<16xi32>
        %parallel_loop3A_218 = arith.addi %parallel_loop3A_215, %parallel_loop3A_217 : vector<16xi32>
        %parallel_loop3A_219 = tpu.vector_load_idx %arg7[%parallel_loop3A_218] : memref<1296xf32, #tpu.memory_space<vmem>>[vector<16xi32>], vector<16xf32>,
        %parallel_loop3A_220 = arith.constant 16 : i32
        %parallel_loop3A_221 = arith.muli %parallel_loop3A_202, %parallel_loop3A_220 : i32
        %parallel_loop3A_222 = arith.constant 0 : i32
        %parallel_loop3A_223 = arith.constant 0 : i32
        %parallel_loop3A_224 = arith.index_cast %parallel_loop3A_222 : i32 to index
        %parallel_loop3A_225 = arith.index_cast %parallel_loop3A_223 : i32 to index
        %parallel_loop3A_226 = arith.index_cast %parallel_loop3A_199 : i32 to index
        %parallel_loop3A_227 = arith.index_cast %parallel_loop3A_221 : i32 to index
        %parallel_loop3A_228 = tpu.vector_load %arg6[%parallel_loop3A_224, %parallel_loop3A_225, %parallel_loop3A_226, %parallel_loop3A_227] {strides = array<i32>} : memref<2x36x8x128xf32, #tpu.memory_space<vmem>>, vector<16xf32>,
        tpu.vector_store %arg6[%parallel_loop3A_224, %parallel_loop3A_225, %parallel_loop3A_226, %parallel_loop3A_227], %parallel_loop3A_219 {strides = array<i32>} : memref<2x36x8x128xf32, #tpu.memory_space<vmem>>, vector<16xf32>,
        %parallel_loop3A_229 = arith.constant 1 : i32
        %parallel_loop3A_230 = vector.broadcast %parallel_loop3A_229 : i32 to vector<16xi32>
        %parallel_loop3A_231 = arith.addi %parallel_loop3A_215, %parallel_loop3A_230 : vector<16xi32>
        %parallel_loop3A_232 = tpu.vector_load_idx %arg7[%parallel_loop3A_231] : memref<1296xf32, #tpu.memory_space<vmem>>[vector<16xi32>], vector<16xf32>,
        %parallel_loop3A_233 = arith.constant 16 : i32
        %parallel_loop3A_234 = arith.muli %parallel_loop3A_202, %parallel_loop3A_233 : i32
        %parallel_loop3A_235 = arith.constant 0 : i32
        %parallel_loop3A_236 = arith.constant 1 : i32
        %parallel_loop3A_237 = arith.index_cast %parallel_loop3A_235 : i32 to index
        %parallel_loop3A_238 = arith.index_cast %parallel_loop3A_236 : i32 to index
        %parallel_loop3A_239 = arith.index_cast %parallel_loop3A_199 : i32 to index
        %parallel_loop3A_240 = arith.index_cast %parallel_loop3A_234 : i32 to index
        %parallel_loop3A_241 = tpu.vector_load %arg6[%parallel_loop3A_237, %parallel_loop3A_238, %parallel_loop3A_239, %parallel_loop3A_240] {strides = array<i32>} : memref<2x36x8x128xf32, #tpu.memory_space<vmem>>, vector<16xf32>,
        tpu.vector_store %arg6[%parallel_loop3A_237, %parallel_loop3A_238, %parallel_loop3A_239, %parallel_loop3A_240], %parallel_loop3A_232 {strides = array<i32>} : memref<2x36x8x128xf32, #tpu.memory_space<vmem>>, vector<16xf32>,
        %parallel_loop3A_242 = arith.constant 2 : i32
        %parallel_loop3A_243 = vector.broadcast %parallel_loop3A_242 : i32 to vector<16xi32>
        %parallel_loop3A_244 = arith.addi %parallel_loop3A_215, %parallel_loop3A_243 : vector<16xi32>
        %parallel_loop3A_245 = tpu.vector_load_idx %arg7[%parallel_loop3A_244] : memref<1296xf32, #tpu.memory_space<vmem>>[vector<16xi32>], vector<16xf32>,
        %parallel_loop3A_246 = arith.constant 16 : i32
        %parallel_loop3A_247 = arith.muli %parallel_loop3A_202, %parallel_loop3A_246 : i32
        %parallel_loop3A_248 = arith.constant 0 : i32
        %parallel_loop3A_249 = arith.constant 2 : i32
        %parallel_loop3A_250 = arith.index_cast %parallel_loop3A_248 : i32 to index
        %parallel_loop3A_251 = arith.index_cast %parallel_loop3A_249 : i32 to index
        %parallel_loop3A_252 = arith.index_cast %parallel_loop3A_199 : i32 to index
        %parallel_loop3A_253 = arith.index_cast %parallel_loop3A_247 : i32 to index
        %parallel_loop3A_254 = tpu.vector_load %arg6[%parallel_loop3A_250, %parallel_loop3A_251, %parallel_loop3A_252, %parallel_loop3A_253] {strides = array<i32>} : memref<2x36x8x128xf32, #tpu.memory_space<vmem>>, vector<16xf32>,
        tpu.vector_store %arg6[%parallel_loop3A_250, %parallel_loop3A_251, %parallel_loop3A_252, %parallel_loop3A_253], %parallel_loop3A_245 {strides = array<i32>} : memref<2x36x8x128xf32, #tpu.memory_space<vmem>>, vector<16xf32>,
        %parallel_loop3A_255 = arith.constant 3 : i32
        %parallel_loop3A_256 = vector.broadcast %parallel_loop3A_255 : i32 to vector<16xi32>
        %parallel_loop3A_257 = arith.addi %parallel_loop3A_215, %parallel_loop3A_256 : vector<16xi32>
        %parallel_loop3A_258 = tpu.vector_load_idx %arg7[%parallel_loop3A_257] : memref<1296xf32, #tpu.memory_space<vmem>>[vector<16xi32>], vector<16xf32>,
        %parallel_loop3A_259 = arith.constant 16 : i32
        %parallel_loop3A_260 = arith.muli %parallel_loop3A_202, %parallel_loop3A_259 : i32
        %parallel_loop3A_261 = arith.constant 0 : i32
        %parallel_loop3A_262 = arith.constant 3 : i32
        %parallel_loop3A_263 = arith.index_cast %parallel_loop3A_261 : i32 to index
        %parallel_loop3A_264 = arith.index_cast %parallel_loop3A_262 : i32 to index
        %parallel_loop3A_265 = arith.index_cast %parallel_loop3A_199 : i32 to index
        %parallel_loop3A_266 = arith.index_cast %parallel_loop3A_260 : i32 to index
        %parallel_loop3A_267 = tpu.vector_load %arg6[%parallel_loop3A_263, %parallel_loop3A_264, %parallel_loop3A_265, %parallel_loop3A_266] {strides = array<i32>} : memref<2x36x8x128xf32, #tpu.memory_space<vmem>>, vector<16xf32>,
        tpu.vector_store %arg6[%parallel_loop3A_263, %parallel_loop3A_264, %parallel_loop3A_265, %parallel_loop3A_266], %parallel_loop3A_258 {strides = array<i32>} : memref<2x36x8x128xf32, #tpu.memory_space<vmem>>, vector<16xf32>,
        %parallel_loop3A_268 = arith.constant 4 : i32
        %parallel_loop3A_269 = vector.broadcast %parallel_loop3A_268 : i32 to vector<16xi32>
        %parallel_loop3A_270 = arith.addi %parallel_loop3A_215, %parallel_loop3A_269 : vector<16xi32>
        %parallel_loop3A_271 = tpu.vector_load_idx %arg7[%parallel_loop3A_270] : memref<1296xf32, #tpu.memory_space<vmem>>[vector<16xi32>], vector<16xf32>,
        %parallel_loop3A_272 = arith.constant 16 : i32
        %parallel_loop3A_273 = arith.muli %parallel_loop3A_202, %parallel_loop3A_272 : i32
        %parallel_loop3A_274 = arith.constant 0 : i32
        %parallel_loop3A_275 = arith.constant 4 : i32
        %parallel_loop3A_276 = arith.index_cast %parallel_loop3A_274 : i32 to index
        %parallel_loop3A_277 = arith.index_cast %parallel_loop3A_275 : i32 to index
        %parallel_loop3A_278 = arith.index_cast %parallel_loop3A_199 : i32 to index
        %parallel_loop3A_279 = arith.index_cast %parallel_loop3A_273 : i32 to index
        %parallel_loop3A_280 = tpu.vector_load %arg6[%parallel_loop3A_276, %parallel_loop3A_277, %parallel_loop3A_278, %parallel_loop3A_279] {strides = array<i32>} : memref<2x36x8x128xf32, #tpu.memory_space<vmem>>, vector<16xf32>,
        tpu.vector_store %arg6[%parallel_loop3A_276, %parallel_loop3A_277, %parallel_loop3A_278, %parallel_loop3A_279], %parallel_loop3A_271 {strides = array<i32>} : memref<2x36x8x128xf32, #tpu.memory_space<vmem>>, vector<16xf32>,
        %parallel_loop3A_281 = arith.constant 5 : i32
        %parallel_loop3A_282 = vector.broadcast %parallel_loop3A_281 : i32 to vector<16xi32>
        %parallel_loop3A_283 = arith.addi %parallel_loop3A_215, %parallel_loop3A_282 : vector<16xi32>
        %parallel_loop3A_284 = tpu.vector_load_idx %arg7[%parallel_loop3A_283] : memref<1296xf32, #tpu.memory_space<vmem>>[vector<16xi32>], vector<16xf32>,
        %parallel_loop3A_285 = arith.constant 16 : i32
        %parallel_loop3A_286 = arith.muli %parallel_loop3A_202, %parallel_loop3A_285 : i32
        %parallel_loop3A_287 = arith.constant 0 : i32
        %parallel_loop3A_288 = arith.constant 5 : i32
        %parallel_loop3A_289 = arith.index_cast %parallel_loop3A_287 : i32 to index
        %parallel_loop3A_290 = arith.index_cast %parallel_loop3A_288 : i32 to index
        %parallel_loop3A_291 = arith.index_cast %parallel_loop3A_199 : i32 to index
        %parallel_loop3A_292 = arith.index_cast %parallel_loop3A_286 : i32 to index
        %parallel_loop3A_293 = tpu.vector_load %arg6[%parallel_loop3A_289, %parallel_loop3A_290, %parallel_loop3A_291, %parallel_loop3A_292] {strides = array<i32>} : memref<2x36x8x128xf32, #tpu.memory_space<vmem>>, vector<16xf32>,
        tpu.vector_store %arg6[%parallel_loop3A_289, %parallel_loop3A_290, %parallel_loop3A_291, %parallel_loop3A_292], %parallel_loop3A_284 {strides = array<i32>} : memref<2x36x8x128xf32, #tpu.memory_space<vmem>>, vector<16xf32>,
        %parallel_loop3A_294 = arith.constant 6 : i32
        %parallel_loop3A_295 = vector.broadcast %parallel_loop3A_294 : i32 to vector<16xi32>
        %parallel_loop3A_296 = arith.addi %parallel_loop3A_215, %parallel_loop3A_295 : vector<16xi32>
        %parallel_loop3A_297 = tpu.vector_load_idx %arg7[%parallel_loop3A_296] : memref<1296xf32, #tpu.memory_space<vmem>>[vector<16xi32>], vector<16xf32>,
        %parallel_loop3A_298 = arith.constant 16 : i32
        %parallel_loop3A_299 = arith.muli %parallel_loop3A_202, %parallel_loop3A_298 : i32
        %parallel_loop3A_300 = arith.constant 0 : i32
        %parallel_loop3A_301 = arith.constant 6 : i32
        %parallel_loop3A_302 = arith.index_cast %parallel_loop3A_300 : i32 to index
        %parallel_loop3A_303 = arith.index_cast %parallel_loop3A_301 : i32 to index
        %parallel_loop3A_304 = arith.index_cast %parallel_loop3A_199 : i32 to index
        %parallel_loop3A_305 = arith.index_cast %parallel_loop3A_299 : i32 to index
        %parallel_loop3A_306 = tpu.vector_load %arg6[%parallel_loop3A_302, %parallel_loop3A_303, %parallel_loop3A_304, %parallel_loop3A_305] {strides = array<i32>} : memref<2x36x8x128xf32, #tpu.memory_space<vmem>>, vector<16xf32>,
        tpu.vector_store %arg6[%parallel_loop3A_302, %parallel_loop3A_303, %parallel_loop3A_304, %parallel_loop3A_305], %parallel_loop3A_297 {strides = array<i32>} : memref<2x36x8x128xf32, #tpu.memory_space<vmem>>, vector<16xf32>,
        %parallel_loop3A_307 = arith.constant 7 : i32
        %parallel_loop3A_308 = vector.broadcast %parallel_loop3A_307 : i32 to vector<16xi32>
        %parallel_loop3A_309 = arith.addi %parallel_loop3A_215, %parallel_loop3A_308 : vector<16xi32>
        %parallel_loop3A_310 = tpu.vector_load_idx %arg7[%parallel_loop3A_309] : memref<1296xf32, #tpu.memory_space<vmem>>[vector<16xi32>], vector<16xf32>,
        %parallel_loop3A_311 = arith.constant 16 : i32
        %parallel_loop3A_312 = arith.muli %parallel_loop3A_202, %parallel_loop3A_311 : i32
        %parallel_loop3A_313 = arith.constant 0 : i32
        %parallel_loop3A_314 = arith.constant 7 : i32
        %parallel_loop3A_315 = arith.index_cast %parallel_loop3A_313 : i32 to index
        %parallel_loop3A_316 = arith.index_cast %parallel_loop3A_314 : i32 to index
        %parallel_loop3A_317 = arith.index_cast %parallel_loop3A_199 : i32 to index
        %parallel_loop3A_318 = arith.index_cast %parallel_loop3A_312 : i32 to index
        %parallel_loop3A_319 = tpu.vector_load %arg6[%parallel_loop3A_315, %parallel_loop3A_316, %parallel_loop3A_317, %parallel_loop3A_318] {strides = array<i32>} : memref<2x36x8x128xf32, #tpu.memory_space<vmem>>, vector<16xf32>,
        tpu.vector_store %arg6[%parallel_loop3A_315, %parallel_loop3A_316, %parallel_loop3A_317, %parallel_loop3A_318], %parallel_loop3A_310 {strides = array<i32>} : memref<2x36x8x128xf32, #tpu.memory_space<vmem>>, vector<16xf32>,
        %parallel_loop3A_320 = arith.constant 8 : i32
        %parallel_loop3A_321 = vector.broadcast %parallel_loop3A_320 : i32 to vector<16xi32>
        %parallel_loop3A_322 = arith.addi %parallel_loop3A_215, %parallel_loop3A_321 : vector<16xi32>
        %parallel_loop3A_323 = tpu.vector_load_idx %arg7[%parallel_loop3A_322] : memref<1296xf32, #tpu.memory_space<vmem>>[vector<16xi32>], vector<16xf32>,
        %parallel_loop3A_324 = arith.constant 16 : i32
        %parallel_loop3A_325 = arith.muli %parallel_loop3A_202, %parallel_loop3A_324 : i32
        %parallel_loop3A_326 = arith.constant 0 : i32
        %parallel_loop3A_327 = arith.constant 8 : i32
        %parallel_loop3A_328 = arith.index_cast %parallel_loop3A_326 : i32 to index
        %parallel_loop3A_329 = arith.index_cast %parallel_loop3A_327 : i32 to index
        %parallel_loop3A_330 = arith.index_cast %parallel_loop3A_199 : i32 to index
        %parallel_loop3A_331 = arith.index_cast %parallel_loop3A_325 : i32 to index
        %parallel_loop3A_332 = tpu.vector_load %arg6[%parallel_loop3A_328, %parallel_loop3A_329, %parallel_loop3A_330, %parallel_loop3A_331] {strides = array<i32>} : memref<2x36x8x128xf32, #tpu.memory_space<vmem>>, vector<16xf32>,
        tpu.vector_store %arg6[%parallel_loop3A_328, %parallel_loop3A_329, %parallel_loop3A_330, %parallel_loop3A_331], %parallel_loop3A_323 {strides = array<i32>} : memref<2x36x8x128xf32, #tpu.memory_space<vmem>>, vector<16xf32>,
        %parallel_loop3A_333 = arith.constant 9 : i32
        %parallel_loop3A_334 = vector.broadcast %parallel_loop3A_333 : i32 to vector<16xi32>
        %parallel_loop3A_335 = arith.addi %parallel_loop3A_215, %parallel_loop3A_334 : vector<16xi32>
        %parallel_loop3A_336 = tpu.vector_load_idx %arg7[%parallel_loop3A_335] : memref<1296xf32, #tpu.memory_space<vmem>>[vector<16xi32>], vector<16xf32>,
        %parallel_loop3A_337 = arith.constant 16 : i32
        %parallel_loop3A_338 = arith.muli %parallel_loop3A_202, %parallel_loop3A_337 : i32
        %parallel_loop3A_339 = arith.constant 0 : i32
        %parallel_loop3A_340 = arith.constant 9 : i32
        %parallel_loop3A_341 = arith.index_cast %parallel_loop3A_339 : i32 to index
        %parallel_loop3A_342 = arith.index_cast %parallel_loop3A_340 : i32 to index
        %parallel_loop3A_343 = arith.index_cast %parallel_loop3A_199 : i32 to index
        %parallel_loop3A_344 = arith.index_cast %parallel_loop3A_338 : i32 to index
        %parallel_loop3A_345 = tpu.vector_load %arg6[%parallel_loop3A_341, %parallel_loop3A_342, %parallel_loop3A_343, %parallel_loop3A_344] {strides = array<i32>} : memref<2x36x8x128xf32, #tpu.memory_space<vmem>>, vector<16xf32>,
        tpu.vector_store %arg6[%parallel_loop3A_341, %parallel_loop3A_342, %parallel_loop3A_343, %parallel_loop3A_344], %parallel_loop3A_336 {strides = array<i32>} : memref<2x36x8x128xf32, #tpu.memory_space<vmem>>, vector<16xf32>,
        %parallel_loop3A_346 = arith.constant 10 : i32
        %parallel_loop3A_347 = vector.broadcast %parallel_loop3A_346 : i32 to vector<16xi32>
        %parallel_loop3A_348 = arith.addi %parallel_loop3A_215, %parallel_loop3A_347 : vector<16xi32>
        %parallel_loop3A_349 = tpu.vector_load_idx %arg7[%parallel_loop3A_348] : memref<1296xf32, #tpu.memory_space<vmem>>[vector<16xi32>], vector<16xf32>,
        %parallel_loop3A_350 = arith.constant 16 : i32
        %parallel_loop3A_351 = arith.muli %parallel_loop3A_202, %parallel_loop3A_350 : i32
        %parallel_loop3A_352 = arith.constant 0 : i32
        %parallel_loop3A_353 = arith.constant 10 : i32
        %parallel_loop3A_354 = arith.index_cast %parallel_loop3A_352 : i32 to index
        %parallel_loop3A_355 = arith.index_cast %parallel_loop3A_353 : i32 to index
        %parallel_loop3A_356 = arith.index_cast %parallel_loop3A_199 : i32 to index
        %parallel_loop3A_357 = arith.index_cast %parallel_loop3A_351 : i32 to index
        %parallel_loop3A_358 = tpu.vector_load %arg6[%parallel_loop3A_354, %parallel_loop3A_355, %parallel_loop3A_356, %parallel_loop3A_357] {strides = array<i32>} : memref<2x36x8x128xf32, #tpu.memory_space<vmem>>, vector<16xf32>,
        tpu.vector_store %arg6[%parallel_loop3A_354, %parallel_loop3A_355, %parallel_loop3A_356, %parallel_loop3A_357], %parallel_loop3A_349 {strides = array<i32>} : memref<2x36x8x128xf32, #tpu.memory_space<vmem>>, vector<16xf32>,
        %parallel_loop3A_359 = arith.constant 11 : i32
        %parallel_loop3A_360 = vector.broadcast %parallel_loop3A_359 : i32 to vector<16xi32>
        %parallel_loop3A_361 = arith.addi %parallel_loop3A_215, %parallel_loop3A_360 : vector<16xi32>
        %parallel_loop3A_362 = tpu.vector_load_idx %arg7[%parallel_loop3A_361] : memref<1296xf32, #tpu.memory_space<vmem>>[vector<16xi32>], vector<16xf32>,
        %parallel_loop3A_363 = arith.constant 16 : i32
        %parallel_loop3A_364 = arith.muli %parallel_loop3A_202, %parallel_loop3A_363 : i32
        %parallel_loop3A_365 = arith.constant 0 : i32
        %parallel_loop3A_366 = arith.constant 11 : i32
        %parallel_loop3A_367 = arith.index_cast %parallel_loop3A_365 : i32 to index
        %parallel_loop3A_368 = arith.index_cast %parallel_loop3A_366 : i32 to index
        %parallel_loop3A_369 = arith.index_cast %parallel_loop3A_199 : i32 to index
        %parallel_loop3A_370 = arith.index_cast %parallel_loop3A_364 : i32 to index
        %parallel_loop3A_371 = tpu.vector_load %arg6[%parallel_loop3A_367, %parallel_loop3A_368, %parallel_loop3A_369, %parallel_loop3A_370] {strides = array<i32>} : memref<2x36x8x128xf32, #tpu.memory_space<vmem>>, vector<16xf32>,
        tpu.vector_store %arg6[%parallel_loop3A_367, %parallel_loop3A_368, %parallel_loop3A_369, %parallel_loop3A_370], %parallel_loop3A_362 {strides = array<i32>} : memref<2x36x8x128xf32, #tpu.memory_space<vmem>>, vector<16xf32>,
        %parallel_loop3A_372 = arith.constant 12 : i32
        %parallel_loop3A_373 = vector.broadcast %parallel_loop3A_372 : i32 to vector<16xi32>
        %parallel_loop3A_374 = arith.addi %parallel_loop3A_215, %parallel_loop3A_373 : vector<16xi32>
        %parallel_loop3A_375 = tpu.vector_load_idx %arg7[%parallel_loop3A_374] : memref<1296xf32, #tpu.memory_space<vmem>>[vector<16xi32>], vector<16xf32>,
        %parallel_loop3A_376 = arith.constant 16 : i32
        %parallel_loop3A_377 = arith.muli %parallel_loop3A_202, %parallel_loop3A_376 : i32
        %parallel_loop3A_378 = arith.constant 0 : i32
        %parallel_loop3A_379 = arith.constant 12 : i32
        %parallel_loop3A_380 = arith.index_cast %parallel_loop3A_378 : i32 to index
        %parallel_loop3A_381 = arith.index_cast %parallel_loop3A_379 : i32 to index
        %parallel_loop3A_382 = arith.index_cast %parallel_loop3A_199 : i32 to index
        %parallel_loop3A_383 = arith.index_cast %parallel_loop3A_377 : i32 to index
        %parallel_loop3A_384 = tpu.vector_load %arg6[%parallel_loop3A_380, %parallel_loop3A_381, %parallel_loop3A_382, %parallel_loop3A_383] {strides = array<i32>} : memref<2x36x8x128xf32, #tpu.memory_space<vmem>>, vector<16xf32>,
        tpu.vector_store %arg6[%parallel_loop3A_380, %parallel_loop3A_381, %parallel_loop3A_382, %parallel_loop3A_383], %parallel_loop3A_375 {strides = array<i32>} : memref<2x36x8x128xf32, #tpu.memory_space<vmem>>, vector<16xf32>,
        %parallel_loop3A_385 = arith.constant 13 : i32
        %parallel_loop3A_386 = vector.broadcast %parallel_loop3A_385 : i32 to vector<16xi32>
        %parallel_loop3A_387 = arith.addi %parallel_loop3A_215, %parallel_loop3A_386 : vector<16xi32>
        %parallel_loop3A_388 = tpu.vector_load_idx %arg7[%parallel_loop3A_387] : memref<1296xf32, #tpu.memory_space<vmem>>[vector<16xi32>], vector<16xf32>,
        %parallel_loop3A_389 = arith.constant 16 : i32
        %parallel_loop3A_390 = arith.muli %parallel_loop3A_202, %parallel_loop3A_389 : i32
        %parallel_loop3A_391 = arith.constant 0 : i32
        %parallel_loop3A_392 = arith.constant 13 : i32
        %parallel_loop3A_393 = arith.index_cast %parallel_loop3A_391 : i32 to index
        %parallel_loop3A_394 = arith.index_cast %parallel_loop3A_392 : i32 to index
        %parallel_loop3A_395 = arith.index_cast %parallel_loop3A_199 : i32 to index
        %parallel_loop3A_396 = arith.index_cast %parallel_loop3A_390 : i32 to index
        %parallel_loop3A_397 = tpu.vector_load %arg6[%parallel_loop3A_393, %parallel_loop3A_394, %parallel_loop3A_395, %parallel_loop3A_396] {strides = array<i32>} : memref<2x36x8x128xf32, #tpu.memory_space<vmem>>, vector<16xf32>,
        tpu.vector_store %arg6[%parallel_loop3A_393, %parallel_loop3A_394, %parallel_loop3A_395, %parallel_loop3A_396], %parallel_loop3A_388 {strides = array<i32>} : memref<2x36x8x128xf32, #tpu.memory_space<vmem>>, vector<16xf32>,
        %parallel_loop3A_398 = arith.constant 14 : i32
        %parallel_loop3A_399 = vector.broadcast %parallel_loop3A_398 : i32 to vector<16xi32>
        %parallel_loop3A_400 = arith.addi %parallel_loop3A_215, %parallel_loop3A_399 : vector<16xi32>
        %parallel_loop3A_401 = tpu.vector_load_idx %arg7[%parallel_loop3A_400] : memref<1296xf32, #tpu.memory_space<vmem>>[vector<16xi32>], vector<16xf32>,
        %parallel_loop3A_402 = arith.constant 16 : i32
        %parallel_loop3A_403 = arith.muli %parallel_loop3A_202, %parallel_loop3A_402 : i32
        %parallel_loop3A_404 = arith.constant 0 : i32
        %parallel_loop3A_405 = arith.constant 14 : i32
        %parallel_loop3A_406 = arith.index_cast %parallel_loop3A_404 : i32 to index
        %parallel_loop3A_407 = arith.index_cast %parallel_loop3A_405 : i32 to index
        %parallel_loop3A_408 = arith.index_cast %parallel_loop3A_199 : i32 to index
        %parallel_loop3A_409 = arith.index_cast %parallel_loop3A_403 : i32 to index
        %parallel_loop3A_410 = tpu.vector_load %arg6[%parallel_loop3A_406, %parallel_loop3A_407, %parallel_loop3A_408, %parallel_loop3A_409] {strides = array<i32>} : memref<2x36x8x128xf32, #tpu.memory_space<vmem>>, vector<16xf32>,
        tpu.vector_store %arg6[%parallel_loop3A_406, %parallel_loop3A_407, %parallel_loop3A_408, %parallel_loop3A_409], %parallel_loop3A_401 {strides = array<i32>} : memref<2x36x8x128xf32, #tpu.memory_space<vmem>>, vector<16xf32>,
        %parallel_loop3A_411 = arith.constant 15 : i32
        %parallel_loop3A_412 = vector.broadcast %parallel_loop3A_411 : i32 to vector<16xi32>
        %parallel_loop3A_413 = arith.addi %parallel_loop3A_215, %parallel_loop3A_412 : vector<16xi32>
        %parallel_loop3A_414 = tpu.vector_load_idx %arg7[%parallel_loop3A_413] : memref<1296xf32, #tpu.memory_space<vmem>>[vector<16xi32>], vector<16xf32>,
        %parallel_loop3A_415 = arith.constant 16 : i32
        %parallel_loop3A_416 = arith.muli %parallel_loop3A_202, %parallel_loop3A_415 : i32
        %parallel_loop3A_417 = arith.constant 0 : i32
        %parallel_loop3A_418 = arith.constant 15 : i32
        %parallel_loop3A_419 = arith.index_cast %parallel_loop3A_417 : i32 to index
        %parallel_loop3A_420 = arith.index_cast %parallel_loop3A_418 : i32 to index
        %parallel_loop3A_421 = arith.index_cast %parallel_loop3A_199 : i32 to index
        %parallel_loop3A_422 = arith.index_cast %parallel_loop3A_416 : i32 to index
        %parallel_loop3A_423 = tpu.vector_load %arg6[%parallel_loop3A_419, %parallel_loop3A_420, %parallel_loop3A_421, %parallel_loop3A_422] {strides = array<i32>} : memref<2x36x8x128xf32, #tpu.memory_space<vmem>>, vector<16xf32>,
        tpu.vector_store %arg6[%parallel_loop3A_419, %parallel_loop3A_420, %parallel_loop3A_421, %parallel_loop3A_422], %parallel_loop3A_414 {strides = array<i32>} : memref<2x36x8x128xf32, #tpu.memory_space<vmem>>, vector<16xf32>,
        %parallel_loop3A_424 = arith.constant 16 : i32
        %parallel_loop3A_425 = vector.broadcast %parallel_loop3A_424 : i32 to vector<16xi32>
        %parallel_loop3A_426 = arith.addi %parallel_loop3A_215, %parallel_loop3A_425 : vector<16xi32>
        %parallel_loop3A_427 = tpu.vector_load_idx %arg7[%parallel_loop3A_426] : memref<1296xf32, #tpu.memory_space<vmem>>[vector<16xi32>], vector<16xf32>,
        %parallel_loop3A_428 = arith.constant 16 : i32
        %parallel_loop3A_429 = arith.muli %parallel_loop3A_202, %parallel_loop3A_428 : i32
        %parallel_loop3A_430 = arith.constant 0 : i32
        %parallel_loop3A_431 = arith.constant 16 : i32
        %parallel_loop3A_432 = arith.index_cast %parallel_loop3A_430 : i32 to index
        %parallel_loop3A_433 = arith.index_cast %parallel_loop3A_431 : i32 to index
        %parallel_loop3A_434 = arith.index_cast %parallel_loop3A_199 : i32 to index
        %parallel_loop3A_435 = arith.index_cast %parallel_loop3A_429 : i32 to index
        %parallel_loop3A_436 = tpu.vector_load %arg6[%parallel_loop3A_432, %parallel_loop3A_433, %parallel_loop3A_434, %parallel_loop3A_435] {strides = array<i32>} : memref<2x36x8x128xf32, #tpu.memory_space<vmem>>, vector<16xf32>,
        tpu.vector_store %arg6[%parallel_loop3A_432, %parallel_loop3A_433, %parallel_loop3A_434, %parallel_loop3A_435], %parallel_loop3A_427 {strides = array<i32>} : memref<2x36x8x128xf32, #tpu.memory_space<vmem>>, vector<16xf32>,
        %parallel_loop3A_437 = arith.constant 17 : i32
        %parallel_loop3A_438 = vector.broadcast %parallel_loop3A_437 : i32 to vector<16xi32>
        %parallel_loop3A_439 = arith.addi %parallel_loop3A_215, %parallel_loop3A_438 : vector<16xi32>
        %parallel_loop3A_440 = tpu.vector_load_idx %arg7[%parallel_loop3A_439] : memref<1296xf32, #tpu.memory_space<vmem>>[vector<16xi32>], vector<16xf32>,
        %parallel_loop3A_441 = arith.constant 16 : i32
        %parallel_loop3A_442 = arith.muli %parallel_loop3A_202, %parallel_loop3A_441 : i32
        %parallel_loop3A_443 = arith.constant 0 : i32
        %parallel_loop3A_444 = arith.constant 17 : i32
        %parallel_loop3A_445 = arith.index_cast %parallel_loop3A_443 : i32 to index
        %parallel_loop3A_446 = arith.index_cast %parallel_loop3A_444 : i32 to index
        %parallel_loop3A_447 = arith.index_cast %parallel_loop3A_199 : i32 to index
        %parallel_loop3A_448 = arith.index_cast %parallel_loop3A_442 : i32 to index
        %parallel_loop3A_449 = tpu.vector_load %arg6[%parallel_loop3A_445, %parallel_loop3A_446, %parallel_loop3A_447, %parallel_loop3A_448] {strides = array<i32>} : memref<2x36x8x128xf32, #tpu.memory_space<vmem>>, vector<16xf32>,
        tpu.vector_store %arg6[%parallel_loop3A_445, %parallel_loop3A_446, %parallel_loop3A_447, %parallel_loop3A_448], %parallel_loop3A_440 {strides = array<i32>} : memref<2x36x8x128xf32, #tpu.memory_space<vmem>>, vector<16xf32>,
        %parallel_loop3A_450 = arith.constant 18 : i32
        %parallel_loop3A_451 = vector.broadcast %parallel_loop3A_450 : i32 to vector<16xi32>
        %parallel_loop3A_452 = arith.addi %parallel_loop3A_215, %parallel_loop3A_451 : vector<16xi32>
        %parallel_loop3A_453 = tpu.vector_load_idx %arg7[%parallel_loop3A_452] : memref<1296xf32, #tpu.memory_space<vmem>>[vector<16xi32>], vector<16xf32>,
        %parallel_loop3A_454 = arith.constant 16 : i32
        %parallel_loop3A_455 = arith.muli %parallel_loop3A_202, %parallel_loop3A_454 : i32
        %parallel_loop3A_456 = arith.constant 0 : i32
        %parallel_loop3A_457 = arith.constant 18 : i32
        %parallel_loop3A_458 = arith.index_cast %parallel_loop3A_456 : i32 to index
        %parallel_loop3A_459 = arith.index_cast %parallel_loop3A_457 : i32 to index
        %parallel_loop3A_460 = arith.index_cast %parallel_loop3A_199 : i32 to index
        %parallel_loop3A_461 = arith.index_cast %parallel_loop3A_455 : i32 to index
        %parallel_loop3A_462 = tpu.vector_load %arg6[%parallel_loop3A_458, %parallel_loop3A_459, %parallel_loop3A_460, %parallel_loop3A_461] {strides = array<i32>} : memref<2x36x8x128xf32, #tpu.memory_space<vmem>>, vector<16xf32>,
        tpu.vector_store %arg6[%parallel_loop3A_458, %parallel_loop3A_459, %parallel_loop3A_460, %parallel_loop3A_461], %parallel_loop3A_453 {strides = array<i32>} : memref<2x36x8x128xf32, #tpu.memory_space<vmem>>, vector<16xf32>,
        %parallel_loop3A_463 = arith.constant 19 : i32
        %parallel_loop3A_464 = vector.broadcast %parallel_loop3A_463 : i32 to vector<16xi32>
        %parallel_loop3A_465 = arith.addi %parallel_loop3A_215, %parallel_loop3A_464 : vector<16xi32>
        %parallel_loop3A_466 = tpu.vector_load_idx %arg7[%parallel_loop3A_465] : memref<1296xf32, #tpu.memory_space<vmem>>[vector<16xi32>], vector<16xf32>,
        %parallel_loop3A_467 = arith.constant 16 : i32
        %parallel_loop3A_468 = arith.muli %parallel_loop3A_202, %parallel_loop3A_467 : i32
        %parallel_loop3A_469 = arith.constant 0 : i32
        %parallel_loop3A_470 = arith.constant 19 : i32
        %parallel_loop3A_471 = arith.index_cast %parallel_loop3A_469 : i32 to index
        %parallel_loop3A_472 = arith.index_cast %parallel_loop3A_470 : i32 to index
        %parallel_loop3A_473 = arith.index_cast %parallel_loop3A_199 : i32 to index
        %parallel_loop3A_474 = arith.index_cast %parallel_loop3A_468 : i32 to index
        %parallel_loop3A_475 = tpu.vector_load %arg6[%parallel_loop3A_471, %parallel_loop3A_472, %parallel_loop3A_473, %parallel_loop3A_474] {strides = array<i32>} : memref<2x36x8x128xf32, #tpu.memory_space<vmem>>, vector<16xf32>,
        tpu.vector_store %arg6[%parallel_loop3A_471, %parallel_loop3A_472, %parallel_loop3A_473, %parallel_loop3A_474], %parallel_loop3A_466 {strides = array<i32>} : memref<2x36x8x128xf32, #tpu.memory_space<vmem>>, vector<16xf32>,
        %parallel_loop3A_476 = arith.constant 20 : i32
        %parallel_loop3A_477 = vector.broadcast %parallel_loop3A_476 : i32 to vector<16xi32>
        %parallel_loop3A_478 = arith.addi %parallel_loop3A_215, %parallel_loop3A_477 : vector<16xi32>
        %parallel_loop3A_479 = tpu.vector_load_idx %arg7[%parallel_loop3A_478] : memref<1296xf32, #tpu.memory_space<vmem>>[vector<16xi32>], vector<16xf32>,
        %parallel_loop3A_480 = arith.constant 16 : i32
        %parallel_loop3A_481 = arith.muli %parallel_loop3A_202, %parallel_loop3A_480 : i32
        %parallel_loop3A_482 = arith.constant 0 : i32
        %parallel_loop3A_483 = arith.constant 20 : i32
        %parallel_loop3A_484 = arith.index_cast %parallel_loop3A_482 : i32 to index
        %parallel_loop3A_485 = arith.index_cast %parallel_loop3A_483 : i32 to index
        %parallel_loop3A_486 = arith.index_cast %parallel_loop3A_199 : i32 to index
        %parallel_loop3A_487 = arith.index_cast %parallel_loop3A_481 : i32 to index
        %parallel_loop3A_488 = tpu.vector_load %arg6[%parallel_loop3A_484, %parallel_loop3A_485, %parallel_loop3A_486, %parallel_loop3A_487] {strides = array<i32>} : memref<2x36x8x128xf32, #tpu.memory_space<vmem>>, vector<16xf32>,
        tpu.vector_store %arg6[%parallel_loop3A_484, %parallel_loop3A_485, %parallel_loop3A_486, %parallel_loop3A_487], %parallel_loop3A_479 {strides = array<i32>} : memref<2x36x8x128xf32, #tpu.memory_space<vmem>>, vector<16xf32>,
        %parallel_loop3A_489 = arith.constant 21 : i32
        %parallel_loop3A_490 = vector.broadcast %parallel_loop3A_489 : i32 to vector<16xi32>
        %parallel_loop3A_491 = arith.addi %parallel_loop3A_215, %parallel_loop3A_490 : vector<16xi32>
        %parallel_loop3A_492 = tpu.vector_load_idx %arg7[%parallel_loop3A_491] : memref<1296xf32, #tpu.memory_space<vmem>>[vector<16xi32>], vector<16xf32>,
        %parallel_loop3A_493 = arith.constant 16 : i32
        %parallel_loop3A_494 = arith.muli %parallel_loop3A_202, %parallel_loop3A_493 : i32
        %parallel_loop3A_495 = arith.constant 0 : i32
        %parallel_loop3A_496 = arith.constant 21 : i32
        %parallel_loop3A_497 = arith.index_cast %parallel_loop3A_495 : i32 to index
        %parallel_loop3A_498 = arith.index_cast %parallel_loop3A_496 : i32 to index
        %parallel_loop3A_499 = arith.index_cast %parallel_loop3A_199 : i32 to index
        %parallel_loop3A_500 = arith.index_cast %parallel_loop3A_494 : i32 to index
        %parallel_loop3A_501 = tpu.vector_load %arg6[%parallel_loop3A_497, %parallel_loop3A_498, %parallel_loop3A_499, %parallel_loop3A_500] {strides = array<i32>} : memref<2x36x8x128xf32, #tpu.memory_space<vmem>>, vector<16xf32>,
        tpu.vector_store %arg6[%parallel_loop3A_497, %parallel_loop3A_498, %parallel_loop3A_499, %parallel_loop3A_500], %parallel_loop3A_492 {strides = array<i32>} : memref<2x36x8x128xf32, #tpu.memory_space<vmem>>, vector<16xf32>,
        %parallel_loop3A_502 = arith.constant 22 : i32
        %parallel_loop3A_503 = vector.broadcast %parallel_loop3A_502 : i32 to vector<16xi32>
        %parallel_loop3A_504 = arith.addi %parallel_loop3A_215, %parallel_loop3A_503 : vector<16xi32>
        %parallel_loop3A_505 = tpu.vector_load_idx %arg7[%parallel_loop3A_504] : memref<1296xf32, #tpu.memory_space<vmem>>[vector<16xi32>], vector<16xf32>,
        %parallel_loop3A_506 = arith.constant 16 : i32
        %parallel_loop3A_507 = arith.muli %parallel_loop3A_202, %parallel_loop3A_506 : i32
        %parallel_loop3A_508 = arith.constant 0 : i32
        %parallel_loop3A_509 = arith.constant 22 : i32
        %parallel_loop3A_510 = arith.index_cast %parallel_loop3A_508 : i32 to index
        %parallel_loop3A_511 = arith.index_cast %parallel_loop3A_509 : i32 to index
        %parallel_loop3A_512 = arith.index_cast %parallel_loop3A_199 : i32 to index
        %parallel_loop3A_513 = arith.index_cast %parallel_loop3A_507 : i32 to index
        %parallel_loop3A_514 = tpu.vector_load %arg6[%parallel_loop3A_510, %parallel_loop3A_511, %parallel_loop3A_512, %parallel_loop3A_513] {strides = array<i32>} : memref<2x36x8x128xf32, #tpu.memory_space<vmem>>, vector<16xf32>,
        tpu.vector_store %arg6[%parallel_loop3A_510, %parallel_loop3A_511, %parallel_loop3A_512, %parallel_loop3A_513], %parallel_loop3A_505 {strides = array<i32>} : memref<2x36x8x128xf32, #tpu.memory_space<vmem>>, vector<16xf32>,
        %parallel_loop3A_515 = arith.constant 23 : i32
        %parallel_loop3A_516 = vector.broadcast %parallel_loop3A_515 : i32 to vector<16xi32>
        %parallel_loop3A_517 = arith.addi %parallel_loop3A_215, %parallel_loop3A_516 : vector<16xi32>
        %parallel_loop3A_518 = tpu.vector_load_idx %arg7[%parallel_loop3A_517] : memref<1296xf32, #tpu.memory_space<vmem>>[vector<16xi32>], vector<16xf32>,
        %parallel_loop3A_519 = arith.constant 16 : i32
        %parallel_loop3A_520 = arith.muli %parallel_loop3A_202, %parallel_loop3A_519 : i32
        %parallel_loop3A_521 = arith.constant 0 : i32
        %parallel_loop3A_522 = arith.constant 23 : i32
        %parallel_loop3A_523 = arith.index_cast %parallel_loop3A_521 : i32 to index
        %parallel_loop3A_524 = arith.index_cast %parallel_loop3A_522 : i32 to index
        %parallel_loop3A_525 = arith.index_cast %parallel_loop3A_199 : i32 to index
        %parallel_loop3A_526 = arith.index_cast %parallel_loop3A_520 : i32 to index
        %parallel_loop3A_527 = tpu.vector_load %arg6[%parallel_loop3A_523, %parallel_loop3A_524, %parallel_loop3A_525, %parallel_loop3A_526] {strides = array<i32>} : memref<2x36x8x128xf32, #tpu.memory_space<vmem>>, vector<16xf32>,
        tpu.vector_store %arg6[%parallel_loop3A_523, %parallel_loop3A_524, %parallel_loop3A_525, %parallel_loop3A_526], %parallel_loop3A_518 {strides = array<i32>} : memref<2x36x8x128xf32, #tpu.memory_space<vmem>>, vector<16xf32>,
        %parallel_loop3A_528 = arith.constant 24 : i32
        %parallel_loop3A_529 = vector.broadcast %parallel_loop3A_528 : i32 to vector<16xi32>
        %parallel_loop3A_530 = arith.addi %parallel_loop3A_215, %parallel_loop3A_529 : vector<16xi32>
        %parallel_loop3A_531 = tpu.vector_load_idx %arg7[%parallel_loop3A_530] : memref<1296xf32, #tpu.memory_space<vmem>>[vector<16xi32>], vector<16xf32>,
        %parallel_loop3A_532 = arith.constant 16 : i32
        %parallel_loop3A_533 = arith.muli %parallel_loop3A_202, %parallel_loop3A_532 : i32
        %parallel_loop3A_534 = arith.constant 0 : i32
        %parallel_loop3A_535 = arith.constant 24 : i32
        %parallel_loop3A_536 = arith.index_cast %parallel_loop3A_534 : i32 to index
        %parallel_loop3A_537 = arith.index_cast %parallel_loop3A_535 : i32 to index
        %parallel_loop3A_538 = arith.index_cast %parallel_loop3A_199 : i32 to index
        %parallel_loop3A_539 = arith.index_cast %parallel_loop3A_533 : i32 to index
        %parallel_loop3A_540 = tpu.vector_load %arg6[%parallel_loop3A_536, %parallel_loop3A_537, %parallel_loop3A_538, %parallel_loop3A_539] {strides = array<i32>} : memref<2x36x8x128xf32, #tpu.memory_space<vmem>>, vector<16xf32>,
        tpu.vector_store %arg6[%parallel_loop3A_536, %parallel_loop3A_537, %parallel_loop3A_538, %parallel_loop3A_539], %parallel_loop3A_531 {strides = array<i32>} : memref<2x36x8x128xf32, #tpu.memory_space<vmem>>, vector<16xf32>,
        %parallel_loop3A_541 = arith.constant 25 : i32
        %parallel_loop3A_542 = vector.broadcast %parallel_loop3A_541 : i32 to vector<16xi32>
        %parallel_loop3A_543 = arith.addi %parallel_loop3A_215, %parallel_loop3A_542 : vector<16xi32>
        %parallel_loop3A_544 = tpu.vector_load_idx %arg7[%parallel_loop3A_543] : memref<1296xf32, #tpu.memory_space<vmem>>[vector<16xi32>], vector<16xf32>,
        %parallel_loop3A_545 = arith.constant 16 : i32
        %parallel_loop3A_546 = arith.muli %parallel_loop3A_202, %parallel_loop3A_545 : i32
        %parallel_loop3A_547 = arith.constant 0 : i32
        %parallel_loop3A_548 = arith.constant 25 : i32
        %parallel_loop3A_549 = arith.index_cast %parallel_loop3A_547 : i32 to index
        %parallel_loop3A_550 = arith.index_cast %parallel_loop3A_548 : i32 to index
        %parallel_loop3A_551 = arith.index_cast %parallel_loop3A_199 : i32 to index
        %parallel_loop3A_552 = arith.index_cast %parallel_loop3A_546 : i32 to index
        %parallel_loop3A_553 = tpu.vector_load %arg6[%parallel_loop3A_549, %parallel_loop3A_550, %parallel_loop3A_551, %parallel_loop3A_552] {strides = array<i32>} : memref<2x36x8x128xf32, #tpu.memory_space<vmem>>, vector<16xf32>,
        tpu.vector_store %arg6[%parallel_loop3A_549, %parallel_loop3A_550, %parallel_loop3A_551, %parallel_loop3A_552], %parallel_loop3A_544 {strides = array<i32>} : memref<2x36x8x128xf32, #tpu.memory_space<vmem>>, vector<16xf32>,
        %parallel_loop3A_554 = arith.constant 26 : i32
        %parallel_loop3A_555 = vector.broadcast %parallel_loop3A_554 : i32 to vector<16xi32>
        %parallel_loop3A_556 = arith.addi %parallel_loop3A_215, %parallel_loop3A_555 : vector<16xi32>
        %parallel_loop3A_557 = tpu.vector_load_idx %arg7[%parallel_loop3A_556] : memref<1296xf32, #tpu.memory_space<vmem>>[vector<16xi32>], vector<16xf32>,
        %parallel_loop3A_558 = arith.constant 16 : i32
        %parallel_loop3A_559 = arith.muli %parallel_loop3A_202, %parallel_loop3A_558 : i32
        %parallel_loop3A_560 = arith.constant 0 : i32
        %parallel_loop3A_561 = arith.constant 26 : i32
        %parallel_loop3A_562 = arith.index_cast %parallel_loop3A_560 : i32 to index
        %parallel_loop3A_563 = arith.index_cast %parallel_loop3A_561 : i32 to index
        %parallel_loop3A_564 = arith.index_cast %parallel_loop3A_199 : i32 to index
        %parallel_loop3A_565 = arith.index_cast %parallel_loop3A_559 : i32 to index
        %parallel_loop3A_566 = tpu.vector_load %arg6[%parallel_loop3A_562, %parallel_loop3A_563, %parallel_loop3A_564, %parallel_loop3A_565] {strides = array<i32>} : memref<2x36x8x128xf32, #tpu.memory_space<vmem>>, vector<16xf32>,
        tpu.vector_store %arg6[%parallel_loop3A_562, %parallel_loop3A_563, %parallel_loop3A_564, %parallel_loop3A_565], %parallel_loop3A_557 {strides = array<i32>} : memref<2x36x8x128xf32, #tpu.memory_space<vmem>>, vector<16xf32>,
        %parallel_loop3A_567 = arith.constant 27 : i32
        %parallel_loop3A_568 = vector.broadcast %parallel_loop3A_567 : i32 to vector<16xi32>
        %parallel_loop3A_569 = arith.addi %parallel_loop3A_215, %parallel_loop3A_568 : vector<16xi32>
        %parallel_loop3A_570 = tpu.vector_load_idx %arg7[%parallel_loop3A_569] : memref<1296xf32, #tpu.memory_space<vmem>>[vector<16xi32>], vector<16xf32>,
        %parallel_loop3A_571 = arith.constant 16 : i32
        %parallel_loop3A_572 = arith.muli %parallel_loop3A_202, %parallel_loop3A_571 : i32
        %parallel_loop3A_573 = arith.constant 0 : i32
        %parallel_loop3A_574 = arith.constant 27 : i32
        %parallel_loop3A_575 = arith.index_cast %parallel_loop3A_573 : i32 to index
        %parallel_loop3A_576 = arith.index_cast %parallel_loop3A_574 : i32 to index
        %parallel_loop3A_577 = arith.index_cast %parallel_loop3A_199 : i32 to index
        %parallel_loop3A_578 = arith.index_cast %parallel_loop3A_572 : i32 to index
        %parallel_loop3A_579 = tpu.vector_load %arg6[%parallel_loop3A_575, %parallel_loop3A_576, %parallel_loop3A_577, %parallel_loop3A_578] {strides = array<i32>} : memref<2x36x8x128xf32, #tpu.memory_space<vmem>>, vector<16xf32>,
        tpu.vector_store %arg6[%parallel_loop3A_575, %parallel_loop3A_576, %parallel_loop3A_577, %parallel_loop3A_578], %parallel_loop3A_570 {strides = array<i32>} : memref<2x36x8x128xf32, #tpu.memory_space<vmem>>, vector<16xf32>,
        %parallel_loop3A_580 = arith.constant 28 : i32
        %parallel_loop3A_581 = vector.broadcast %parallel_loop3A_580 : i32 to vector<16xi32>
        %parallel_loop3A_582 = arith.addi %parallel_loop3A_215, %parallel_loop3A_581 : vector<16xi32>
        %parallel_loop3A_583 = tpu.vector_load_idx %arg7[%parallel_loop3A_582] : memref<1296xf32, #tpu.memory_space<vmem>>[vector<16xi32>], vector<16xf32>,
        %parallel_loop3A_584 = arith.constant 16 : i32
        %parallel_loop3A_585 = arith.muli %parallel_loop3A_202, %parallel_loop3A_584 : i32
        %parallel_loop3A_586 = arith.constant 0 : i32
        %parallel_loop3A_587 = arith.constant 28 : i32
        %parallel_loop3A_588 = arith.index_cast %parallel_loop3A_586 : i32 to index
        %parallel_loop3A_589 = arith.index_cast %parallel_loop3A_587 : i32 to index
        %parallel_loop3A_590 = arith.index_cast %parallel_loop3A_199 : i32 to index
        %parallel_loop3A_591 = arith.index_cast %parallel_loop3A_585 : i32 to index
        %parallel_loop3A_592 = tpu.vector_load %arg6[%parallel_loop3A_588, %parallel_loop3A_589, %parallel_loop3A_590, %parallel_loop3A_591] {strides = array<i32>} : memref<2x36x8x128xf32, #tpu.memory_space<vmem>>, vector<16xf32>,
        tpu.vector_store %arg6[%parallel_loop3A_588, %parallel_loop3A_589, %parallel_loop3A_590, %parallel_loop3A_591], %parallel_loop3A_583 {strides = array<i32>} : memref<2x36x8x128xf32, #tpu.memory_space<vmem>>, vector<16xf32>,
        %parallel_loop3A_593 = arith.constant 29 : i32
        %parallel_loop3A_594 = vector.broadcast %parallel_loop3A_593 : i32 to vector<16xi32>
        %parallel_loop3A_595 = arith.addi %parallel_loop3A_215, %parallel_loop3A_594 : vector<16xi32>
        %parallel_loop3A_596 = tpu.vector_load_idx %arg7[%parallel_loop3A_595] : memref<1296xf32, #tpu.memory_space<vmem>>[vector<16xi32>], vector<16xf32>,
        %parallel_loop3A_597 = arith.constant 16 : i32
        %parallel_loop3A_598 = arith.muli %parallel_loop3A_202, %parallel_loop3A_597 : i32
        %parallel_loop3A_599 = arith.constant 0 : i32
        %parallel_loop3A_600 = arith.constant 29 : i32
        %parallel_loop3A_601 = arith.index_cast %parallel_loop3A_599 : i32 to index
        %parallel_loop3A_602 = arith.index_cast %parallel_loop3A_600 : i32 to index
        %parallel_loop3A_603 = arith.index_cast %parallel_loop3A_199 : i32 to index
        %parallel_loop3A_604 = arith.index_cast %parallel_loop3A_598 : i32 to index
        %parallel_loop3A_605 = tpu.vector_load %arg6[%parallel_loop3A_601, %parallel_loop3A_602, %parallel_loop3A_603, %parallel_loop3A_604] {strides = array<i32>} : memref<2x36x8x128xf32, #tpu.memory_space<vmem>>, vector<16xf32>,
        tpu.vector_store %arg6[%parallel_loop3A_601, %parallel_loop3A_602, %parallel_loop3A_603, %parallel_loop3A_604], %parallel_loop3A_596 {strides = array<i32>} : memref<2x36x8x128xf32, #tpu.memory_space<vmem>>, vector<16xf32>,
        %parallel_loop3A_606 = arith.constant 30 : i32
        %parallel_loop3A_607 = vector.broadcast %parallel_loop3A_606 : i32 to vector<16xi32>
        %parallel_loop3A_608 = arith.addi %parallel_loop3A_215, %parallel_loop3A_607 : vector<16xi32>
        %parallel_loop3A_609 = tpu.vector_load_idx %arg7[%parallel_loop3A_608] : memref<1296xf32, #tpu.memory_space<vmem>>[vector<16xi32>], vector<16xf32>,
        %parallel_loop3A_610 = arith.constant 16 : i32
        %parallel_loop3A_611 = arith.muli %parallel_loop3A_202, %parallel_loop3A_610 : i32
        %parallel_loop3A_612 = arith.constant 0 : i32
        %parallel_loop3A_613 = arith.constant 30 : i32
        %parallel_loop3A_614 = arith.index_cast %parallel_loop3A_612 : i32 to index
        %parallel_loop3A_615 = arith.index_cast %parallel_loop3A_613 : i32 to index
        %parallel_loop3A_616 = arith.index_cast %parallel_loop3A_199 : i32 to index
        %parallel_loop3A_617 = arith.index_cast %parallel_loop3A_611 : i32 to index
        %parallel_loop3A_618 = tpu.vector_load %arg6[%parallel_loop3A_614, %parallel_loop3A_615, %parallel_loop3A_616, %parallel_loop3A_617] {strides = array<i32>} : memref<2x36x8x128xf32, #tpu.memory_space<vmem>>, vector<16xf32>,
        tpu.vector_store %arg6[%parallel_loop3A_614, %parallel_loop3A_615, %parallel_loop3A_616, %parallel_loop3A_617], %parallel_loop3A_609 {strides = array<i32>} : memref<2x36x8x128xf32, #tpu.memory_space<vmem>>, vector<16xf32>,
        %parallel_loop3A_619 = arith.constant 31 : i32
        %parallel_loop3A_620 = vector.broadcast %parallel_loop3A_619 : i32 to vector<16xi32>
        %parallel_loop3A_621 = arith.addi %parallel_loop3A_215, %parallel_loop3A_620 : vector<16xi32>
        %parallel_loop3A_622 = tpu.vector_load_idx %arg7[%parallel_loop3A_621] : memref<1296xf32, #tpu.memory_space<vmem>>[vector<16xi32>], vector<16xf32>,
        %parallel_loop3A_623 = arith.constant 16 : i32
        %parallel_loop3A_624 = arith.muli %parallel_loop3A_202, %parallel_loop3A_623 : i32
        %parallel_loop3A_625 = arith.constant 0 : i32
        %parallel_loop3A_626 = arith.constant 31 : i32
        %parallel_loop3A_627 = arith.index_cast %parallel_loop3A_625 : i32 to index
        %parallel_loop3A_628 = arith.index_cast %parallel_loop3A_626 : i32 to index
        %parallel_loop3A_629 = arith.index_cast %parallel_loop3A_199 : i32 to index
        %parallel_loop3A_630 = arith.index_cast %parallel_loop3A_624 : i32 to index
        %parallel_loop3A_631 = tpu.vector_load %arg6[%parallel_loop3A_627, %parallel_loop3A_628, %parallel_loop3A_629, %parallel_loop3A_630] {strides = array<i32>} : memref<2x36x8x128xf32, #tpu.memory_space<vmem>>, vector<16xf32>,
        tpu.vector_store %arg6[%parallel_loop3A_627, %parallel_loop3A_628, %parallel_loop3A_629, %parallel_loop3A_630], %parallel_loop3A_622 {strides = array<i32>} : memref<2x36x8x128xf32, #tpu.memory_space<vmem>>, vector<16xf32>,
        %parallel_loop3A_632 = arith.constant 32 : i32
        %parallel_loop3A_633 = vector.broadcast %parallel_loop3A_632 : i32 to vector<16xi32>
        %parallel_loop3A_634 = arith.addi %parallel_loop3A_215, %parallel_loop3A_633 : vector<16xi32>
        %parallel_loop3A_635 = tpu.vector_load_idx %arg7[%parallel_loop3A_634] : memref<1296xf32, #tpu.memory_space<vmem>>[vector<16xi32>], vector<16xf32>,
        %parallel_loop3A_636 = arith.constant 16 : i32
        %parallel_loop3A_637 = arith.muli %parallel_loop3A_202, %parallel_loop3A_636 : i32
        %parallel_loop3A_638 = arith.constant 0 : i32
        %parallel_loop3A_639 = arith.constant 32 : i32
        %parallel_loop3A_640 = arith.index_cast %parallel_loop3A_638 : i32 to index
        %parallel_loop3A_641 = arith.index_cast %parallel_loop3A_639 : i32 to index
        %parallel_loop3A_642 = arith.index_cast %parallel_loop3A_199 : i32 to index
        %parallel_loop3A_643 = arith.index_cast %parallel_loop3A_637 : i32 to index
        %parallel_loop3A_644 = tpu.vector_load %arg6[%parallel_loop3A_640, %parallel_loop3A_641, %parallel_loop3A_642, %parallel_loop3A_643] {strides = array<i32>} : memref<2x36x8x128xf32, #tpu.memory_space<vmem>>, vector<16xf32>,
        tpu.vector_store %arg6[%parallel_loop3A_640, %parallel_loop3A_641, %parallel_loop3A_642, %parallel_loop3A_643], %parallel_loop3A_635 {strides = array<i32>} : memref<2x36x8x128xf32, #tpu.memory_space<vmem>>, vector<16xf32>,
        %parallel_loop3A_645 = arith.constant 33 : i32
        %parallel_loop3A_646 = vector.broadcast %parallel_loop3A_645 : i32 to vector<16xi32>
        %parallel_loop3A_647 = arith.addi %parallel_loop3A_215, %parallel_loop3A_646 : vector<16xi32>
        %parallel_loop3A_648 = tpu.vector_load_idx %arg7[%parallel_loop3A_647] : memref<1296xf32, #tpu.memory_space<vmem>>[vector<16xi32>], vector<16xf32>,
        %parallel_loop3A_649 = arith.constant 16 : i32
        %parallel_loop3A_650 = arith.muli %parallel_loop3A_202, %parallel_loop3A_649 : i32
        %parallel_loop3A_651 = arith.constant 0 : i32
        %parallel_loop3A_652 = arith.constant 33 : i32
        %parallel_loop3A_653 = arith.index_cast %parallel_loop3A_651 : i32 to index
        %parallel_loop3A_654 = arith.index_cast %parallel_loop3A_652 : i32 to index
        %parallel_loop3A_655 = arith.index_cast %parallel_loop3A_199 : i32 to index
        %parallel_loop3A_656 = arith.index_cast %parallel_loop3A_650 : i32 to index
        %parallel_loop3A_657 = tpu.vector_load %arg6[%parallel_loop3A_653, %parallel_loop3A_654, %parallel_loop3A_655, %parallel_loop3A_656] {strides = array<i32>} : memref<2x36x8x128xf32, #tpu.memory_space<vmem>>, vector<16xf32>,
        tpu.vector_store %arg6[%parallel_loop3A_653, %parallel_loop3A_654, %parallel_loop3A_655, %parallel_loop3A_656], %parallel_loop3A_648 {strides = array<i32>} : memref<2x36x8x128xf32, #tpu.memory_space<vmem>>, vector<16xf32>,
        %parallel_loop3A_658 = arith.constant 34 : i32
        %parallel_loop3A_659 = vector.broadcast %parallel_loop3A_658 : i32 to vector<16xi32>
        %parallel_loop3A_660 = arith.addi %parallel_loop3A_215, %parallel_loop3A_659 : vector<16xi32>
        %parallel_loop3A_661 = tpu.vector_load_idx %arg7[%parallel_loop3A_660] : memref<1296xf32, #tpu.memory_space<vmem>>[vector<16xi32>], vector<16xf32>,
        %parallel_loop3A_662 = arith.constant 16 : i32
        %parallel_loop3A_663 = arith.muli %parallel_loop3A_202, %parallel_loop3A_662 : i32
        %parallel_loop3A_664 = arith.constant 0 : i32
        %parallel_loop3A_665 = arith.constant 34 : i32
        %parallel_loop3A_666 = arith.index_cast %parallel_loop3A_664 : i32 to index
        %parallel_loop3A_667 = arith.index_cast %parallel_loop3A_665 : i32 to index
        %parallel_loop3A_668 = arith.index_cast %parallel_loop3A_199 : i32 to index
        %parallel_loop3A_669 = arith.index_cast %parallel_loop3A_663 : i32 to index
        %parallel_loop3A_670 = tpu.vector_load %arg6[%parallel_loop3A_666, %parallel_loop3A_667, %parallel_loop3A_668, %parallel_loop3A_669] {strides = array<i32>} : memref<2x36x8x128xf32, #tpu.memory_space<vmem>>, vector<16xf32>,
        tpu.vector_store %arg6[%parallel_loop3A_666, %parallel_loop3A_667, %parallel_loop3A_668, %parallel_loop3A_669], %parallel_loop3A_661 {strides = array<i32>} : memref<2x36x8x128xf32, #tpu.memory_space<vmem>>, vector<16xf32>,
        %parallel_loop3A_671 = arith.constant 35 : i32
        %parallel_loop3A_672 = vector.broadcast %parallel_loop3A_671 : i32 to vector<16xi32>
        %parallel_loop3A_673 = arith.addi %parallel_loop3A_215, %parallel_loop3A_672 : vector<16xi32>
        %parallel_loop3A_674 = tpu.vector_load_idx %arg7[%parallel_loop3A_673] : memref<1296xf32, #tpu.memory_space<vmem>>[vector<16xi32>], vector<16xf32>,
        %parallel_loop3A_675 = arith.constant 16 : i32
        %parallel_loop3A_676 = arith.muli %parallel_loop3A_202, %parallel_loop3A_675 : i32
        %parallel_loop3A_677 = arith.constant 0 : i32
        %parallel_loop3A_678 = arith.constant 35 : i32
        %parallel_loop3A_679 = arith.index_cast %parallel_loop3A_677 : i32 to index
        %parallel_loop3A_680 = arith.index_cast %parallel_loop3A_678 : i32 to index
        %parallel_loop3A_681 = arith.index_cast %parallel_loop3A_199 : i32 to index
        %parallel_loop3A_682 = arith.index_cast %parallel_loop3A_676 : i32 to index
        %parallel_loop3A_683 = tpu.vector_load %arg6[%parallel_loop3A_679, %parallel_loop3A_680, %parallel_loop3A_681, %parallel_loop3A_682] {strides = array<i32>} : memref<2x36x8x128xf32, #tpu.memory_space<vmem>>, vector<16xf32>,
        tpu.vector_store %arg6[%parallel_loop3A_679, %parallel_loop3A_680, %parallel_loop3A_681, %parallel_loop3A_682], %parallel_loop3A_674 {strides = array<i32>} : memref<2x36x8x128xf32, #tpu.memory_space<vmem>>, vector<16xf32>,
      } {sc.loop_unroll_factor = 1 : i64, sc.parallel_access}
      %dma_start3A = arith.constant 0 : i32
      %dma_start3A_87 = arith.constant 0 : i32
      %dma_start3A_88 = arith.constant 0 : i32
      %dma_start3A_89 = arith.constant 0 : i32
      %dma_start3A_90 = tpu.memref_slice %arg6[%dma_start3A, %dma_start3A_87, %dma_start3A_88, %dma_start3A_89] : memref<2x36x8x128xf32, #tpu.memory_space<vmem>> -> memref<1x36x8x128xf32, #tpu.memory_space<vmem>>
      %dma_start3A_91 = tpu.memref_squeeze %dma_start3A_90 : memref<1x36x8x128xf32, #tpu.memory_space<vmem>> -> memref<36x8x128xf32, #tpu.memory_space<vmem>>
      %dma_start3A_92 = arith.constant 0 : i32
      %dma_start3A_93 = arith.constant 0 : i32
      %dma_start3A_94 = arith.constant 0 : i32
      %dma_start3A_95 = tpu.memref_slice %arg4[%dma_start3A_92, %sub3A_75, %add3A_78, %dma_start3A_93, %dma_start3A_94] : memref<36x25x128x8x128xf32, #tpu.memory_space<hbm>> -> memref<36x1x1x8x128xf32, #tpu.memory_space<hbm>>
      %dma_start3A_96 = tpu.memref_squeeze %dma_start3A_95 : memref<36x1x1x8x128xf32, #tpu.memory_space<hbm>> -> memref<36x8x128xf32, #tpu.memory_space<hbm>>
      %dma_start3A_97 = arith.constant 0 : i32
      %dma_start3A_98 = arith.constant 0 : i32
      %dma_start3A_99 = arith.constant 0 : i32
      %dma_start3A_100 = tpu.memref_slice %arg4[%dma_start3A_97, %sub3A_75, %add3A_78, %dma_start3A_98, %dma_start3A_99] : memref<36x25x128x8x128xf32, #tpu.memory_space<hbm>> -> memref<36x1x1x8x128xf32, #tpu.memory_space<hbm>>
      %dma_start3A_101 = tpu.memref_squeeze %dma_start3A_100 : memref<36x1x1x8x128xf32, #tpu.memory_space<hbm>> -> memref<36x8x128xf32, #tpu.memory_space<hbm>>
      %dma_start3A_102 = arith.constant 0 : i32
      %dma_start3A_103 = arith.constant 0 : i32
      %dma_start3A_104 = arith.constant 0 : i32
      %dma_start3A_105 = tpu.memref_slice %arg6[%dma_start3A, %dma_start3A_102, %dma_start3A_103, %dma_start3A_104] : memref<2x36x8x128xf32, #tpu.memory_space<vmem>> -> memref<1x36x8x128xf32, #tpu.memory_space<vmem>>
      %dma_start3A_106 = tpu.memref_squeeze %dma_start3A_105 : memref<1x36x8x128xf32, #tpu.memory_space<vmem>> -> memref<36x8x128xf32, #tpu.memory_space<vmem>>
      tpu.enqueue_dma source(%dma_start3A_106 : memref<36x8x128xf32, #tpu.memory_space<vmem>>) target(%dma_start3A_101 : memref<36x8x128xf32, #tpu.memory_space<hbm>>) target_semaphore(%arg8 : memref<!tpu.dma_semaphore, #tpu.memory_space<semaphore_mem>>)
      %mul3A_107 = arith.constant 2 : i32
      %mul3A_108 = arith.muli %scan3A_54, %mul3A_107 : i32
      %add3A_109 = arith.constant 1 : i32
      %add3A_110 = arith.addi %mul3A_108, %add3A_109 : i32
      %jit3A_111 = arith.constant 25 : i32
      %div3A_112 = arith.divsi %add3A_110, %jit3A_111 : i32
      %sign3A_113 = arith.constant 0 : i32
      %sign3A_114 = arith.cmpi sgt, %add3A_110, %sign3A_113 : i32
      %sign3A_115 = arith.extui %sign3A_114 : i1 to i32
      %sign3A_116 = arith.constant 0 : i32
      %sign3A_117 = arith.cmpi slt, %add3A_110, %sign3A_116 : i32
      %sign3A_118 = arith.extui %sign3A_117 : i1 to i32
      %sign3A_119 = arith.subi %sign3A_115, %sign3A_118 : i32
      %sign3A_120 = arith.constant 0 : i32
      %sign3A_121 = arith.cmpi sgt, %jit3A_111, %sign3A_120 : i32
      %sign3A_122 = arith.extui %sign3A_121 : i1 to i32
      %sign3A_123 = arith.constant 0 : i32
      %sign3A_124 = arith.cmpi slt, %jit3A_111, %sign3A_123 : i32
      %sign3A_125 = arith.extui %sign3A_124 : i1 to i32
      %sign3A_126 = arith.subi %sign3A_122, %sign3A_125 : i32
      %ne3A_127 = arith.cmpi ne, %sign3A_119, %sign3A_126 : i32
      %rem3A_128 = arith.remsi %add3A_110, %jit3A_111 : i32
      %ne3A_129 = arith.constant 0 : i32
      %ne3A_130 = arith.cmpi ne, %rem3A_128, %ne3A_129 : i32
      %and3A_131 = arith.andi %ne3A_127, %ne3A_130 : i1
      %sub3A_132 = arith.constant 1 : i32
      %sub3A_133 = arith.subi %div3A_112, %sub3A_132 : i32
      %select_n3A_134 = arith.select %and3A_131, %sub3A_133, %div3A_112 : i32
      %mul3A_135 = arith.constant 25 : i32
      %mul3A_136 = arith.muli %select_n3A_134, %mul3A_135 : i32
      %sub3A_137 = arith.subi %add3A_110, %mul3A_136 : i32
      %mul3A_138 = arith.constant 4 : i32
      %mul3A_139 = arith.muli %add3A, %mul3A_138 : i32
      %add3A_140 = arith.addi %mul3A_139, %select_n3A_134 : i32
      %eq3A_141 = arith.constant 0 : i32
      %eq3A_142 = arith.cmpi eq, %sub3A_137, %eq3A_141 : i32
      %convert_element_type3A_143 = arith.extui %eq3A_142 : i1 to i32
      %cond3A_144 = arith.constant 0 : i32
      %cond3A_145 = arith.cmpi ne, %convert_element_type3A_143, %cond3A_144 : i32
      scf.if %cond3A_145 {
        %mul3A_175 = arith.constant 128 : i32
        %mul3A_176 = arith.muli %add3A_140, %mul3A_175 : i32
        "tpu.region"() ({
          %run_scoped3A = tpu.sem_alloc : memref<!tpu.dma_semaphore, #tpu.memory_space<semaphore_mem>>
          %dma_start3A_177 = arith.constant 0 : i32
          %dma_start3A_178 = tpu.memref_slice %arg2[%mul3A_176, %dma_start3A_177] : memref<16384x200xi32, #tpu.memory_space<hbm>> -> memref<128x200xi32, #tpu.memory_space<hbm>>
          %dma_start3A_179 = arith.constant 0 : i32
          %dma_start3A_180 = tpu.memref_slice %arg2[%mul3A_176, %dma_start3A_179] : memref<16384x200xi32, #tpu.memory_space<hbm>> -> memref<128x200xi32, #tpu.memory_space<hbm>>
          tpu.enqueue_dma source(%dma_start3A_180 : memref<128x200xi32, #tpu.memory_space<hbm>>) target(%arg5 : memref<128x200xi32, #tpu.memory_space<vmem>>) target_semaphore(%run_scoped3A : memref<!tpu.dma_semaphore, #tpu.memory_space<semaphore_mem>>)
          %dma_wait3A_181 = arith.constant 0 : i32
          %dma_wait3A_182 = tpu.memref_slice %arg2[%mul3A_176, %dma_wait3A_181] : memref<16384x200xi32, #tpu.memory_space<hbm>> -> memref<128x200xi32, #tpu.memory_space<hbm>>
          %dma_wait3A_183 = arith.constant 0 : i32
          %dma_wait3A_184 = tpu.memref_slice %arg2[%mul3A_176, %dma_wait3A_183] : memref<16384x200xi32, #tpu.memory_space<hbm>> -> memref<128x200xi32, #tpu.memory_space<hbm>>
          tpu.wait_dma2 semaphore(%run_scoped3A : memref<!tpu.dma_semaphore, #tpu.memory_space<semaphore_mem>>) src(%dma_wait3A_184 : memref<128x200xi32, #tpu.memory_space<hbm>>) dst(%arg5 : memref<128x200xi32, #tpu.memory_space<vmem>>)
          tpu.yield
        }) : () -> ()
      } else {
      }
      %ge3A_146 = arith.constant 2 : i32
      %ge3A_147 = arith.cmpi sge, %add3A_110, %ge3A_146 : i32
      %convert_element_type3A_148 = arith.extui %ge3A_147 : i1 to i32
      %cond3A_149 = arith.constant 0 : i32
      %cond3A_150 = arith.cmpi ne, %convert_element_type3A_148, %cond3A_149 : i32
      scf.if %cond3A_150 {
        %dma_wait3A_175 = arith.constant 1 : i32
        %dma_wait3A_176 = arith.constant 0 : i32
        %dma_wait3A_177 = arith.constant 0 : i32
        %dma_wait3A_178 = arith.constant 0 : i32
        %dma_wait3A_179 = tpu.memref_slice %arg6[%dma_wait3A_175, %dma_wait3A_176, %dma_wait3A_177, %dma_wait3A_178] : memref<2x36x8x128xf32, #tpu.memory_space<vmem>> -> memref<1x36x8x128xf32, #tpu.memory_space<vmem>>
        %dma_wait3A_180 = tpu.memref_squeeze %dma_wait3A_179 : memref<1x36x8x128xf32, #tpu.memory_space<vmem>> -> memref<36x8x128xf32, #tpu.memory_space<vmem>>
        %dma_wait3A_181 = arith.constant 0 : i32
        %dma_wait3A_182 = arith.constant 0 : i32
        %dma_wait3A_183 = arith.constant 0 : i32
        %dma_wait3A_184 = tpu.memref_slice %arg4[%dma_wait3A_181, %sub3A_137, %add3A_140, %dma_wait3A_182, %dma_wait3A_183] : memref<36x25x128x8x128xf32, #tpu.memory_space<hbm>> -> memref<36x1x1x8x128xf32, #tpu.memory_space<hbm>>
        %dma_wait3A_185 = tpu.memref_squeeze %dma_wait3A_184 : memref<36x1x1x8x128xf32, #tpu.memory_space<hbm>> -> memref<36x8x128xf32, #tpu.memory_space<hbm>>
        %dma_wait3A_186 = arith.constant 0 : i32
        %dma_wait3A_187 = arith.constant 0 : i32
        %dma_wait3A_188 = arith.constant 0 : i32
        %dma_wait3A_189 = tpu.memref_slice %arg4[%dma_wait3A_186, %sub3A_137, %add3A_140, %dma_wait3A_187, %dma_wait3A_188] : memref<36x25x128x8x128xf32, #tpu.memory_space<hbm>> -> memref<36x1x1x8x128xf32, #tpu.memory_space<hbm>>
        %dma_wait3A_190 = tpu.memref_squeeze %dma_wait3A_189 : memref<36x1x1x8x128xf32, #tpu.memory_space<hbm>> -> memref<36x8x128xf32, #tpu.memory_space<hbm>>
        %dma_wait3A_191 = arith.constant 0 : i32
        %dma_wait3A_192 = arith.constant 0 : i32
        %dma_wait3A_193 = arith.constant 0 : i32
        %dma_wait3A_194 = tpu.memref_slice %arg6[%dma_wait3A_175, %dma_wait3A_191, %dma_wait3A_192, %dma_wait3A_193] : memref<2x36x8x128xf32, #tpu.memory_space<vmem>> -> memref<1x36x8x128xf32, #tpu.memory_space<vmem>>
        %dma_wait3A_195 = tpu.memref_squeeze %dma_wait3A_194 : memref<1x36x8x128xf32, #tpu.memory_space<vmem>> -> memref<36x8x128xf32, #tpu.memory_space<vmem>>
        tpu.wait_dma2 semaphore(%arg9 : memref<!tpu.dma_semaphore, #tpu.memory_space<semaphore_mem>>) src(%dma_wait3A_195 : memref<36x8x128xf32, #tpu.memory_space<vmem>>) dst(%dma_wait3A_190 : memref<36x8x128xf32, #tpu.memory_space<hbm>>)
      } else {
      }
      %parallel_loop3A_151 = arith.constant 0 : i32
      %parallel_loop3A_152 = arith.constant 64 : i32
      %parallel_loop3A_153 = arith.constant 1 : i32
      scf.for %parallel_loop3A_175 = %parallel_loop3A_151 to %parallel_loop3A_152 step %parallel_loop3A_153  : i32 {
        %parallel_loop3A_176 = arith.constant 8 : i32
        %parallel_loop3A_177 = arith.divsi %parallel_loop3A_175, %parallel_loop3A_176 : i32
        %parallel_loop3A_178 = arith.constant 0 : i32
        %parallel_loop3A_179 = arith.cmpi sgt, %parallel_loop3A_175, %parallel_loop3A_178 : i32
        %parallel_loop3A_180 = arith.extui %parallel_loop3A_179 : i1 to i32
        %parallel_loop3A_181 = arith.constant 0 : i32
        %parallel_loop3A_182 = arith.cmpi slt, %parallel_loop3A_175, %parallel_loop3A_181 : i32
        %parallel_loop3A_183 = arith.extui %parallel_loop3A_182 : i1 to i32
        %parallel_loop3A_184 = arith.subi %parallel_loop3A_180, %parallel_loop3A_183 : i32
        %parallel_loop3A_185 = arith.constant 0 : i32
        %parallel_loop3A_186 = arith.cmpi sgt, %parallel_loop3A_176, %parallel_loop3A_185 : i32
        %parallel_loop3A_187 = arith.extui %parallel_loop3A_186 : i1 to i32
        %parallel_loop3A_188 = arith.constant 0 : i32
        %parallel_loop3A_189 = arith.cmpi slt, %parallel_loop3A_176, %parallel_loop3A_188 : i32
        %parallel_loop3A_190 = arith.extui %parallel_loop3A_189 : i1 to i32
        %parallel_loop3A_191 = arith.subi %parallel_loop3A_187, %parallel_loop3A_190 : i32
        %parallel_loop3A_192 = arith.cmpi ne, %parallel_loop3A_184, %parallel_loop3A_191 : i32
        %parallel_loop3A_193 = arith.remsi %parallel_loop3A_175, %parallel_loop3A_176 : i32
        %parallel_loop3A_194 = arith.constant 0 : i32
        %parallel_loop3A_195 = arith.cmpi ne, %parallel_loop3A_193, %parallel_loop3A_194 : i32
        %parallel_loop3A_196 = arith.andi %parallel_loop3A_192, %parallel_loop3A_195 : i1
        %parallel_loop3A_197 = arith.constant 1 : i32
        %parallel_loop3A_198 = arith.subi %parallel_loop3A_177, %parallel_loop3A_197 : i32
        %parallel_loop3A_199 = arith.select %parallel_loop3A_196, %parallel_loop3A_198, %parallel_loop3A_177 : i32
        %parallel_loop3A_200 = arith.constant 8 : i32
        %parallel_loop3A_201 = arith.muli %parallel_loop3A_199, %parallel_loop3A_200 : i32
        %parallel_loop3A_202 = arith.subi %parallel_loop3A_175, %parallel_loop3A_201 : i32
        %parallel_loop3A_203 = arith.constant 8 : i32
        %parallel_loop3A_204 = arith.muli %sub3A_137, %parallel_loop3A_203 : i32
        %parallel_loop3A_205 = arith.addi %parallel_loop3A_204, %parallel_loop3A_199 : i32
        %parallel_loop3A_206 = vector.broadcast %parallel_loop3A_205 : i32 to vector<16xi32>
        %parallel_loop3A_207 = arith.addi %mul3A_3, %parallel_loop3A_206 : vector<16xi32>
        %parallel_loop3A_208 = arith.constant 16 : i32
        %parallel_loop3A_209 = arith.muli %parallel_loop3A_202, %parallel_loop3A_208 : i32
        %parallel_loop3A_210 = vector.broadcast %parallel_loop3A_209 : i32 to vector<16xi32>
        %parallel_loop3A_211 = arith.addi %parallel_loop3A_210, %iota3A : vector<16xi32>
        %parallel_loop3A_212 = tpu.vector_load_idx %arg5[%parallel_loop3A_211, %parallel_loop3A_207] : memref<128x200xi32, #tpu.memory_space<vmem>>[vector<16xi32>, vector<16xi32>], vector<16xi32>,
        %parallel_loop3A_213 = arith.constant 36 : i32
        %parallel_loop3A_214 = vector.broadcast %parallel_loop3A_213 : i32 to vector<16xi32>
        %parallel_loop3A_215 = arith.muli %parallel_loop3A_212, %parallel_loop3A_214 : vector<16xi32>
        %parallel_loop3A_216 = arith.constant 0 : i32
        %parallel_loop3A_217 = vector.broadcast %parallel_loop3A_216 : i32 to vector<16xi32>
        %parallel_loop3A_218 = arith.addi %parallel_loop3A_215, %parallel_loop3A_217 : vector<16xi32>
        %parallel_loop3A_219 = tpu.vector_load_idx %arg7[%parallel_loop3A_218] : memref<1296xf32, #tpu.memory_space<vmem>>[vector<16xi32>], vector<16xf32>,
        %parallel_loop3A_220 = arith.constant 16 : i32
        %parallel_loop3A_221 = arith.muli %parallel_loop3A_202, %parallel_loop3A_220 : i32
        %parallel_loop3A_222 = arith.constant 1 : i32
        %parallel_loop3A_223 = arith.constant 0 : i32
        %parallel_loop3A_224 = arith.index_cast %parallel_loop3A_222 : i32 to index
        %parallel_loop3A_225 = arith.index_cast %parallel_loop3A_223 : i32 to index
        %parallel_loop3A_226 = arith.index_cast %parallel_loop3A_199 : i32 to index
        %parallel_loop3A_227 = arith.index_cast %parallel_loop3A_221 : i32 to index
        %parallel_loop3A_228 = tpu.vector_load %arg6[%parallel_loop3A_224, %parallel_loop3A_225, %parallel_loop3A_226, %parallel_loop3A_227] {strides = array<i32>} : memref<2x36x8x128xf32, #tpu.memory_space<vmem>>, vector<16xf32>,
        tpu.vector_store %arg6[%parallel_loop3A_224, %parallel_loop3A_225, %parallel_loop3A_226, %parallel_loop3A_227], %parallel_loop3A_219 {strides = array<i32>} : memref<2x36x8x128xf32, #tpu.memory_space<vmem>>, vector<16xf32>,
        %parallel_loop3A_229 = arith.constant 1 : i32
        %parallel_loop3A_230 = vector.broadcast %parallel_loop3A_229 : i32 to vector<16xi32>
        %parallel_loop3A_231 = arith.addi %parallel_loop3A_215, %parallel_loop3A_230 : vector<16xi32>
        %parallel_loop3A_232 = tpu.vector_load_idx %arg7[%parallel_loop3A_231] : memref<1296xf32, #tpu.memory_space<vmem>>[vector<16xi32>], vector<16xf32>,
        %parallel_loop3A_233 = arith.constant 16 : i32
        %parallel_loop3A_234 = arith.muli %parallel_loop3A_202, %parallel_loop3A_233 : i32
        %parallel_loop3A_235 = arith.constant 1 : i32
        %parallel_loop3A_236 = arith.constant 1 : i32
        %parallel_loop3A_237 = arith.index_cast %parallel_loop3A_235 : i32 to index
        %parallel_loop3A_238 = arith.index_cast %parallel_loop3A_236 : i32 to index
        %parallel_loop3A_239 = arith.index_cast %parallel_loop3A_199 : i32 to index
        %parallel_loop3A_240 = arith.index_cast %parallel_loop3A_234 : i32 to index
        %parallel_loop3A_241 = tpu.vector_load %arg6[%parallel_loop3A_237, %parallel_loop3A_238, %parallel_loop3A_239, %parallel_loop3A_240] {strides = array<i32>} : memref<2x36x8x128xf32, #tpu.memory_space<vmem>>, vector<16xf32>,
        tpu.vector_store %arg6[%parallel_loop3A_237, %parallel_loop3A_238, %parallel_loop3A_239, %parallel_loop3A_240], %parallel_loop3A_232 {strides = array<i32>} : memref<2x36x8x128xf32, #tpu.memory_space<vmem>>, vector<16xf32>,
        %parallel_loop3A_242 = arith.constant 2 : i32
        %parallel_loop3A_243 = vector.broadcast %parallel_loop3A_242 : i32 to vector<16xi32>
        %parallel_loop3A_244 = arith.addi %parallel_loop3A_215, %parallel_loop3A_243 : vector<16xi32>
        %parallel_loop3A_245 = tpu.vector_load_idx %arg7[%parallel_loop3A_244] : memref<1296xf32, #tpu.memory_space<vmem>>[vector<16xi32>], vector<16xf32>,
        %parallel_loop3A_246 = arith.constant 16 : i32
        %parallel_loop3A_247 = arith.muli %parallel_loop3A_202, %parallel_loop3A_246 : i32
        %parallel_loop3A_248 = arith.constant 1 : i32
        %parallel_loop3A_249 = arith.constant 2 : i32
        %parallel_loop3A_250 = arith.index_cast %parallel_loop3A_248 : i32 to index
        %parallel_loop3A_251 = arith.index_cast %parallel_loop3A_249 : i32 to index
        %parallel_loop3A_252 = arith.index_cast %parallel_loop3A_199 : i32 to index
        %parallel_loop3A_253 = arith.index_cast %parallel_loop3A_247 : i32 to index
        %parallel_loop3A_254 = tpu.vector_load %arg6[%parallel_loop3A_250, %parallel_loop3A_251, %parallel_loop3A_252, %parallel_loop3A_253] {strides = array<i32>} : memref<2x36x8x128xf32, #tpu.memory_space<vmem>>, vector<16xf32>,
        tpu.vector_store %arg6[%parallel_loop3A_250, %parallel_loop3A_251, %parallel_loop3A_252, %parallel_loop3A_253], %parallel_loop3A_245 {strides = array<i32>} : memref<2x36x8x128xf32, #tpu.memory_space<vmem>>, vector<16xf32>,
        %parallel_loop3A_255 = arith.constant 3 : i32
        %parallel_loop3A_256 = vector.broadcast %parallel_loop3A_255 : i32 to vector<16xi32>
        %parallel_loop3A_257 = arith.addi %parallel_loop3A_215, %parallel_loop3A_256 : vector<16xi32>
        %parallel_loop3A_258 = tpu.vector_load_idx %arg7[%parallel_loop3A_257] : memref<1296xf32, #tpu.memory_space<vmem>>[vector<16xi32>], vector<16xf32>,
        %parallel_loop3A_259 = arith.constant 16 : i32
        %parallel_loop3A_260 = arith.muli %parallel_loop3A_202, %parallel_loop3A_259 : i32
        %parallel_loop3A_261 = arith.constant 1 : i32
        %parallel_loop3A_262 = arith.constant 3 : i32
        %parallel_loop3A_263 = arith.index_cast %parallel_loop3A_261 : i32 to index
        %parallel_loop3A_264 = arith.index_cast %parallel_loop3A_262 : i32 to index
        %parallel_loop3A_265 = arith.index_cast %parallel_loop3A_199 : i32 to index
        %parallel_loop3A_266 = arith.index_cast %parallel_loop3A_260 : i32 to index
        %parallel_loop3A_267 = tpu.vector_load %arg6[%parallel_loop3A_263, %parallel_loop3A_264, %parallel_loop3A_265, %parallel_loop3A_266] {strides = array<i32>} : memref<2x36x8x128xf32, #tpu.memory_space<vmem>>, vector<16xf32>,
        tpu.vector_store %arg6[%parallel_loop3A_263, %parallel_loop3A_264, %parallel_loop3A_265, %parallel_loop3A_266], %parallel_loop3A_258 {strides = array<i32>} : memref<2x36x8x128xf32, #tpu.memory_space<vmem>>, vector<16xf32>,
        %parallel_loop3A_268 = arith.constant 4 : i32
        %parallel_loop3A_269 = vector.broadcast %parallel_loop3A_268 : i32 to vector<16xi32>
        %parallel_loop3A_270 = arith.addi %parallel_loop3A_215, %parallel_loop3A_269 : vector<16xi32>
        %parallel_loop3A_271 = tpu.vector_load_idx %arg7[%parallel_loop3A_270] : memref<1296xf32, #tpu.memory_space<vmem>>[vector<16xi32>], vector<16xf32>,
        %parallel_loop3A_272 = arith.constant 16 : i32
        %parallel_loop3A_273 = arith.muli %parallel_loop3A_202, %parallel_loop3A_272 : i32
        %parallel_loop3A_274 = arith.constant 1 : i32
        %parallel_loop3A_275 = arith.constant 4 : i32
        %parallel_loop3A_276 = arith.index_cast %parallel_loop3A_274 : i32 to index
        %parallel_loop3A_277 = arith.index_cast %parallel_loop3A_275 : i32 to index
        %parallel_loop3A_278 = arith.index_cast %parallel_loop3A_199 : i32 to index
        %parallel_loop3A_279 = arith.index_cast %parallel_loop3A_273 : i32 to index
        %parallel_loop3A_280 = tpu.vector_load %arg6[%parallel_loop3A_276, %parallel_loop3A_277, %parallel_loop3A_278, %parallel_loop3A_279] {strides = array<i32>} : memref<2x36x8x128xf32, #tpu.memory_space<vmem>>, vector<16xf32>,
        tpu.vector_store %arg6[%parallel_loop3A_276, %parallel_loop3A_277, %parallel_loop3A_278, %parallel_loop3A_279], %parallel_loop3A_271 {strides = array<i32>} : memref<2x36x8x128xf32, #tpu.memory_space<vmem>>, vector<16xf32>,
        %parallel_loop3A_281 = arith.constant 5 : i32
        %parallel_loop3A_282 = vector.broadcast %parallel_loop3A_281 : i32 to vector<16xi32>
        %parallel_loop3A_283 = arith.addi %parallel_loop3A_215, %parallel_loop3A_282 : vector<16xi32>
        %parallel_loop3A_284 = tpu.vector_load_idx %arg7[%parallel_loop3A_283] : memref<1296xf32, #tpu.memory_space<vmem>>[vector<16xi32>], vector<16xf32>,
        %parallel_loop3A_285 = arith.constant 16 : i32
        %parallel_loop3A_286 = arith.muli %parallel_loop3A_202, %parallel_loop3A_285 : i32
        %parallel_loop3A_287 = arith.constant 1 : i32
        %parallel_loop3A_288 = arith.constant 5 : i32
        %parallel_loop3A_289 = arith.index_cast %parallel_loop3A_287 : i32 to index
        %parallel_loop3A_290 = arith.index_cast %parallel_loop3A_288 : i32 to index
        %parallel_loop3A_291 = arith.index_cast %parallel_loop3A_199 : i32 to index
        %parallel_loop3A_292 = arith.index_cast %parallel_loop3A_286 : i32 to index
        %parallel_loop3A_293 = tpu.vector_load %arg6[%parallel_loop3A_289, %parallel_loop3A_290, %parallel_loop3A_291, %parallel_loop3A_292] {strides = array<i32>} : memref<2x36x8x128xf32, #tpu.memory_space<vmem>>, vector<16xf32>,
        tpu.vector_store %arg6[%parallel_loop3A_289, %parallel_loop3A_290, %parallel_loop3A_291, %parallel_loop3A_292], %parallel_loop3A_284 {strides = array<i32>} : memref<2x36x8x128xf32, #tpu.memory_space<vmem>>, vector<16xf32>,
        %parallel_loop3A_294 = arith.constant 6 : i32
        %parallel_loop3A_295 = vector.broadcast %parallel_loop3A_294 : i32 to vector<16xi32>
        %parallel_loop3A_296 = arith.addi %parallel_loop3A_215, %parallel_loop3A_295 : vector<16xi32>
        %parallel_loop3A_297 = tpu.vector_load_idx %arg7[%parallel_loop3A_296] : memref<1296xf32, #tpu.memory_space<vmem>>[vector<16xi32>], vector<16xf32>,
        %parallel_loop3A_298 = arith.constant 16 : i32
        %parallel_loop3A_299 = arith.muli %parallel_loop3A_202, %parallel_loop3A_298 : i32
        %parallel_loop3A_300 = arith.constant 1 : i32
        %parallel_loop3A_301 = arith.constant 6 : i32
        %parallel_loop3A_302 = arith.index_cast %parallel_loop3A_300 : i32 to index
        %parallel_loop3A_303 = arith.index_cast %parallel_loop3A_301 : i32 to index
        %parallel_loop3A_304 = arith.index_cast %parallel_loop3A_199 : i32 to index
        %parallel_loop3A_305 = arith.index_cast %parallel_loop3A_299 : i32 to index
        %parallel_loop3A_306 = tpu.vector_load %arg6[%parallel_loop3A_302, %parallel_loop3A_303, %parallel_loop3A_304, %parallel_loop3A_305] {strides = array<i32>} : memref<2x36x8x128xf32, #tpu.memory_space<vmem>>, vector<16xf32>,
        tpu.vector_store %arg6[%parallel_loop3A_302, %parallel_loop3A_303, %parallel_loop3A_304, %parallel_loop3A_305], %parallel_loop3A_297 {strides = array<i32>} : memref<2x36x8x128xf32, #tpu.memory_space<vmem>>, vector<16xf32>,
        %parallel_loop3A_307 = arith.constant 7 : i32
        %parallel_loop3A_308 = vector.broadcast %parallel_loop3A_307 : i32 to vector<16xi32>
        %parallel_loop3A_309 = arith.addi %parallel_loop3A_215, %parallel_loop3A_308 : vector<16xi32>
        %parallel_loop3A_310 = tpu.vector_load_idx %arg7[%parallel_loop3A_309] : memref<1296xf32, #tpu.memory_space<vmem>>[vector<16xi32>], vector<16xf32>,
        %parallel_loop3A_311 = arith.constant 16 : i32
        %parallel_loop3A_312 = arith.muli %parallel_loop3A_202, %parallel_loop3A_311 : i32
        %parallel_loop3A_313 = arith.constant 1 : i32
        %parallel_loop3A_314 = arith.constant 7 : i32
        %parallel_loop3A_315 = arith.index_cast %parallel_loop3A_313 : i32 to index
        %parallel_loop3A_316 = arith.index_cast %parallel_loop3A_314 : i32 to index
        %parallel_loop3A_317 = arith.index_cast %parallel_loop3A_199 : i32 to index
        %parallel_loop3A_318 = arith.index_cast %parallel_loop3A_312 : i32 to index
        %parallel_loop3A_319 = tpu.vector_load %arg6[%parallel_loop3A_315, %parallel_loop3A_316, %parallel_loop3A_317, %parallel_loop3A_318] {strides = array<i32>} : memref<2x36x8x128xf32, #tpu.memory_space<vmem>>, vector<16xf32>,
        tpu.vector_store %arg6[%parallel_loop3A_315, %parallel_loop3A_316, %parallel_loop3A_317, %parallel_loop3A_318], %parallel_loop3A_310 {strides = array<i32>} : memref<2x36x8x128xf32, #tpu.memory_space<vmem>>, vector<16xf32>,
        %parallel_loop3A_320 = arith.constant 8 : i32
        %parallel_loop3A_321 = vector.broadcast %parallel_loop3A_320 : i32 to vector<16xi32>
        %parallel_loop3A_322 = arith.addi %parallel_loop3A_215, %parallel_loop3A_321 : vector<16xi32>
        %parallel_loop3A_323 = tpu.vector_load_idx %arg7[%parallel_loop3A_322] : memref<1296xf32, #tpu.memory_space<vmem>>[vector<16xi32>], vector<16xf32>,
        %parallel_loop3A_324 = arith.constant 16 : i32
        %parallel_loop3A_325 = arith.muli %parallel_loop3A_202, %parallel_loop3A_324 : i32
        %parallel_loop3A_326 = arith.constant 1 : i32
        %parallel_loop3A_327 = arith.constant 8 : i32
        %parallel_loop3A_328 = arith.index_cast %parallel_loop3A_326 : i32 to index
        %parallel_loop3A_329 = arith.index_cast %parallel_loop3A_327 : i32 to index
        %parallel_loop3A_330 = arith.index_cast %parallel_loop3A_199 : i32 to index
        %parallel_loop3A_331 = arith.index_cast %parallel_loop3A_325 : i32 to index
        %parallel_loop3A_332 = tpu.vector_load %arg6[%parallel_loop3A_328, %parallel_loop3A_329, %parallel_loop3A_330, %parallel_loop3A_331] {strides = array<i32>} : memref<2x36x8x128xf32, #tpu.memory_space<vmem>>, vector<16xf32>,
        tpu.vector_store %arg6[%parallel_loop3A_328, %parallel_loop3A_329, %parallel_loop3A_330, %parallel_loop3A_331], %parallel_loop3A_323 {strides = array<i32>} : memref<2x36x8x128xf32, #tpu.memory_space<vmem>>, vector<16xf32>,
        %parallel_loop3A_333 = arith.constant 9 : i32
        %parallel_loop3A_334 = vector.broadcast %parallel_loop3A_333 : i32 to vector<16xi32>
        %parallel_loop3A_335 = arith.addi %parallel_loop3A_215, %parallel_loop3A_334 : vector<16xi32>
        %parallel_loop3A_336 = tpu.vector_load_idx %arg7[%parallel_loop3A_335] : memref<1296xf32, #tpu.memory_space<vmem>>[vector<16xi32>], vector<16xf32>,
        %parallel_loop3A_337 = arith.constant 16 : i32
        %parallel_loop3A_338 = arith.muli %parallel_loop3A_202, %parallel_loop3A_337 : i32
        %parallel_loop3A_339 = arith.constant 1 : i32
        %parallel_loop3A_340 = arith.constant 9 : i32
        %parallel_loop3A_341 = arith.index_cast %parallel_loop3A_339 : i32 to index
        %parallel_loop3A_342 = arith.index_cast %parallel_loop3A_340 : i32 to index
        %parallel_loop3A_343 = arith.index_cast %parallel_loop3A_199 : i32 to index
        %parallel_loop3A_344 = arith.index_cast %parallel_loop3A_338 : i32 to index
        %parallel_loop3A_345 = tpu.vector_load %arg6[%parallel_loop3A_341, %parallel_loop3A_342, %parallel_loop3A_343, %parallel_loop3A_344] {strides = array<i32>} : memref<2x36x8x128xf32, #tpu.memory_space<vmem>>, vector<16xf32>,
        tpu.vector_store %arg6[%parallel_loop3A_341, %parallel_loop3A_342, %parallel_loop3A_343, %parallel_loop3A_344], %parallel_loop3A_336 {strides = array<i32>} : memref<2x36x8x128xf32, #tpu.memory_space<vmem>>, vector<16xf32>,
        %parallel_loop3A_346 = arith.constant 10 : i32
        %parallel_loop3A_347 = vector.broadcast %parallel_loop3A_346 : i32 to vector<16xi32>
        %parallel_loop3A_348 = arith.addi %parallel_loop3A_215, %parallel_loop3A_347 : vector<16xi32>
        %parallel_loop3A_349 = tpu.vector_load_idx %arg7[%parallel_loop3A_348] : memref<1296xf32, #tpu.memory_space<vmem>>[vector<16xi32>], vector<16xf32>,
        %parallel_loop3A_350 = arith.constant 16 : i32
        %parallel_loop3A_351 = arith.muli %parallel_loop3A_202, %parallel_loop3A_350 : i32
        %parallel_loop3A_352 = arith.constant 1 : i32
        %parallel_loop3A_353 = arith.constant 10 : i32
        %parallel_loop3A_354 = arith.index_cast %parallel_loop3A_352 : i32 to index
        %parallel_loop3A_355 = arith.index_cast %parallel_loop3A_353 : i32 to index
        %parallel_loop3A_356 = arith.index_cast %parallel_loop3A_199 : i32 to index
        %parallel_loop3A_357 = arith.index_cast %parallel_loop3A_351 : i32 to index
        %parallel_loop3A_358 = tpu.vector_load %arg6[%parallel_loop3A_354, %parallel_loop3A_355, %parallel_loop3A_356, %parallel_loop3A_357] {strides = array<i32>} : memref<2x36x8x128xf32, #tpu.memory_space<vmem>>, vector<16xf32>,
        tpu.vector_store %arg6[%parallel_loop3A_354, %parallel_loop3A_355, %parallel_loop3A_356, %parallel_loop3A_357], %parallel_loop3A_349 {strides = array<i32>} : memref<2x36x8x128xf32, #tpu.memory_space<vmem>>, vector<16xf32>,
        %parallel_loop3A_359 = arith.constant 11 : i32
        %parallel_loop3A_360 = vector.broadcast %parallel_loop3A_359 : i32 to vector<16xi32>
        %parallel_loop3A_361 = arith.addi %parallel_loop3A_215, %parallel_loop3A_360 : vector<16xi32>
        %parallel_loop3A_362 = tpu.vector_load_idx %arg7[%parallel_loop3A_361] : memref<1296xf32, #tpu.memory_space<vmem>>[vector<16xi32>], vector<16xf32>,
        %parallel_loop3A_363 = arith.constant 16 : i32
        %parallel_loop3A_364 = arith.muli %parallel_loop3A_202, %parallel_loop3A_363 : i32
        %parallel_loop3A_365 = arith.constant 1 : i32
        %parallel_loop3A_366 = arith.constant 11 : i32
        %parallel_loop3A_367 = arith.index_cast %parallel_loop3A_365 : i32 to index
        %parallel_loop3A_368 = arith.index_cast %parallel_loop3A_366 : i32 to index
        %parallel_loop3A_369 = arith.index_cast %parallel_loop3A_199 : i32 to index
        %parallel_loop3A_370 = arith.index_cast %parallel_loop3A_364 : i32 to index
        %parallel_loop3A_371 = tpu.vector_load %arg6[%parallel_loop3A_367, %parallel_loop3A_368, %parallel_loop3A_369, %parallel_loop3A_370] {strides = array<i32>} : memref<2x36x8x128xf32, #tpu.memory_space<vmem>>, vector<16xf32>,
        tpu.vector_store %arg6[%parallel_loop3A_367, %parallel_loop3A_368, %parallel_loop3A_369, %parallel_loop3A_370], %parallel_loop3A_362 {strides = array<i32>} : memref<2x36x8x128xf32, #tpu.memory_space<vmem>>, vector<16xf32>,
        %parallel_loop3A_372 = arith.constant 12 : i32
        %parallel_loop3A_373 = vector.broadcast %parallel_loop3A_372 : i32 to vector<16xi32>
        %parallel_loop3A_374 = arith.addi %parallel_loop3A_215, %parallel_loop3A_373 : vector<16xi32>
        %parallel_loop3A_375 = tpu.vector_load_idx %arg7[%parallel_loop3A_374] : memref<1296xf32, #tpu.memory_space<vmem>>[vector<16xi32>], vector<16xf32>,
        %parallel_loop3A_376 = arith.constant 16 : i32
        %parallel_loop3A_377 = arith.muli %parallel_loop3A_202, %parallel_loop3A_376 : i32
        %parallel_loop3A_378 = arith.constant 1 : i32
        %parallel_loop3A_379 = arith.constant 12 : i32
        %parallel_loop3A_380 = arith.index_cast %parallel_loop3A_378 : i32 to index
        %parallel_loop3A_381 = arith.index_cast %parallel_loop3A_379 : i32 to index
        %parallel_loop3A_382 = arith.index_cast %parallel_loop3A_199 : i32 to index
        %parallel_loop3A_383 = arith.index_cast %parallel_loop3A_377 : i32 to index
        %parallel_loop3A_384 = tpu.vector_load %arg6[%parallel_loop3A_380, %parallel_loop3A_381, %parallel_loop3A_382, %parallel_loop3A_383] {strides = array<i32>} : memref<2x36x8x128xf32, #tpu.memory_space<vmem>>, vector<16xf32>,
        tpu.vector_store %arg6[%parallel_loop3A_380, %parallel_loop3A_381, %parallel_loop3A_382, %parallel_loop3A_383], %parallel_loop3A_375 {strides = array<i32>} : memref<2x36x8x128xf32, #tpu.memory_space<vmem>>, vector<16xf32>,
        %parallel_loop3A_385 = arith.constant 13 : i32
        %parallel_loop3A_386 = vector.broadcast %parallel_loop3A_385 : i32 to vector<16xi32>
        %parallel_loop3A_387 = arith.addi %parallel_loop3A_215, %parallel_loop3A_386 : vector<16xi32>
        %parallel_loop3A_388 = tpu.vector_load_idx %arg7[%parallel_loop3A_387] : memref<1296xf32, #tpu.memory_space<vmem>>[vector<16xi32>], vector<16xf32>,
        %parallel_loop3A_389 = arith.constant 16 : i32
        %parallel_loop3A_390 = arith.muli %parallel_loop3A_202, %parallel_loop3A_389 : i32
        %parallel_loop3A_391 = arith.constant 1 : i32
        %parallel_loop3A_392 = arith.constant 13 : i32
        %parallel_loop3A_393 = arith.index_cast %parallel_loop3A_391 : i32 to index
        %parallel_loop3A_394 = arith.index_cast %parallel_loop3A_392 : i32 to index
        %parallel_loop3A_395 = arith.index_cast %parallel_loop3A_199 : i32 to index
        %parallel_loop3A_396 = arith.index_cast %parallel_loop3A_390 : i32 to index
        %parallel_loop3A_397 = tpu.vector_load %arg6[%parallel_loop3A_393, %parallel_loop3A_394, %parallel_loop3A_395, %parallel_loop3A_396] {strides = array<i32>} : memref<2x36x8x128xf32, #tpu.memory_space<vmem>>, vector<16xf32>,
        tpu.vector_store %arg6[%parallel_loop3A_393, %parallel_loop3A_394, %parallel_loop3A_395, %parallel_loop3A_396], %parallel_loop3A_388 {strides = array<i32>} : memref<2x36x8x128xf32, #tpu.memory_space<vmem>>, vector<16xf32>,
        %parallel_loop3A_398 = arith.constant 14 : i32
        %parallel_loop3A_399 = vector.broadcast %parallel_loop3A_398 : i32 to vector<16xi32>
        %parallel_loop3A_400 = arith.addi %parallel_loop3A_215, %parallel_loop3A_399 : vector<16xi32>
        %parallel_loop3A_401 = tpu.vector_load_idx %arg7[%parallel_loop3A_400] : memref<1296xf32, #tpu.memory_space<vmem>>[vector<16xi32>], vector<16xf32>,
        %parallel_loop3A_402 = arith.constant 16 : i32
        %parallel_loop3A_403 = arith.muli %parallel_loop3A_202, %parallel_loop3A_402 : i32
        %parallel_loop3A_404 = arith.constant 1 : i32
        %parallel_loop3A_405 = arith.constant 14 : i32
        %parallel_loop3A_406 = arith.index_cast %parallel_loop3A_404 : i32 to index
        %parallel_loop3A_407 = arith.index_cast %parallel_loop3A_405 : i32 to index
        %parallel_loop3A_408 = arith.index_cast %parallel_loop3A_199 : i32 to index
        %parallel_loop3A_409 = arith.index_cast %parallel_loop3A_403 : i32 to index
        %parallel_loop3A_410 = tpu.vector_load %arg6[%parallel_loop3A_406, %parallel_loop3A_407, %parallel_loop3A_408, %parallel_loop3A_409] {strides = array<i32>} : memref<2x36x8x128xf32, #tpu.memory_space<vmem>>, vector<16xf32>,
        tpu.vector_store %arg6[%parallel_loop3A_406, %parallel_loop3A_407, %parallel_loop3A_408, %parallel_loop3A_409], %parallel_loop3A_401 {strides = array<i32>} : memref<2x36x8x128xf32, #tpu.memory_space<vmem>>, vector<16xf32>,
        %parallel_loop3A_411 = arith.constant 15 : i32
        %parallel_loop3A_412 = vector.broadcast %parallel_loop3A_411 : i32 to vector<16xi32>
        %parallel_loop3A_413 = arith.addi %parallel_loop3A_215, %parallel_loop3A_412 : vector<16xi32>
        %parallel_loop3A_414 = tpu.vector_load_idx %arg7[%parallel_loop3A_413] : memref<1296xf32, #tpu.memory_space<vmem>>[vector<16xi32>], vector<16xf32>,
        %parallel_loop3A_415 = arith.constant 16 : i32
        %parallel_loop3A_416 = arith.muli %parallel_loop3A_202, %parallel_loop3A_415 : i32
        %parallel_loop3A_417 = arith.constant 1 : i32
        %parallel_loop3A_418 = arith.constant 15 : i32
        %parallel_loop3A_419 = arith.index_cast %parallel_loop3A_417 : i32 to index
        %parallel_loop3A_420 = arith.index_cast %parallel_loop3A_418 : i32 to index
        %parallel_loop3A_421 = arith.index_cast %parallel_loop3A_199 : i32 to index
        %parallel_loop3A_422 = arith.index_cast %parallel_loop3A_416 : i32 to index
        %parallel_loop3A_423 = tpu.vector_load %arg6[%parallel_loop3A_419, %parallel_loop3A_420, %parallel_loop3A_421, %parallel_loop3A_422] {strides = array<i32>} : memref<2x36x8x128xf32, #tpu.memory_space<vmem>>, vector<16xf32>,
        tpu.vector_store %arg6[%parallel_loop3A_419, %parallel_loop3A_420, %parallel_loop3A_421, %parallel_loop3A_422], %parallel_loop3A_414 {strides = array<i32>} : memref<2x36x8x128xf32, #tpu.memory_space<vmem>>, vector<16xf32>,
        %parallel_loop3A_424 = arith.constant 16 : i32
        %parallel_loop3A_425 = vector.broadcast %parallel_loop3A_424 : i32 to vector<16xi32>
        %parallel_loop3A_426 = arith.addi %parallel_loop3A_215, %parallel_loop3A_425 : vector<16xi32>
        %parallel_loop3A_427 = tpu.vector_load_idx %arg7[%parallel_loop3A_426] : memref<1296xf32, #tpu.memory_space<vmem>>[vector<16xi32>], vector<16xf32>,
        %parallel_loop3A_428 = arith.constant 16 : i32
        %parallel_loop3A_429 = arith.muli %parallel_loop3A_202, %parallel_loop3A_428 : i32
        %parallel_loop3A_430 = arith.constant 1 : i32
        %parallel_loop3A_431 = arith.constant 16 : i32
        %parallel_loop3A_432 = arith.index_cast %parallel_loop3A_430 : i32 to index
        %parallel_loop3A_433 = arith.index_cast %parallel_loop3A_431 : i32 to index
        %parallel_loop3A_434 = arith.index_cast %parallel_loop3A_199 : i32 to index
        %parallel_loop3A_435 = arith.index_cast %parallel_loop3A_429 : i32 to index
        %parallel_loop3A_436 = tpu.vector_load %arg6[%parallel_loop3A_432, %parallel_loop3A_433, %parallel_loop3A_434, %parallel_loop3A_435] {strides = array<i32>} : memref<2x36x8x128xf32, #tpu.memory_space<vmem>>, vector<16xf32>,
        tpu.vector_store %arg6[%parallel_loop3A_432, %parallel_loop3A_433, %parallel_loop3A_434, %parallel_loop3A_435], %parallel_loop3A_427 {strides = array<i32>} : memref<2x36x8x128xf32, #tpu.memory_space<vmem>>, vector<16xf32>,
        %parallel_loop3A_437 = arith.constant 17 : i32
        %parallel_loop3A_438 = vector.broadcast %parallel_loop3A_437 : i32 to vector<16xi32>
        %parallel_loop3A_439 = arith.addi %parallel_loop3A_215, %parallel_loop3A_438 : vector<16xi32>
        %parallel_loop3A_440 = tpu.vector_load_idx %arg7[%parallel_loop3A_439] : memref<1296xf32, #tpu.memory_space<vmem>>[vector<16xi32>], vector<16xf32>,
        %parallel_loop3A_441 = arith.constant 16 : i32
        %parallel_loop3A_442 = arith.muli %parallel_loop3A_202, %parallel_loop3A_441 : i32
        %parallel_loop3A_443 = arith.constant 1 : i32
        %parallel_loop3A_444 = arith.constant 17 : i32
        %parallel_loop3A_445 = arith.index_cast %parallel_loop3A_443 : i32 to index
        %parallel_loop3A_446 = arith.index_cast %parallel_loop3A_444 : i32 to index
        %parallel_loop3A_447 = arith.index_cast %parallel_loop3A_199 : i32 to index
        %parallel_loop3A_448 = arith.index_cast %parallel_loop3A_442 : i32 to index
        %parallel_loop3A_449 = tpu.vector_load %arg6[%parallel_loop3A_445, %parallel_loop3A_446, %parallel_loop3A_447, %parallel_loop3A_448] {strides = array<i32>} : memref<2x36x8x128xf32, #tpu.memory_space<vmem>>, vector<16xf32>,
        tpu.vector_store %arg6[%parallel_loop3A_445, %parallel_loop3A_446, %parallel_loop3A_447, %parallel_loop3A_448], %parallel_loop3A_440 {strides = array<i32>} : memref<2x36x8x128xf32, #tpu.memory_space<vmem>>, vector<16xf32>,
        %parallel_loop3A_450 = arith.constant 18 : i32
        %parallel_loop3A_451 = vector.broadcast %parallel_loop3A_450 : i32 to vector<16xi32>
        %parallel_loop3A_452 = arith.addi %parallel_loop3A_215, %parallel_loop3A_451 : vector<16xi32>
        %parallel_loop3A_453 = tpu.vector_load_idx %arg7[%parallel_loop3A_452] : memref<1296xf32, #tpu.memory_space<vmem>>[vector<16xi32>], vector<16xf32>,
        %parallel_loop3A_454 = arith.constant 16 : i32
        %parallel_loop3A_455 = arith.muli %parallel_loop3A_202, %parallel_loop3A_454 : i32
        %parallel_loop3A_456 = arith.constant 1 : i32
        %parallel_loop3A_457 = arith.constant 18 : i32
        %parallel_loop3A_458 = arith.index_cast %parallel_loop3A_456 : i32 to index
        %parallel_loop3A_459 = arith.index_cast %parallel_loop3A_457 : i32 to index
        %parallel_loop3A_460 = arith.index_cast %parallel_loop3A_199 : i32 to index
        %parallel_loop3A_461 = arith.index_cast %parallel_loop3A_455 : i32 to index
        %parallel_loop3A_462 = tpu.vector_load %arg6[%parallel_loop3A_458, %parallel_loop3A_459, %parallel_loop3A_460, %parallel_loop3A_461] {strides = array<i32>} : memref<2x36x8x128xf32, #tpu.memory_space<vmem>>, vector<16xf32>,
        tpu.vector_store %arg6[%parallel_loop3A_458, %parallel_loop3A_459, %parallel_loop3A_460, %parallel_loop3A_461], %parallel_loop3A_453 {strides = array<i32>} : memref<2x36x8x128xf32, #tpu.memory_space<vmem>>, vector<16xf32>,
        %parallel_loop3A_463 = arith.constant 19 : i32
        %parallel_loop3A_464 = vector.broadcast %parallel_loop3A_463 : i32 to vector<16xi32>
        %parallel_loop3A_465 = arith.addi %parallel_loop3A_215, %parallel_loop3A_464 : vector<16xi32>
        %parallel_loop3A_466 = tpu.vector_load_idx %arg7[%parallel_loop3A_465] : memref<1296xf32, #tpu.memory_space<vmem>>[vector<16xi32>], vector<16xf32>,
        %parallel_loop3A_467 = arith.constant 16 : i32
        %parallel_loop3A_468 = arith.muli %parallel_loop3A_202, %parallel_loop3A_467 : i32
        %parallel_loop3A_469 = arith.constant 1 : i32
        %parallel_loop3A_470 = arith.constant 19 : i32
        %parallel_loop3A_471 = arith.index_cast %parallel_loop3A_469 : i32 to index
        %parallel_loop3A_472 = arith.index_cast %parallel_loop3A_470 : i32 to index
        %parallel_loop3A_473 = arith.index_cast %parallel_loop3A_199 : i32 to index
        %parallel_loop3A_474 = arith.index_cast %parallel_loop3A_468 : i32 to index
        %parallel_loop3A_475 = tpu.vector_load %arg6[%parallel_loop3A_471, %parallel_loop3A_472, %parallel_loop3A_473, %parallel_loop3A_474] {strides = array<i32>} : memref<2x36x8x128xf32, #tpu.memory_space<vmem>>, vector<16xf32>,
        tpu.vector_store %arg6[%parallel_loop3A_471, %parallel_loop3A_472, %parallel_loop3A_473, %parallel_loop3A_474], %parallel_loop3A_466 {strides = array<i32>} : memref<2x36x8x128xf32, #tpu.memory_space<vmem>>, vector<16xf32>,
        %parallel_loop3A_476 = arith.constant 20 : i32
        %parallel_loop3A_477 = vector.broadcast %parallel_loop3A_476 : i32 to vector<16xi32>
        %parallel_loop3A_478 = arith.addi %parallel_loop3A_215, %parallel_loop3A_477 : vector<16xi32>
        %parallel_loop3A_479 = tpu.vector_load_idx %arg7[%parallel_loop3A_478] : memref<1296xf32, #tpu.memory_space<vmem>>[vector<16xi32>], vector<16xf32>,
        %parallel_loop3A_480 = arith.constant 16 : i32
        %parallel_loop3A_481 = arith.muli %parallel_loop3A_202, %parallel_loop3A_480 : i32
        %parallel_loop3A_482 = arith.constant 1 : i32
        %parallel_loop3A_483 = arith.constant 20 : i32
        %parallel_loop3A_484 = arith.index_cast %parallel_loop3A_482 : i32 to index
        %parallel_loop3A_485 = arith.index_cast %parallel_loop3A_483 : i32 to index
        %parallel_loop3A_486 = arith.index_cast %parallel_loop3A_199 : i32 to index
        %parallel_loop3A_487 = arith.index_cast %parallel_loop3A_481 : i32 to index
        %parallel_loop3A_488 = tpu.vector_load %arg6[%parallel_loop3A_484, %parallel_loop3A_485, %parallel_loop3A_486, %parallel_loop3A_487] {strides = array<i32>} : memref<2x36x8x128xf32, #tpu.memory_space<vmem>>, vector<16xf32>,
        tpu.vector_store %arg6[%parallel_loop3A_484, %parallel_loop3A_485, %parallel_loop3A_486, %parallel_loop3A_487], %parallel_loop3A_479 {strides = array<i32>} : memref<2x36x8x128xf32, #tpu.memory_space<vmem>>, vector<16xf32>,
        %parallel_loop3A_489 = arith.constant 21 : i32
        %parallel_loop3A_490 = vector.broadcast %parallel_loop3A_489 : i32 to vector<16xi32>
        %parallel_loop3A_491 = arith.addi %parallel_loop3A_215, %parallel_loop3A_490 : vector<16xi32>
        %parallel_loop3A_492 = tpu.vector_load_idx %arg7[%parallel_loop3A_491] : memref<1296xf32, #tpu.memory_space<vmem>>[vector<16xi32>], vector<16xf32>,
        %parallel_loop3A_493 = arith.constant 16 : i32
        %parallel_loop3A_494 = arith.muli %parallel_loop3A_202, %parallel_loop3A_493 : i32
        %parallel_loop3A_495 = arith.constant 1 : i32
        %parallel_loop3A_496 = arith.constant 21 : i32
        %parallel_loop3A_497 = arith.index_cast %parallel_loop3A_495 : i32 to index
        %parallel_loop3A_498 = arith.index_cast %parallel_loop3A_496 : i32 to index
        %parallel_loop3A_499 = arith.index_cast %parallel_loop3A_199 : i32 to index
        %parallel_loop3A_500 = arith.index_cast %parallel_loop3A_494 : i32 to index
        %parallel_loop3A_501 = tpu.vector_load %arg6[%parallel_loop3A_497, %parallel_loop3A_498, %parallel_loop3A_499, %parallel_loop3A_500] {strides = array<i32>} : memref<2x36x8x128xf32, #tpu.memory_space<vmem>>, vector<16xf32>,
        tpu.vector_store %arg6[%parallel_loop3A_497, %parallel_loop3A_498, %parallel_loop3A_499, %parallel_loop3A_500], %parallel_loop3A_492 {strides = array<i32>} : memref<2x36x8x128xf32, #tpu.memory_space<vmem>>, vector<16xf32>,
        %parallel_loop3A_502 = arith.constant 22 : i32
        %parallel_loop3A_503 = vector.broadcast %parallel_loop3A_502 : i32 to vector<16xi32>
        %parallel_loop3A_504 = arith.addi %parallel_loop3A_215, %parallel_loop3A_503 : vector<16xi32>
        %parallel_loop3A_505 = tpu.vector_load_idx %arg7[%parallel_loop3A_504] : memref<1296xf32, #tpu.memory_space<vmem>>[vector<16xi32>], vector<16xf32>,
        %parallel_loop3A_506 = arith.constant 16 : i32
        %parallel_loop3A_507 = arith.muli %parallel_loop3A_202, %parallel_loop3A_506 : i32
        %parallel_loop3A_508 = arith.constant 1 : i32
        %parallel_loop3A_509 = arith.constant 22 : i32
        %parallel_loop3A_510 = arith.index_cast %parallel_loop3A_508 : i32 to index
        %parallel_loop3A_511 = arith.index_cast %parallel_loop3A_509 : i32 to index
        %parallel_loop3A_512 = arith.index_cast %parallel_loop3A_199 : i32 to index
        %parallel_loop3A_513 = arith.index_cast %parallel_loop3A_507 : i32 to index
        %parallel_loop3A_514 = tpu.vector_load %arg6[%parallel_loop3A_510, %parallel_loop3A_511, %parallel_loop3A_512, %parallel_loop3A_513] {strides = array<i32>} : memref<2x36x8x128xf32, #tpu.memory_space<vmem>>, vector<16xf32>,
        tpu.vector_store %arg6[%parallel_loop3A_510, %parallel_loop3A_511, %parallel_loop3A_512, %parallel_loop3A_513], %parallel_loop3A_505 {strides = array<i32>} : memref<2x36x8x128xf32, #tpu.memory_space<vmem>>, vector<16xf32>,
        %parallel_loop3A_515 = arith.constant 23 : i32
        %parallel_loop3A_516 = vector.broadcast %parallel_loop3A_515 : i32 to vector<16xi32>
        %parallel_loop3A_517 = arith.addi %parallel_loop3A_215, %parallel_loop3A_516 : vector<16xi32>
        %parallel_loop3A_518 = tpu.vector_load_idx %arg7[%parallel_loop3A_517] : memref<1296xf32, #tpu.memory_space<vmem>>[vector<16xi32>], vector<16xf32>,
        %parallel_loop3A_519 = arith.constant 16 : i32
        %parallel_loop3A_520 = arith.muli %parallel_loop3A_202, %parallel_loop3A_519 : i32
        %parallel_loop3A_521 = arith.constant 1 : i32
        %parallel_loop3A_522 = arith.constant 23 : i32
        %parallel_loop3A_523 = arith.index_cast %parallel_loop3A_521 : i32 to index
        %parallel_loop3A_524 = arith.index_cast %parallel_loop3A_522 : i32 to index
        %parallel_loop3A_525 = arith.index_cast %parallel_loop3A_199 : i32 to index
        %parallel_loop3A_526 = arith.index_cast %parallel_loop3A_520 : i32 to index
        %parallel_loop3A_527 = tpu.vector_load %arg6[%parallel_loop3A_523, %parallel_loop3A_524, %parallel_loop3A_525, %parallel_loop3A_526] {strides = array<i32>} : memref<2x36x8x128xf32, #tpu.memory_space<vmem>>, vector<16xf32>,
        tpu.vector_store %arg6[%parallel_loop3A_523, %parallel_loop3A_524, %parallel_loop3A_525, %parallel_loop3A_526], %parallel_loop3A_518 {strides = array<i32>} : memref<2x36x8x128xf32, #tpu.memory_space<vmem>>, vector<16xf32>,
        %parallel_loop3A_528 = arith.constant 24 : i32
        %parallel_loop3A_529 = vector.broadcast %parallel_loop3A_528 : i32 to vector<16xi32>
        %parallel_loop3A_530 = arith.addi %parallel_loop3A_215, %parallel_loop3A_529 : vector<16xi32>
        %parallel_loop3A_531 = tpu.vector_load_idx %arg7[%parallel_loop3A_530] : memref<1296xf32, #tpu.memory_space<vmem>>[vector<16xi32>], vector<16xf32>,
        %parallel_loop3A_532 = arith.constant 16 : i32
        %parallel_loop3A_533 = arith.muli %parallel_loop3A_202, %parallel_loop3A_532 : i32
        %parallel_loop3A_534 = arith.constant 1 : i32
        %parallel_loop3A_535 = arith.constant 24 : i32
        %parallel_loop3A_536 = arith.index_cast %parallel_loop3A_534 : i32 to index
        %parallel_loop3A_537 = arith.index_cast %parallel_loop3A_535 : i32 to index
        %parallel_loop3A_538 = arith.index_cast %parallel_loop3A_199 : i32 to index
        %parallel_loop3A_539 = arith.index_cast %parallel_loop3A_533 : i32 to index
        %parallel_loop3A_540 = tpu.vector_load %arg6[%parallel_loop3A_536, %parallel_loop3A_537, %parallel_loop3A_538, %parallel_loop3A_539] {strides = array<i32>} : memref<2x36x8x128xf32, #tpu.memory_space<vmem>>, vector<16xf32>,
        tpu.vector_store %arg6[%parallel_loop3A_536, %parallel_loop3A_537, %parallel_loop3A_538, %parallel_loop3A_539], %parallel_loop3A_531 {strides = array<i32>} : memref<2x36x8x128xf32, #tpu.memory_space<vmem>>, vector<16xf32>,
        %parallel_loop3A_541 = arith.constant 25 : i32
        %parallel_loop3A_542 = vector.broadcast %parallel_loop3A_541 : i32 to vector<16xi32>
        %parallel_loop3A_543 = arith.addi %parallel_loop3A_215, %parallel_loop3A_542 : vector<16xi32>
        %parallel_loop3A_544 = tpu.vector_load_idx %arg7[%parallel_loop3A_543] : memref<1296xf32, #tpu.memory_space<vmem>>[vector<16xi32>], vector<16xf32>,
        %parallel_loop3A_545 = arith.constant 16 : i32
        %parallel_loop3A_546 = arith.muli %parallel_loop3A_202, %parallel_loop3A_545 : i32
        %parallel_loop3A_547 = arith.constant 1 : i32
        %parallel_loop3A_548 = arith.constant 25 : i32
        %parallel_loop3A_549 = arith.index_cast %parallel_loop3A_547 : i32 to index
        %parallel_loop3A_550 = arith.index_cast %parallel_loop3A_548 : i32 to index
        %parallel_loop3A_551 = arith.index_cast %parallel_loop3A_199 : i32 to index
        %parallel_loop3A_552 = arith.index_cast %parallel_loop3A_546 : i32 to index
        %parallel_loop3A_553 = tpu.vector_load %arg6[%parallel_loop3A_549, %parallel_loop3A_550, %parallel_loop3A_551, %parallel_loop3A_552] {strides = array<i32>} : memref<2x36x8x128xf32, #tpu.memory_space<vmem>>, vector<16xf32>,
        tpu.vector_store %arg6[%parallel_loop3A_549, %parallel_loop3A_550, %parallel_loop3A_551, %parallel_loop3A_552], %parallel_loop3A_544 {strides = array<i32>} : memref<2x36x8x128xf32, #tpu.memory_space<vmem>>, vector<16xf32>,
        %parallel_loop3A_554 = arith.constant 26 : i32
        %parallel_loop3A_555 = vector.broadcast %parallel_loop3A_554 : i32 to vector<16xi32>
        %parallel_loop3A_556 = arith.addi %parallel_loop3A_215, %parallel_loop3A_555 : vector<16xi32>
        %parallel_loop3A_557 = tpu.vector_load_idx %arg7[%parallel_loop3A_556] : memref<1296xf32, #tpu.memory_space<vmem>>[vector<16xi32>], vector<16xf32>,
        %parallel_loop3A_558 = arith.constant 16 : i32
        %parallel_loop3A_559 = arith.muli %parallel_loop3A_202, %parallel_loop3A_558 : i32
        %parallel_loop3A_560 = arith.constant 1 : i32
        %parallel_loop3A_561 = arith.constant 26 : i32
        %parallel_loop3A_562 = arith.index_cast %parallel_loop3A_560 : i32 to index
        %parallel_loop3A_563 = arith.index_cast %parallel_loop3A_561 : i32 to index
        %parallel_loop3A_564 = arith.index_cast %parallel_loop3A_199 : i32 to index
        %parallel_loop3A_565 = arith.index_cast %parallel_loop3A_559 : i32 to index
        %parallel_loop3A_566 = tpu.vector_load %arg6[%parallel_loop3A_562, %parallel_loop3A_563, %parallel_loop3A_564, %parallel_loop3A_565] {strides = array<i32>} : memref<2x36x8x128xf32, #tpu.memory_space<vmem>>, vector<16xf32>,
        tpu.vector_store %arg6[%parallel_loop3A_562, %parallel_loop3A_563, %parallel_loop3A_564, %parallel_loop3A_565], %parallel_loop3A_557 {strides = array<i32>} : memref<2x36x8x128xf32, #tpu.memory_space<vmem>>, vector<16xf32>,
        %parallel_loop3A_567 = arith.constant 27 : i32
        %parallel_loop3A_568 = vector.broadcast %parallel_loop3A_567 : i32 to vector<16xi32>
        %parallel_loop3A_569 = arith.addi %parallel_loop3A_215, %parallel_loop3A_568 : vector<16xi32>
        %parallel_loop3A_570 = tpu.vector_load_idx %arg7[%parallel_loop3A_569] : memref<1296xf32, #tpu.memory_space<vmem>>[vector<16xi32>], vector<16xf32>,
        %parallel_loop3A_571 = arith.constant 16 : i32
        %parallel_loop3A_572 = arith.muli %parallel_loop3A_202, %parallel_loop3A_571 : i32
        %parallel_loop3A_573 = arith.constant 1 : i32
        %parallel_loop3A_574 = arith.constant 27 : i32
        %parallel_loop3A_575 = arith.index_cast %parallel_loop3A_573 : i32 to index
        %parallel_loop3A_576 = arith.index_cast %parallel_loop3A_574 : i32 to index
        %parallel_loop3A_577 = arith.index_cast %parallel_loop3A_199 : i32 to index
        %parallel_loop3A_578 = arith.index_cast %parallel_loop3A_572 : i32 to index
        %parallel_loop3A_579 = tpu.vector_load %arg6[%parallel_loop3A_575, %parallel_loop3A_576, %parallel_loop3A_577, %parallel_loop3A_578] {strides = array<i32>} : memref<2x36x8x128xf32, #tpu.memory_space<vmem>>, vector<16xf32>,
        tpu.vector_store %arg6[%parallel_loop3A_575, %parallel_loop3A_576, %parallel_loop3A_577, %parallel_loop3A_578], %parallel_loop3A_570 {strides = array<i32>} : memref<2x36x8x128xf32, #tpu.memory_space<vmem>>, vector<16xf32>,
        %parallel_loop3A_580 = arith.constant 28 : i32
        %parallel_loop3A_581 = vector.broadcast %parallel_loop3A_580 : i32 to vector<16xi32>
        %parallel_loop3A_582 = arith.addi %parallel_loop3A_215, %parallel_loop3A_581 : vector<16xi32>
        %parallel_loop3A_583 = tpu.vector_load_idx %arg7[%parallel_loop3A_582] : memref<1296xf32, #tpu.memory_space<vmem>>[vector<16xi32>], vector<16xf32>,
        %parallel_loop3A_584 = arith.constant 16 : i32
        %parallel_loop3A_585 = arith.muli %parallel_loop3A_202, %parallel_loop3A_584 : i32
        %parallel_loop3A_586 = arith.constant 1 : i32
        %parallel_loop3A_587 = arith.constant 28 : i32
        %parallel_loop3A_588 = arith.index_cast %parallel_loop3A_586 : i32 to index
        %parallel_loop3A_589 = arith.index_cast %parallel_loop3A_587 : i32 to index
        %parallel_loop3A_590 = arith.index_cast %parallel_loop3A_199 : i32 to index
        %parallel_loop3A_591 = arith.index_cast %parallel_loop3A_585 : i32 to index
        %parallel_loop3A_592 = tpu.vector_load %arg6[%parallel_loop3A_588, %parallel_loop3A_589, %parallel_loop3A_590, %parallel_loop3A_591] {strides = array<i32>} : memref<2x36x8x128xf32, #tpu.memory_space<vmem>>, vector<16xf32>,
        tpu.vector_store %arg6[%parallel_loop3A_588, %parallel_loop3A_589, %parallel_loop3A_590, %parallel_loop3A_591], %parallel_loop3A_583 {strides = array<i32>} : memref<2x36x8x128xf32, #tpu.memory_space<vmem>>, vector<16xf32>,
        %parallel_loop3A_593 = arith.constant 29 : i32
        %parallel_loop3A_594 = vector.broadcast %parallel_loop3A_593 : i32 to vector<16xi32>
        %parallel_loop3A_595 = arith.addi %parallel_loop3A_215, %parallel_loop3A_594 : vector<16xi32>
        %parallel_loop3A_596 = tpu.vector_load_idx %arg7[%parallel_loop3A_595] : memref<1296xf32, #tpu.memory_space<vmem>>[vector<16xi32>], vector<16xf32>,
        %parallel_loop3A_597 = arith.constant 16 : i32
        %parallel_loop3A_598 = arith.muli %parallel_loop3A_202, %parallel_loop3A_597 : i32
        %parallel_loop3A_599 = arith.constant 1 : i32
        %parallel_loop3A_600 = arith.constant 29 : i32
        %parallel_loop3A_601 = arith.index_cast %parallel_loop3A_599 : i32 to index
        %parallel_loop3A_602 = arith.index_cast %parallel_loop3A_600 : i32 to index
        %parallel_loop3A_603 = arith.index_cast %parallel_loop3A_199 : i32 to index
        %parallel_loop3A_604 = arith.index_cast %parallel_loop3A_598 : i32 to index
        %parallel_loop3A_605 = tpu.vector_load %arg6[%parallel_loop3A_601, %parallel_loop3A_602, %parallel_loop3A_603, %parallel_loop3A_604] {strides = array<i32>} : memref<2x36x8x128xf32, #tpu.memory_space<vmem>>, vector<16xf32>,
        tpu.vector_store %arg6[%parallel_loop3A_601, %parallel_loop3A_602, %parallel_loop3A_603, %parallel_loop3A_604], %parallel_loop3A_596 {strides = array<i32>} : memref<2x36x8x128xf32, #tpu.memory_space<vmem>>, vector<16xf32>,
        %parallel_loop3A_606 = arith.constant 30 : i32
        %parallel_loop3A_607 = vector.broadcast %parallel_loop3A_606 : i32 to vector<16xi32>
        %parallel_loop3A_608 = arith.addi %parallel_loop3A_215, %parallel_loop3A_607 : vector<16xi32>
        %parallel_loop3A_609 = tpu.vector_load_idx %arg7[%parallel_loop3A_608] : memref<1296xf32, #tpu.memory_space<vmem>>[vector<16xi32>], vector<16xf32>,
        %parallel_loop3A_610 = arith.constant 16 : i32
        %parallel_loop3A_611 = arith.muli %parallel_loop3A_202, %parallel_loop3A_610 : i32
        %parallel_loop3A_612 = arith.constant 1 : i32
        %parallel_loop3A_613 = arith.constant 30 : i32
        %parallel_loop3A_614 = arith.index_cast %parallel_loop3A_612 : i32 to index
        %parallel_loop3A_615 = arith.index_cast %parallel_loop3A_613 : i32 to index
        %parallel_loop3A_616 = arith.index_cast %parallel_loop3A_199 : i32 to index
        %parallel_loop3A_617 = arith.index_cast %parallel_loop3A_611 : i32 to index
        %parallel_loop3A_618 = tpu.vector_load %arg6[%parallel_loop3A_614, %parallel_loop3A_615, %parallel_loop3A_616, %parallel_loop3A_617] {strides = array<i32>} : memref<2x36x8x128xf32, #tpu.memory_space<vmem>>, vector<16xf32>,
        tpu.vector_store %arg6[%parallel_loop3A_614, %parallel_loop3A_615, %parallel_loop3A_616, %parallel_loop3A_617], %parallel_loop3A_609 {strides = array<i32>} : memref<2x36x8x128xf32, #tpu.memory_space<vmem>>, vector<16xf32>,
        %parallel_loop3A_619 = arith.constant 31 : i32
        %parallel_loop3A_620 = vector.broadcast %parallel_loop3A_619 : i32 to vector<16xi32>
        %parallel_loop3A_621 = arith.addi %parallel_loop3A_215, %parallel_loop3A_620 : vector<16xi32>
        %parallel_loop3A_622 = tpu.vector_load_idx %arg7[%parallel_loop3A_621] : memref<1296xf32, #tpu.memory_space<vmem>>[vector<16xi32>], vector<16xf32>,
        %parallel_loop3A_623 = arith.constant 16 : i32
        %parallel_loop3A_624 = arith.muli %parallel_loop3A_202, %parallel_loop3A_623 : i32
        %parallel_loop3A_625 = arith.constant 1 : i32
        %parallel_loop3A_626 = arith.constant 31 : i32
        %parallel_loop3A_627 = arith.index_cast %parallel_loop3A_625 : i32 to index
        %parallel_loop3A_628 = arith.index_cast %parallel_loop3A_626 : i32 to index
        %parallel_loop3A_629 = arith.index_cast %parallel_loop3A_199 : i32 to index
        %parallel_loop3A_630 = arith.index_cast %parallel_loop3A_624 : i32 to index
        %parallel_loop3A_631 = tpu.vector_load %arg6[%parallel_loop3A_627, %parallel_loop3A_628, %parallel_loop3A_629, %parallel_loop3A_630] {strides = array<i32>} : memref<2x36x8x128xf32, #tpu.memory_space<vmem>>, vector<16xf32>,
        tpu.vector_store %arg6[%parallel_loop3A_627, %parallel_loop3A_628, %parallel_loop3A_629, %parallel_loop3A_630], %parallel_loop3A_622 {strides = array<i32>} : memref<2x36x8x128xf32, #tpu.memory_space<vmem>>, vector<16xf32>,
        %parallel_loop3A_632 = arith.constant 32 : i32
        %parallel_loop3A_633 = vector.broadcast %parallel_loop3A_632 : i32 to vector<16xi32>
        %parallel_loop3A_634 = arith.addi %parallel_loop3A_215, %parallel_loop3A_633 : vector<16xi32>
        %parallel_loop3A_635 = tpu.vector_load_idx %arg7[%parallel_loop3A_634] : memref<1296xf32, #tpu.memory_space<vmem>>[vector<16xi32>], vector<16xf32>,
        %parallel_loop3A_636 = arith.constant 16 : i32
        %parallel_loop3A_637 = arith.muli %parallel_loop3A_202, %parallel_loop3A_636 : i32
        %parallel_loop3A_638 = arith.constant 1 : i32
        %parallel_loop3A_639 = arith.constant 32 : i32
        %parallel_loop3A_640 = arith.index_cast %parallel_loop3A_638 : i32 to index
        %parallel_loop3A_641 = arith.index_cast %parallel_loop3A_639 : i32 to index
        %parallel_loop3A_642 = arith.index_cast %parallel_loop3A_199 : i32 to index
        %parallel_loop3A_643 = arith.index_cast %parallel_loop3A_637 : i32 to index
        %parallel_loop3A_644 = tpu.vector_load %arg6[%parallel_loop3A_640, %parallel_loop3A_641, %parallel_loop3A_642, %parallel_loop3A_643] {strides = array<i32>} : memref<2x36x8x128xf32, #tpu.memory_space<vmem>>, vector<16xf32>,
        tpu.vector_store %arg6[%parallel_loop3A_640, %parallel_loop3A_641, %parallel_loop3A_642, %parallel_loop3A_643], %parallel_loop3A_635 {strides = array<i32>} : memref<2x36x8x128xf32, #tpu.memory_space<vmem>>, vector<16xf32>,
        %parallel_loop3A_645 = arith.constant 33 : i32
        %parallel_loop3A_646 = vector.broadcast %parallel_loop3A_645 : i32 to vector<16xi32>
        %parallel_loop3A_647 = arith.addi %parallel_loop3A_215, %parallel_loop3A_646 : vector<16xi32>
        %parallel_loop3A_648 = tpu.vector_load_idx %arg7[%parallel_loop3A_647] : memref<1296xf32, #tpu.memory_space<vmem>>[vector<16xi32>], vector<16xf32>,
        %parallel_loop3A_649 = arith.constant 16 : i32
        %parallel_loop3A_650 = arith.muli %parallel_loop3A_202, %parallel_loop3A_649 : i32
        %parallel_loop3A_651 = arith.constant 1 : i32
        %parallel_loop3A_652 = arith.constant 33 : i32
        %parallel_loop3A_653 = arith.index_cast %parallel_loop3A_651 : i32 to index
        %parallel_loop3A_654 = arith.index_cast %parallel_loop3A_652 : i32 to index
        %parallel_loop3A_655 = arith.index_cast %parallel_loop3A_199 : i32 to index
        %parallel_loop3A_656 = arith.index_cast %parallel_loop3A_650 : i32 to index
        %parallel_loop3A_657 = tpu.vector_load %arg6[%parallel_loop3A_653, %parallel_loop3A_654, %parallel_loop3A_655, %parallel_loop3A_656] {strides = array<i32>} : memref<2x36x8x128xf32, #tpu.memory_space<vmem>>, vector<16xf32>,
        tpu.vector_store %arg6[%parallel_loop3A_653, %parallel_loop3A_654, %parallel_loop3A_655, %parallel_loop3A_656], %parallel_loop3A_648 {strides = array<i32>} : memref<2x36x8x128xf32, #tpu.memory_space<vmem>>, vector<16xf32>,
        %parallel_loop3A_658 = arith.constant 34 : i32
        %parallel_loop3A_659 = vector.broadcast %parallel_loop3A_658 : i32 to vector<16xi32>
        %parallel_loop3A_660 = arith.addi %parallel_loop3A_215, %parallel_loop3A_659 : vector<16xi32>
        %parallel_loop3A_661 = tpu.vector_load_idx %arg7[%parallel_loop3A_660] : memref<1296xf32, #tpu.memory_space<vmem>>[vector<16xi32>], vector<16xf32>,
        %parallel_loop3A_662 = arith.constant 16 : i32
        %parallel_loop3A_663 = arith.muli %parallel_loop3A_202, %parallel_loop3A_662 : i32
        %parallel_loop3A_664 = arith.constant 1 : i32
        %parallel_loop3A_665 = arith.constant 34 : i32
        %parallel_loop3A_666 = arith.index_cast %parallel_loop3A_664 : i32 to index
        %parallel_loop3A_667 = arith.index_cast %parallel_loop3A_665 : i32 to index
        %parallel_loop3A_668 = arith.index_cast %parallel_loop3A_199 : i32 to index
        %parallel_loop3A_669 = arith.index_cast %parallel_loop3A_663 : i32 to index
        %parallel_loop3A_670 = tpu.vector_load %arg6[%parallel_loop3A_666, %parallel_loop3A_667, %parallel_loop3A_668, %parallel_loop3A_669] {strides = array<i32>} : memref<2x36x8x128xf32, #tpu.memory_space<vmem>>, vector<16xf32>,
        tpu.vector_store %arg6[%parallel_loop3A_666, %parallel_loop3A_667, %parallel_loop3A_668, %parallel_loop3A_669], %parallel_loop3A_661 {strides = array<i32>} : memref<2x36x8x128xf32, #tpu.memory_space<vmem>>, vector<16xf32>,
        %parallel_loop3A_671 = arith.constant 35 : i32
        %parallel_loop3A_672 = vector.broadcast %parallel_loop3A_671 : i32 to vector<16xi32>
        %parallel_loop3A_673 = arith.addi %parallel_loop3A_215, %parallel_loop3A_672 : vector<16xi32>
        %parallel_loop3A_674 = tpu.vector_load_idx %arg7[%parallel_loop3A_673] : memref<1296xf32, #tpu.memory_space<vmem>>[vector<16xi32>], vector<16xf32>,
        %parallel_loop3A_675 = arith.constant 16 : i32
        %parallel_loop3A_676 = arith.muli %parallel_loop3A_202, %parallel_loop3A_675 : i32
        %parallel_loop3A_677 = arith.constant 1 : i32
        %parallel_loop3A_678 = arith.constant 35 : i32
        %parallel_loop3A_679 = arith.index_cast %parallel_loop3A_677 : i32 to index
        %parallel_loop3A_680 = arith.index_cast %parallel_loop3A_678 : i32 to index
        %parallel_loop3A_681 = arith.index_cast %parallel_loop3A_199 : i32 to index
        %parallel_loop3A_682 = arith.index_cast %parallel_loop3A_676 : i32 to index
        %parallel_loop3A_683 = tpu.vector_load %arg6[%parallel_loop3A_679, %parallel_loop3A_680, %parallel_loop3A_681, %parallel_loop3A_682] {strides = array<i32>} : memref<2x36x8x128xf32, #tpu.memory_space<vmem>>, vector<16xf32>,
        tpu.vector_store %arg6[%parallel_loop3A_679, %parallel_loop3A_680, %parallel_loop3A_681, %parallel_loop3A_682], %parallel_loop3A_674 {strides = array<i32>} : memref<2x36x8x128xf32, #tpu.memory_space<vmem>>, vector<16xf32>,
      } {sc.loop_unroll_factor = 1 : i64, sc.parallel_access}
      %dma_start3A_154 = arith.constant 1 : i32
      %dma_start3A_155 = arith.constant 0 : i32
      %dma_start3A_156 = arith.constant 0 : i32
      %dma_start3A_157 = arith.constant 0 : i32
      %dma_start3A_158 = tpu.memref_slice %arg6[%dma_start3A_154, %dma_start3A_155, %dma_start3A_156, %dma_start3A_157] : memref<2x36x8x128xf32, #tpu.memory_space<vmem>> -> memref<1x36x8x128xf32, #tpu.memory_space<vmem>>
      %dma_start3A_159 = tpu.memref_squeeze %dma_start3A_158 : memref<1x36x8x128xf32, #tpu.memory_space<vmem>> -> memref<36x8x128xf32, #tpu.memory_space<vmem>>
      %dma_start3A_160 = arith.constant 0 : i32
      %dma_start3A_161 = arith.constant 0 : i32
      %dma_start3A_162 = arith.constant 0 : i32
      %dma_start3A_163 = tpu.memref_slice %arg4[%dma_start3A_160, %sub3A_137, %add3A_140, %dma_start3A_161, %dma_start3A_162] : memref<36x25x128x8x128xf32, #tpu.memory_space<hbm>> -> memref<36x1x1x8x128xf32, #tpu.memory_space<hbm>>
      %dma_start3A_164 = tpu.memref_squeeze %dma_start3A_163 : memref<36x1x1x8x128xf32, #tpu.memory_space<hbm>> -> memref<36x8x128xf32, #tpu.memory_space<hbm>>
      %dma_start3A_165 = arith.constant 0 : i32
      %dma_start3A_166 = arith.constant 0 : i32
      %dma_start3A_167 = arith.constant 0 : i32
      %dma_start3A_168 = tpu.memref_slice %arg4[%dma_start3A_165, %sub3A_137, %add3A_140, %dma_start3A_166, %dma_start3A_167] : memref<36x25x128x8x128xf32, #tpu.memory_space<hbm>> -> memref<36x1x1x8x128xf32, #tpu.memory_space<hbm>>
      %dma_start3A_169 = tpu.memref_squeeze %dma_start3A_168 : memref<36x1x1x8x128xf32, #tpu.memory_space<hbm>> -> memref<36x8x128xf32, #tpu.memory_space<hbm>>
      %dma_start3A_170 = arith.constant 0 : i32
      %dma_start3A_171 = arith.constant 0 : i32
      %dma_start3A_172 = arith.constant 0 : i32
      %dma_start3A_173 = tpu.memref_slice %arg6[%dma_start3A_154, %dma_start3A_170, %dma_start3A_171, %dma_start3A_172] : memref<2x36x8x128xf32, #tpu.memory_space<vmem>> -> memref<1x36x8x128xf32, #tpu.memory_space<vmem>>
      %dma_start3A_174 = tpu.memref_squeeze %dma_start3A_173 : memref<1x36x8x128xf32, #tpu.memory_space<vmem>> -> memref<36x8x128xf32, #tpu.memory_space<vmem>>
      tpu.enqueue_dma source(%dma_start3A_174 : memref<36x8x128xf32, #tpu.memory_space<vmem>>) target(%dma_start3A_169 : memref<36x8x128xf32, #tpu.memory_space<hbm>>) target_semaphore(%arg9 : memref<!tpu.dma_semaphore, #tpu.memory_space<semaphore_mem>>)
    }
    %scan3A_8 = arith.constant 50 : i32
    %dma_wait3A = arith.constant 0 : i32
    %dma_wait3A_9 = arith.constant 0 : i32
    %dma_wait3A_10 = arith.constant 0 : i32
    %dma_wait3A_11 = arith.constant 0 : i32
    %dma_wait3A_12 = arith.constant 0 : i32
    %dma_wait3A_13 = arith.constant 0 : i32
    %dma_wait3A_14 = tpu.memref_slice %arg6[%dma_wait3A, %dma_wait3A_11, %dma_wait3A_12, %dma_wait3A_13] : memref<2x36x8x128xf32, #tpu.memory_space<vmem>> -> memref<1x36x8x128xf32, #tpu.memory_space<vmem>>
    %dma_wait3A_15 = tpu.memref_squeeze %dma_wait3A_14 : memref<1x36x8x128xf32, #tpu.memory_space<vmem>> -> memref<36x8x128xf32, #tpu.memory_space<vmem>>
    %dma_wait3A_16 = arith.constant 0 : i32
    %dma_wait3A_17 = arith.constant 0 : i32
    %dma_wait3A_18 = arith.constant 0 : i32
    %dma_wait3A_19 = tpu.memref_slice %arg4[%dma_wait3A_16, %dma_wait3A_9, %dma_wait3A_10, %dma_wait3A_17, %dma_wait3A_18] : memref<36x25x128x8x128xf32, #tpu.memory_space<hbm>> -> memref<36x1x1x8x128xf32, #tpu.memory_space<hbm>>
    %dma_wait3A_20 = tpu.memref_squeeze %dma_wait3A_19 : memref<36x1x1x8x128xf32, #tpu.memory_space<hbm>> -> memref<36x8x128xf32, #tpu.memory_space<hbm>>
    %dma_wait3A_21 = arith.constant 0 : i32
    %dma_wait3A_22 = arith.constant 0 : i32
    %dma_wait3A_23 = arith.constant 0 : i32
    %dma_wait3A_24 = tpu.memref_slice %arg4[%dma_wait3A_21, %dma_wait3A_9, %dma_wait3A_10, %dma_wait3A_22, %dma_wait3A_23] : memref<36x25x128x8x128xf32, #tpu.memory_space<hbm>> -> memref<36x1x1x8x128xf32, #tpu.memory_space<hbm>>
    %dma_wait3A_25 = tpu.memref_squeeze %dma_wait3A_24 : memref<36x1x1x8x128xf32, #tpu.memory_space<hbm>> -> memref<36x8x128xf32, #tpu.memory_space<hbm>>
    %dma_wait3A_26 = arith.constant 0 : i32
    %dma_wait3A_27 = arith.constant 0 : i32
    %dma_wait3A_28 = arith.constant 0 : i32
    %dma_wait3A_29 = tpu.memref_slice %arg6[%dma_wait3A, %dma_wait3A_26, %dma_wait3A_27, %dma_wait3A_28] : memref<2x36x8x128xf32, #tpu.memory_space<vmem>> -> memref<1x36x8x128xf32, #tpu.memory_space<vmem>>
    %dma_wait3A_30 = tpu.memref_squeeze %dma_wait3A_29 : memref<1x36x8x128xf32, #tpu.memory_space<vmem>> -> memref<36x8x128xf32, #tpu.memory_space<vmem>>
    tpu.wait_dma2 semaphore(%arg8 : memref<!tpu.dma_semaphore, #tpu.memory_space<semaphore_mem>>) src(%dma_wait3A_30 : memref<36x8x128xf32, #tpu.memory_space<vmem>>) dst(%dma_wait3A_25 : memref<36x8x128xf32, #tpu.memory_space<hbm>>)
    %dma_wait3A_31 = arith.constant 1 : i32
    %dma_wait3A_32 = arith.constant 0 : i32
    %dma_wait3A_33 = arith.constant 0 : i32
    %dma_wait3A_34 = arith.constant 0 : i32
    %dma_wait3A_35 = arith.constant 0 : i32
    %dma_wait3A_36 = arith.constant 0 : i32
    %dma_wait3A_37 = tpu.memref_slice %arg6[%dma_wait3A_31, %dma_wait3A_34, %dma_wait3A_35, %dma_wait3A_36] : memref<2x36x8x128xf32, #tpu.memory_space<vmem>> -> memref<1x36x8x128xf32, #tpu.memory_space<vmem>>
    %dma_wait3A_38 = tpu.memref_squeeze %dma_wait3A_37 : memref<1x36x8x128xf32, #tpu.memory_space<vmem>> -> memref<36x8x128xf32, #tpu.memory_space<vmem>>
    %dma_wait3A_39 = arith.constant 0 : i32
    %dma_wait3A_40 = arith.constant 0 : i32
    %dma_wait3A_41 = arith.constant 0 : i32
    %dma_wait3A_42 = tpu.memref_slice %arg4[%dma_wait3A_39, %dma_wait3A_32, %dma_wait3A_33, %dma_wait3A_40, %dma_wait3A_41] : memref<36x25x128x8x128xf32, #tpu.memory_space<hbm>> -> memref<36x1x1x8x128xf32, #tpu.memory_space<hbm>>
    %dma_wait3A_43 = tpu.memref_squeeze %dma_wait3A_42 : memref<36x1x1x8x128xf32, #tpu.memory_space<hbm>> -> memref<36x8x128xf32, #tpu.memory_space<hbm>>
    %dma_wait3A_44 = arith.constant 0 : i32
    %dma_wait3A_45 = arith.constant 0 : i32
    %dma_wait3A_46 = arith.constant 0 : i32
    %dma_wait3A_47 = tpu.memref_slice %arg4[%dma_wait3A_44, %dma_wait3A_32, %dma_wait3A_33, %dma_wait3A_45, %dma_wait3A_46] : memref<36x25x128x8x128xf32, #tpu.memory_space<hbm>> -> memref<36x1x1x8x128xf32, #tpu.memory_space<hbm>>
    %dma_wait3A_48 = tpu.memref_squeeze %dma_wait3A_47 : memref<36x1x1x8x128xf32, #tpu.memory_space<hbm>> -> memref<36x8x128xf32, #tpu.memory_space<hbm>>
    %dma_wait3A_49 = arith.constant 0 : i32
    %dma_wait3A_50 = arith.constant 0 : i32
    %dma_wait3A_51 = arith.constant 0 : i32
    %dma_wait3A_52 = tpu.memref_slice %arg6[%dma_wait3A_31, %dma_wait3A_49, %dma_wait3A_50, %dma_wait3A_51] : memref<2x36x8x128xf32, #tpu.memory_space<vmem>> -> memref<1x36x8x128xf32, #tpu.memory_space<vmem>>
    %dma_wait3A_53 = tpu.memref_squeeze %dma_wait3A_52 : memref<1x36x8x128xf32, #tpu.memory_space<vmem>> -> memref<36x8x128xf32, #tpu.memory_space<vmem>>
    tpu.wait_dma2 semaphore(%arg9 : memref<!tpu.dma_semaphore, #tpu.memory_space<semaphore_mem>>) src(%dma_wait3A_53 : memref<36x8x128xf32, #tpu.memory_space<vmem>>) dst(%dma_wait3A_48 : memref<36x8x128xf32, #tpu.memory_space<hbm>>)
    return
  }
}

</mosaic_0001>

<sc_bundles>
// kernel: kernel.3.cloned.1.call-start
scs
__scs_entry_jumppad:
0x0: {  	(pc) =	sbr.rel $0x88, $3  }
0x1: {  	(tag) =	ssettag $0x0;
	lr =	simm.s32 $0x1  }
0x2: {  	[smem:$0x3F9F] =	sst lr;
	_ =	strace $0xD0000000  }
0x3: {  	_ = 	snop  }
0x4: {  	_ = 	snop  }
0x5: {  	_ = 	snop  }
0x6: {  	_ = 	snop  }
0x7: {  	_ = 	snop  }
__scs_overlays_trampoline_lowered:
0x8: {  	[smem:$0x3FAE] =	sst s0  }
0x9: {  	[smem:$0x3FAF] =	sst s1  }
0xa: {  	[smem:$0x3FB0] =	sst s2  }
0xb: {  	[smem:$0x3FB1] =	sst s3  }
0xc: {  	[smem:$0x3FB2] =	sst s4  }
0xd: {  	[smem:$0x3FB3] =	sst s5  }
0xe: {  	[smem:$0x3FB4] =	sst s6  }
0xf: {  	[smem:$0x3FB5] =	sst s7  }
0x10: {  	[smem:$0x3FB6] =	sst s8  }
0x11: {  	[smem:$0x3FB7] =	sst s9;
	s0 =	simm.s32 @!p0 $0x0  }
0x12: {  	s1 =	sld [smem:$0x3F9D];
	s0 =	simm.s32 @p0 $0x1  }
0x13: {  	[smem:$0x3FB8] =	sst s0;
	s0 =	simm.s32 @!p1 $0x0  }
0x14: {  	s2 =	sld [smem:$0x3F9C];
	s0 =	simm.s32 @p1 $0x1  }
0x15: {  	[smem:$0x3FB9] =	sst s0;
	s0 =	simm.s32 @!p2 $0x0  }
0x16: {  	s3 =	sld [smem:$0x3FDB];
	s0 =	simm.s32 @p2 $0x1  }
0x17: {  	s4 =	simm.s32 $0x1BF5;
	[smem:$0x3FBB] =	sst s0  }
0x18: {  	s0 =	sld [smem:$0x3F9E];
	_ =	swait.ge [sflag:s4], $0x0  }
0x19: {  	s7 =	sld [smem:$0x3F9F]  }
0x1a: {  	s8 =	sadd.s32 $0xFFFFE003, lr  }
0x1b: {  	s9 =	sadd.s32 $0xFFFFFEF7, lr;
	s5 =	simm.s32 $0xFFFFFFFF;
	p2 =	slt.u32 s8, $0xFFFFF086  }
0x1c: {  	p1 =	slt.u32 s9, $0xF7A;
	s5 =	simm.s32 @!p2 $0x0  }
0x1d: {  	s5 =	simm.s32 @p1 $0x1;
	p0 =	seq.s32 s7, s2  }
0x1e: {  	s7 =	smul.u32 @!p0 $0xF7A, s2;
	p2 =	seq.s32 @!p0 s5, $0x0  }
0x1f: {  	s9 =	smul.u32 $0xF7A, s1;
	s8 =	simm.s32 @!p0 $0x1BF5;
	p2 =	por !p2, p0  }
0x20: {  	[sflag:s8] =	ssyncset.s32 @!p0 $0xFFFFF086;
	s6 =	sadd.s32 @!p0 s3, s7;
	s7 =	simm.s32 @!p0 $0x108  }
0x21: {  	s3 =	sadd.s32 s3, s9;
	s6 =	sadd.s32 @!p0 $0x88, s6;
	s7 =	simm.s32 @p2 $0x1082  }
0x22: {  	[simem:s7], [sflag:s8] =	dma.local @!p0 [hbm:s6], $0xF7A  }
0x23: {  	s9 =	sor.u32 $0xD0000000, s2;
	s6 =	simm.s32 $0x108;
	_ =	swait.ge @!p0 [sflag:s8], $0x0  }
0x24: {  	s3 =	sadd.s32 $0x88, s3;
	s6 =	simm.s32 @!p1 $0x1082;
	[sflag:s4] =	ssyncset.s32 $0xFFFFF086  }
0x25: {  	[simem:s6], [sflag:s4] =	dma.local [hbm:s3], $0xF7A  }
0x26: {  	[smem:$0x3F9F] =	sst s1;
	(tag) =	ssettag s2;
	_ =	strace s9  }
0x27: {  	s1 =	sld [smem:$0x3FAF]  }
0x28: {  	s2 =	sld [smem:$0x3FB0]  }
0x29: {  	s4 =	sld [smem:$0x3FB2]  }
0x2a: {  	p0 =	seq.s32 s5, $0x0;
	s5 =	sld [smem:$0x3FB3]  }
0x2b: {  	s6 =	sld [smem:$0x3FB4]  }
0x2c: {  	s7 =	sld [smem:$0x3FB5]  }
0x2d: {  	s3 =	simm.s32 $0x108;
	s8 =	sld [smem:$0x3FB6]  }
0x2e: {  	s3 =	simm.s32 @!p0 $0x1082;
	s9 =	sld [smem:$0x3FB7]  }
0x2f: {  	lr =	sadd.s32 s0, s3;
	s0 =	sld [smem:$0x3FAE]  }
0x30: {  	s3 =	sld [smem:$0x3FB1]  }
0x31: {  	[smem:$0x3FBA] =	sst s10  }
0x32: {  	s10 =	sld [smem:$0x3FB8];
	_ =	sdelay $0x3  }
0x33: {  	p0 =	seq.s32 s10, $0x1;
	s10 =	sld [smem:$0x3FBA];
	_ =	sdelay $0x3  }
0x34: {  	[smem:$0x3FBA] =	sst s10  }
0x35: {  	s10 =	sld [smem:$0x3FB9];
	_ =	sdelay $0x3  }
0x36: {  	p1 =	seq.s32 s10, $0x1;
	s10 =	sld [smem:$0x3FBA];
	_ =	sdelay $0x3  }
0x37: {  	[smem:$0x3FBA] =	sst s10  }
0x38: {  	s10 =	sld [smem:$0x3FBB]  }
0x39: {  	_ = 	snop;
	(pc) =	sbr.ind lr, $3  }
0x3a: {  	_ = 	snop  }
0x3b: {  	_ = 	snop  }
0x3c: {  	p2 =	seq.s32 s10, $0x1;
	s10 =	sld [smem:$0x3FBA]  }
0x3d: {  	_ =	shalt  }
0x3e: {  	_ =	shalt  }
0x3f: {  	_ =	shalt  }
0x40: {  	_ =	shalt  }
0x41: {  	_ =	shalt  }
0x42: {  	_ =	shalt  }
0x43: {  	_ =	shalt  }
0x44: {  	_ =	shalt  }
0x45: {  	_ =	shalt  }
0x46: {  	_ =	shalt  }
0x47: {  	_ =	shalt  }
0x48: {  	_ =	shalt  }
0x49: {  	_ =	shalt  }
0x4a: {  	_ =	shalt  }
0x4b: {  	_ =	shalt  }
0x4c: {  	_ =	shalt  }
0x4d: {  	_ =	shalt  }
0x4e: {  	_ =	shalt  }
0x4f: {  	_ =	shalt  }
0x50: {  	_ =	shalt  }
0x51: {  	_ =	shalt  }
0x52: {  	_ =	shalt  }
0x53: {  	_ =	shalt  }
0x54: {  	_ =	shalt  }
0x55: {  	_ =	shalt  }
0x56: {  	_ =	shalt  }
0x57: {  	_ =	shalt  }
0x58: {  	_ =	shalt  }
0x59: {  	_ =	shalt  }
0x5a: {  	_ =	shalt  }
0x5b: {  	_ =	shalt  }
0x5c: {  	_ =	shalt  }
0x5d: {  	_ =	shalt  }
0x5e: {  	_ =	shalt  }
0x5f: {  	_ =	shalt  }
0x60: {  	_ =	shalt  }
0x61: {  	_ =	shalt  }
0x62: {  	_ =	shalt  }
0x63: {  	_ =	shalt  }
0x64: {  	_ =	shalt  }
0x65: {  	_ =	shalt  }
0x66: {  	_ =	shalt  }
0x67: {  	_ =	shalt  }
0x68: {  	_ =	shalt  }
0x69: {  	_ =	shalt  }
0x6a: {  	_ =	shalt  }
0x6b: {  	_ =	shalt  }
0x6c: {  	_ =	shalt  }
0x6d: {  	_ =	shalt  }
0x6e: {  	_ =	shalt  }
0x6f: {  	_ =	shalt  }
0x70: {  	_ =	shalt  }
0x71: {  	_ =	shalt  }
0x72: {  	_ =	shalt  }
0x73: {  	_ =	shalt  }
0x74: {  	_ =	shalt  }
0x75: {  	_ =	shalt  }
0x76: {  	_ =	shalt  }
0x77: {  	_ =	shalt  }
0x78: {  	_ =	shalt  }
0x79: {  	_ =	shalt  }
0x7a: {  	_ =	shalt  }
0x7b: {  	_ =	shalt  }
0x7c: {  	_ =	shalt  }
0x7d: {  	_ =	shalt  }
0x7e: {  	_ =	shalt  }
0x7f: {  	_ =	shalt  }
0x80: {  	_ =	shalt  }
0x81: {  	_ =	shalt  }
0x82: {  	_ =	shalt  }
0x83: {  	_ =	shalt  }
0x84: {  	_ =	shalt  }
0x85: {  	_ =	shalt  }
0x86: {  	_ =	shalt  }
0x87: {  	_ =	shalt  }
.Lfunc_end0:
.L_simem_size_0:
called_computation_lowered:
.L_overlay_start_0:
0x88: {  	s2 =	sld [smem:$0x3FD9]  }
0x89: {  	s3 =	sld [smem:$0x3FFE];
	_ =	sdelay $0x1  }
0x8a: {  	s1 =	srdreg.scid  }
0x8b: {  	s0 =	sand.u32 $0x1, s1  }
0x8c: {  	s17 =	sshll.u32 s0, $0xA;
	s2 =	sadd.s32 s3, s2  }
0x8d: {  	s2 =	sadd.s32 s2, s17  }
0x8e: {  	[smem:$0x3FC6] =	sst s2  }
0x8f: {  	_ = 	snop  }
0x90: {  	s2 =	sld [smem:$0x3FD0];
	(tm) =	ssettm $0x1  }
0x91: {  	s18 =	sld [smem:$0x3FFB];
	_ =	sdelay $0x3  }
0x92: {  	_ =	strace s18  }
0x93: {  	s3 =	sld [smem:$0x3FFC];
	_ =	sdelay $0x3  }
0x94: {  	_ =	strace s3  }
0x95: {  	s3 =	sld [smem:$0x3FFD];
	_ =	sdelay $0x3  }
0x96: {  	_ =	strace s3  }
0x97: {  	_ =	strace $0x8FFFFFFF  }
0x98: {  	s19 =	sld [smem:$0x3FDB];
	_ =	sdelay $0x1  }
0x99: {  	s4 =	simm.s32 $_scs_section_size  }
0x9a: {  	s5 =	simm.s32 $_size__tile_overlayer_lowered;
	s6 =	simm.s32 $_tile_overlayer_lowered  }
0x9b: {  	s22 =	simm.s32 $0x1BFF;
	s21 =	sshll.u32 s6, $0x1;
	s3 =	sadd.s32 s4, s19  }
0x9c: {  	s7 =	simm.s32 $0x0;
	s20 =	sshll.u32 s5, $0x1;
	s5 =	sadd.s32 s21, s3  }
0x9d: {  	[timem:s7], [sflag:s22] =	dma.local [hbm:s5], s20  }
0x9e: {  	_ =	swait.ge [sflag:s22], s20  }
0x9f: {  	s4 =	ssub.s32 $0x0, s20;
	[sflag:s22] =	ssyncset.done $0x0  }
0xa0: {  	[sflag:s22] =	ssyncadd.s32 s4;
	_ =	sdelay $0x1  }
0xa1: {  	s23 =	simm.s32 $0x1B8B  }
0xa2: {  	_ =	swait.ge [sflag:s23], $0x1  }
0xa3: {  	[sflag:s23] =	ssyncset.done $0x0  }
0xa4: {  	s25 =	simm.s32 $0x1B8E;
	s24 =	sld [smem:$0x3FFE];
	[sflag:s23] =	ssyncadd.s32 $0xFFFFFFFF  }
0xa5: {  	s26 =	simm.s32 $execute0_lowered;
	[smem:$0x3FD2] =	sst s25  }
0xa6: {  	s5 =	sshll.u32 s26, $0x1;
	_ =	strace $0x80000046;
	[dreg:$0x1] =	wrdreg $0xFFFFFFFF  }
0xa7: {  	s28 =	simm.s32 $_size_execute0_lowered;
	s3 =	sadd.s32 s3, s5;
	[dreg:$0x0] =	wrdreg $0x0  }
0xa8: {  	s5 =	sshll.u32 s28, $0x1;
	[dreg:$0x2] =	wrdreg s3  }
0xa9: {  	[dreg:$0x3] =	wrdreg s5  }
0xaa: {  	[dreg:$0x4] =	wrdreg $0xC0  }
0xab: {  	_ =	task [dreg:s7], $0x5FFFF  }
0xac: {  	[dreg:$0x1] =	wrdreg $0xFFFFFFFF  }
0xad: {  	[dreg:$0x0] =	wrdreg $0x60  }
0xae: {  	[dreg:$0x2] =	wrdreg s24  }
0xaf: {  	[dreg:$0x3] =	wrdreg s2  }
0xb0: {  	[dreg:$0x4] =	wrdreg $0x9  }
0xb1: {  	_ =	task.clear_ibuf [dreg:s7], $0x5FFFF;
	_ =	strace $0x90000046  }
0xb2: {  	s29 =	simm.s32 $0x9;
	_ =	strace $0x80000048  }
0xb3: {  	_ =	swait.ge [sflag:s29], $0x1  }
0xb4: {  	[sflag:s29] =	ssyncadd.s32 $0xFFFFFFFF  }
0xb5: {  	_ =	strace $0x90000048  }
0xb6: {  	_ =	sfence  }
0xb7: {  	s30 =	sld [smem:$0x0];
	_ =	sdelay $0x2  }
0xb8: {  	s31 =	sshll.u32 s1, $0xD;
	s1 =	sshrl.u32 s1, $0x2  }
0xb9: {  	s3 =	sand.u32 $0x4000, s31;
	s1 =	sadd.s32 s1, s30  }
0xba: {  	s0 =	sor.u32 s3, s0;
	s1 =	sshll.u32 s1, $0x11  }
0xbb: {  	s0 =	sor.u32 s1, s0  }
0xbc: {  	s0 =	sadd.s32 $0x8F2B, s0  }
0xbd: {  	[sflag:s0] =	ssyncadd.remote.s32 $0x1  }
0xbe: {  	_ =	sfence.sel $0xFFFF  }
0xbf: {  	[dreg:$0x0] =	wrdreg $0xFFFFFFFF;
	(pc) =	sbr.abs _section_cstart, $3  }
0xc0: {  	[dreg:$0x1] =	wrdreg $0xFFFFFFFF  }
0xc1: {  	_ =	task.clear_ibuf [dreg:s7], $0x2FFFF;
	_ =	strace $0x9FFFFFFF  }
0xc2: {  	(tm) =	ssettm $0x7FFFFFFF  }
0xc3: {  	_ =	shalt  }
tec
execute0_lowered:
.L_overlay_start_1:
0x0: {  	(tag) =	ssettag $0x1  }
0x1: {  	s0 =	rddreg [dreg:$0x0]  }
0x2: {  	s1 =	rddreg [dreg:$0x1];
	s2 =	simm.s32 $0x0;
	s3 =	srdreg.scid  }
0x3: {  	s8 =	stileid.u32;
	s9 =	simm.s32 $0x3;
	s10 =	simm.s32 $0x400  }
0x4: {  	s11 =	simm.s32 $0x320000;
	s12 =	simm.s32 $0x6400;
	s13 =	simm.s32 $0xF400  }
0x5: {  	s14 =	simm.s32 $0x1;
	s15 =	simm.s32 $0x2;
	s3 =	sand.u32 $0x1, s3  }
0x6: {  	s16 =	simm.s32 $0x0;
	[smem:$0x7FF] =	sst s2;
	s5 =	ssub.s32 $0x2, s3  }
0x7: {  	s4 =	sadd.s32 $0x600, s0;
	s30 =	sshll.u32 s8, $0x3;
	s6 =	sshrl.u32 s5, $0x1  }
0x8: {  	s0 =	sadd.s32 $0x400, s0;
	_ =	strace $0x80000047;
	s7 =	ssub.s32 s5, s6  }
0x9: {  	v0 =	vlaneseq.u32;
	s3 =	sshll.u32 s3, $0x2;
	[dreg:$0x3] =	wrdreg s0;
	s31 =	smax.u32 s7, $0x1  }
0xa: {  	s8 =	simm.s32 $0x18400;
	v0 =	vmul.u32 $0xC8, v0;
	s6 =	sor.u32 s3, s30;
	[dreg:$0x4] =	wrdreg s31  }
.LBB2_1:
0xb: {  	s0 =	rddreg [dreg:$0x3]  }
0xc: {  	[tilespmem:s8], [sflag:$0x3] =	stream.linear.gather [hbm4b:s0+s2], $0x510, $0x38;
	[tilespmem:$0x18910] =	vst v63  }
0xd: {  	_ =	swait.ge [sflag:s9], $0x510  }
0xe: {  	[sflag:s9] =	ssyncset.done $0x0  }
0xf: {  	s17 =	simm.s32 $0x0;
	[sflag:s9] =	ssyncadd.s32 $0xFFFFFAF0  }
.LBB2_2:
0x10: {  	s0 =	smul.u32 $0x52, s17;
	_ =	sdelay $0x1  }
0x11: {  	s0 =	sshrl.u32 s0, $0xA  }
0x12: {  	s0 =	sand.u32 $0x3F, s0  }
0x13: {  	s3 =	smul.u32 $0xFFFFFFE7, s0  }
0x14: {  	s20 =	sshll.u32 s17, $0x1  }
0x15: {  	s18 =	sadd.s32 s20, s3  }
0x16: {  	s26 =	simm.s32 $0x0;
	s19 =	sadd.s32 s0, s6;
	p1 =	sne.s32 s18, $0x0  }
0x17: {  	v1 =	vmov s26;
	s3 =	smul.u32 @!p1 $0xC80, s19  }
0x18: {  	v1 =	vmul.u32 $0xC8, v1;
	s29 =	sshll.u32 s18, $0x3  }
0x19: {  	s21 =	sadd.s32 $0x0, s29;
	s0 =	sadd.s32 @!p1 s4, s3;
	s3 =	simm.s32 @!p1 $0x0  }
0x1a: {  	v1 =	vadd.s32 s21, v1;
	[tilespmem:s3], [sflag:$0x3] =	stream.linear.gather @!p1 [hbm4b:s0+s3], $0x6400, $0x38;
	[tilespmem:$0x18910] =	vst v63  }
0x1b: {  	v1 =	vbroadcast v1, $0x0;
	s0 =	simm.s32 @!p1 $0x3  }
0x1c: {  	_ =	swait.ge @!p1 [sflag:s0], $0x6400  }
0x1d: {  	p0 =	seq.s32 s17, $0x0;
	v1 =	vadd.s32 v0, v1;
	[sflag:s0] =	ssyncset.done @!p1 $0x0  }
0x1e: {  	[sflag:s0] =	ssyncadd.s32 @!p1 $0xFFFF9C00;
	s0 =	simm.s32 @!p0 $0x1  }
0x1f: {  	_ =	swait.ge @!p0 [sflag:s0], $0x9000  }
0x20: {  	[sflag:s0] =	ssyncset.done @!p0 $0x0  }
0x21: {  	[sflag:s0] =	ssyncadd.s32 @!p0 $0xFFFF7000  }
0x22: {  	v1 =	vld.idx.msk [tilespmem:v1+s2+$0x0], $0xffff;
	_ =	sdelay $0x4  }
0x23: {  	v7 =	vmul.u32 $0x24, v1;
	_ =	sdelay $0x5  }
0x24: {  	v1 =	vld.idx.msk [tilespmem:v7+s8+$0x0], $0xffff  }
0x25: {  	v2 =	vor.u32 $0x1, v7;
	_ =	sdelay $0x2  }
0x26: {  	s26 =	simm.s32 $0x0  }
0x27: {  	[tilespmem:s26+$0x6400] =	vst v1  }
0x28: {  	v1 =	vld.idx.msk [tilespmem:v2+s8+$0x0], $0xffff  }
0x29: {  	v2 =	vor.u32 $0x2, v7;
	_ =	sdelay $0x1  }
0x2a: {  	s3 =	simm.s32 $0x10  }
0x2b: {  	v3 =	vmov s3  }
0x2c: {  	v3 =	vmul.u32 $0xC8, v3;
	[tilespmem:s26+$0x6800] =	vst v1  }
0x2d: {  	s5 =	sadd.s32 $0x0, s29;
	v1 =	vld.idx.msk [tilespmem:v2+s8+$0x0], $0xffff  }
0x2e: {  	v2 =	vadd.s32 s5, v3;
	v3 =	vor.u32 $0x3, v7  }
0x2f: {  	v2 =	vbroadcast v2, $0x0;
	_ =	sdelay $0x1  }
0x30: {  	v2 =	vadd.s32 v0, v2  }
0x31: {  	[tilespmem:s26+$0x6C00] =	vst v1  }
0x32: {  	v1 =	vld.idx.msk [tilespmem:v3+s8+$0x0], $0xffff  }
0x33: {  	v3 =	vadd.s32 $0x4, v7;
	_ =	sdelay $0x1  }
0x34: {  	v2 =	vld.idx.msk [tilespmem:v2+s2+$0x0], $0xffff;
	_ =	sdelay $0x1  }
0x35: {  	[tilespmem:s26+$0x7000] =	vst v1  }
0x36: {  	v1 =	vld.idx.msk [tilespmem:v3+s8+$0x0], $0xffff  }
0x37: {  	v4 =	vadd.s32 $0x5, v7  }
0x38: {  	v3 =	vmul.u32 $0x24, v2;
	_ =	sdelay $0x2  }
0x39: {  	[tilespmem:s26+$0x7400] =	vst v1  }
0x3a: {  	v1 =	vld.idx.msk [tilespmem:v4+s8+$0x0], $0xffff  }
0x3b: {  	v2 =	vadd.s32 $0x6, v7  }
0x3c: {  	v4 =	vld.idx.msk [tilespmem:v3+s8+$0x0], $0xffff  }
0x3d: {  	v5 =	vor.u32 $0x1, v3;
	_ =	sdelay $0x1  }
0x3e: {  	[tilespmem:s26+$0x7800] =	vst v1  }
0x3f: {  	s22 =	simm.s32 $0x10;
	v1 =	vld.idx.msk [tilespmem:v2+s8+$0x0], $0xffff  }
0x40: {  	[tilespmem:s22+$0x6400] =	vst v4;
	v2 =	vadd.s32 $0x7, v7  }
0x41: {  	v4 =	vld.idx.msk [tilespmem:v5+s8+$0x0], $0xffff  }
0x42: {  	v5 =	vor.u32 $0x2, v3;
	_ =	sdelay $0x1  }
0x43: {  	s7 =	simm.s32 $0x20;
	[tilespmem:s26+$0x7C00] =	vst v1  }
0x44: {  	v1 =	vmov s7;
	v2 =	vld.idx.msk [tilespmem:v2+s8+$0x0], $0xffff  }
0x45: {  	v1 =	vmul.u32 $0xC8, v1;
	[tilespmem:s22+$0x6800] =	vst v4;
	v4 =	vadd.s32 $0x8, v7  }
0x46: {  	s21 =	sadd.s32 $0x0, s29;
	v5 =	vld.idx.msk [tilespmem:v5+s8+$0x0], $0xffff  }
0x47: {  	v6 =	vor.u32 $0x3, v3;
	v1 =	vadd.s32 s21, v1  }
0x48: {  	v1 =	vbroadcast v1, $0x0  }
0x49: {  	[tilespmem:s26+$0x8000] =	vst v2  }
0x4a: {  	v1 =	vadd.s32 v0, v1;
	v2 =	vld.idx.msk [tilespmem:v4+s8+$0x0], $0xffff  }
0x4b: {  	[tilespmem:s22+$0x6C00] =	vst v5;
	v4 =	vadd.s32 $0x9, v7  }
0x4c: {  	v5 =	vld.idx.msk [tilespmem:v6+s8+$0x0], $0xffff  }
0x4d: {  	v6 =	vadd.s32 $0x4, v3;
	_ =	sdelay $0x1  }
0x4e: {  	v1 =	vld.idx.msk [tilespmem:v1+s2+$0x0], $0xffff;
	[tilespmem:s26+$0x8400] =	vst v2  }
0x4f: {  	v2 =	vld.idx.msk [tilespmem:v4+s8+$0x0], $0xffff  }
0x50: {  	[tilespmem:s22+$0x7000] =	vst v5;
	v4 =	vadd.s32 $0xA, v7  }
0x51: {  	v5 =	vld.idx.msk [tilespmem:v6+s8+$0x0], $0xffff  }
0x52: {  	v6 =	vadd.s32 $0x5, v3  }
0x53: {  	v1 =	vmul.u32 $0x24, v1  }
0x54: {  	[tilespmem:s26+$0x8800] =	vst v2  }
0x55: {  	v2 =	vld.idx.msk [tilespmem:v4+s8+$0x0], $0xffff  }
0x56: {  	[tilespmem:s22+$0x7400] =	vst v5;
	v4 =	vadd.s32 $0xB, v7  }
0x57: {  	v5 =	vld.idx.msk [tilespmem:v6+s8+$0x0], $0xffff  }
0x58: {  	v6 =	vadd.s32 $0x6, v3  }
0x59: {  	v8 =	vld.idx.msk [tilespmem:v1+s8+$0x0], $0xffff  }
0x5a: {  	v9 =	vor.u32 $0x1, v1;
	[tilespmem:s26+$0x8C00] =	vst v2  }
0x5b: {  	v2 =	vld.idx.msk [tilespmem:v4+s8+$0x0], $0xffff  }
0x5c: {  	[tilespmem:s22+$0x7800] =	vst v5;
	v4 =	vadd.s32 $0xC, v7  }
0x5d: {  	s21 =	simm.s32 $0x20;
	v5 =	vld.idx.msk [tilespmem:v6+s8+$0x0], $0xffff  }
0x5e: {  	v6 =	vadd.s32 $0x7, v3;
	[tilespmem:s21+$0x6400] =	vst v8  }
0x5f: {  	v8 =	vld.idx.msk [tilespmem:v9+s8+$0x0], $0xffff  }
0x60: {  	s23 =	simm.s32 $0x30;
	v9 =	vor.u32 $0x2, v1;
	[tilespmem:s26+$0x9000] =	vst v2  }
0x61: {  	v2 =	vmov s23;
	v4 =	vld.idx.msk [tilespmem:v4+s8+$0x0], $0xffff  }
0x62: {  	v2 =	vmul.u32 $0xC8, v2;
	[tilespmem:s22+$0x7C00] =	vst v5;
	v5 =	vadd.s32 $0xD, v7  }
0x63: {  	s24 =	sadd.s32 $0x0, s29;
	v6 =	vld.idx.msk [tilespmem:v6+s8+$0x0], $0xffff  }
0x64: {  	v2 =	vadd.s32 s24, v2;
	[tilespmem:s21+$0x6800] =	vst v8;
	v8 =	vadd.s32 $0x8, v3  }
0x65: {  	v2 =	vbroadcast v2, $0x0;
	v9 =	vld.idx.msk [tilespmem:v9+s8+$0x0], $0xffff  }
0x66: {  	v10 =	vor.u32 $0x3, v1;
	[tilespmem:s26+$0x9400] =	vst v4  }
0x67: {  	v2 =	vadd.s32 v0, v2;
	v4 =	vld.idx.msk [tilespmem:v5+s8+$0x0], $0xffff  }
0x68: {  	[tilespmem:s22+$0x8000] =	vst v6;
	v5 =	vadd.s32 $0xE, v7  }
0x69: {  	v6 =	vld.idx.msk [tilespmem:v8+s8+$0x0], $0xffff  }
0x6a: {  	v8 =	vadd.s32 $0x9, v3;
	[tilespmem:s21+$0x6C00] =	vst v9  }
0x6b: {  	v9 =	vld.idx.msk [tilespmem:v10+s8+$0x0], $0xffff  }
0x6c: {  	v10 =	vadd.s32 $0x4, v1;
	v2 =	vld.idx.msk [tilespmem:v2+s2+$0x0], $0xffff;
	[tilespmem:s26+$0x9800] =	vst v4  }
0x6d: {  	v4 =	vld.idx.msk [tilespmem:v5+s8+$0x0], $0xffff  }
0x6e: {  	[tilespmem:s22+$0x8400] =	vst v6;
	v5 =	vadd.s32 $0xF, v7  }
0x6f: {  	v6 =	vld.idx.msk [tilespmem:v8+s8+$0x0], $0xffff  }
0x70: {  	v8 =	vadd.s32 $0xA, v3;
	[tilespmem:s21+$0x7000] =	vst v9  }
0x71: {  	v9 =	vld.idx.msk [tilespmem:v10+s8+$0x0], $0xffff  }
0x72: {  	v10 =	vadd.s32 $0x5, v1;
	v2 =	vmul.u32 $0x24, v2;
	[tilespmem:s26+$0x9C00] =	vst v4  }
0x73: {  	v4 =	vld.idx.msk [tilespmem:v5+s8+$0x0], $0xffff  }
0x74: {  	[tilespmem:s22+$0x8800] =	vst v6;
	v5 =	vadd.s32 $0x10, v7  }
0x75: {  	v6 =	vld.idx.msk [tilespmem:v8+s8+$0x0], $0xffff  }
0x76: {  	v8 =	vadd.s32 $0xB, v3;
	[tilespmem:s21+$0x7400] =	vst v9  }
0x77: {  	v9 =	vld.idx.msk [tilespmem:v10+s8+$0x0], $0xffff  }
0x78: {  	v11 =	vadd.s32 $0x6, v1;
	v10 =	vld.idx.msk [tilespmem:v2+s8+$0x0], $0xffff;
	[tilespmem:s26+$0xA000] =	vst v4  }
0x79: {  	v4 =	vld.idx.msk [tilespmem:v5+s8+$0x0], $0xffff;
	v5 =	vor.u32 $0x1, v2  }
0x7a: {  	[tilespmem:s22+$0x8C00] =	vst v6;
	v6 =	vadd.s32 $0x11, v7  }
0x7b: {  	v8 =	vld.idx.msk [tilespmem:v8+s8+$0x0], $0xffff  }
0x7c: {  	s23 =	simm.s32 $0x30;
	[tilespmem:s21+$0x7800] =	vst v9;
	v9 =	vadd.s32 $0xC, v3  }
0x7d: {  	[tilespmem:s23+$0x6400] =	vst v10;
	v11 =	vld.idx.msk [tilespmem:v11+s8+$0x0], $0xffff  }
0x7e: {  	v10 =	vadd.s32 $0x7, v1;
	v5 =	vld.idx.msk [tilespmem:v5+s8+$0x0], $0xffff;
	[tilespmem:s26+$0xA400] =	vst v4  }
0x7f: {  	v4 =	vld.idx.msk [tilespmem:v6+s8+$0x0], $0xffff;
	v6 =	vor.u32 $0x2, v2  }
0x80: {  	s25 =	simm.s32 $0x40;
	[tilespmem:s22+$0x9000] =	vst v8;
	v8 =	vadd.s32 $0x12, v7  }
0x81: {  	v12 =	vmov s25;
	v9 =	vld.idx.msk [tilespmem:v9+s8+$0x0], $0xffff  }
0x82: {  	v12 =	vmul.u32 $0xC8, v12;
	[tilespmem:s21+$0x7C00] =	vst v11;
	v11 =	vadd.s32 $0xD, v3  }
0x83: {  	s3 =	sadd.s32 $0x0, s29;
	v10 =	vld.idx.msk [tilespmem:v10+s8+$0x0], $0xffff;
	[tilespmem:s23+$0x6800] =	vst v5  }
0x84: {  	v5 =	vadd.s32 s3, v12;
	v12 =	vadd.s32 $0x8, v1;
	v6 =	vld.idx.msk [tilespmem:v6+s8+$0x0], $0xffff;
	[tilespmem:s26+$0xA800] =	vst v4  }
0x85: {  	v4 =	vbroadcast v5, $0x0;
	v5 =	vld.idx.msk [tilespmem:v8+s8+$0x0], $0xffff;
	v8 =	vor.u32 $0x3, v2  }
0x86: {  	[tilespmem:s22+$0x9400] =	vst v9;
	v9 =	vadd.s32 $0x13, v7  }
0x87: {  	v4 =	vadd.s32 v0, v4;
	v11 =	vld.idx.msk [tilespmem:v11+s8+$0x0], $0xffff  }
0x88: {  	[tilespmem:s21+$0x8000] =	vst v10;
	v10 =	vadd.s32 $0xE, v3  }
0x89: {  	v12 =	vld.idx.msk [tilespmem:v12+s8+$0x0], $0xffff;
	[tilespmem:s23+$0x6C00] =	vst v6  }
0x8a: {  	v6 =	vld.idx.msk [tilespmem:v8+s8+$0x0], $0xffff;
	v8 =	vadd.s32 $0x9, v1;
	[tilespmem:s26+$0xAC00] =	vst v5  }
0x8b: {  	v5 =	vld.idx.msk [tilespmem:v9+s8+$0x0], $0xffff;
	v9 =	vadd.s32 $0x4, v2  }
0x8c: {  	v4 =	vld.idx.msk [tilespmem:v4+s2+$0x0], $0xffff;
	[tilespmem:s22+$0x9800] =	vst v11;
	v11 =	vadd.s32 $0x14, v7  }
0x8d: {  	v10 =	vld.idx.msk [tilespmem:v10+s8+$0x0], $0xffff  }
0x8e: {  	[tilespmem:s21+$0x8400] =	vst v12;
	v12 =	vadd.s32 $0xF, v3  }
0x8f: {  	v8 =	vld.idx.msk [tilespmem:v8+s8+$0x0], $0xffff;
	[tilespmem:s23+$0x7000] =	vst v6  }
0x90: {  	v6 =	vld.idx.msk [tilespmem:v9+s8+$0x0], $0xffff;
	v9 =	vadd.s32 $0xA, v1;
	[tilespmem:s26+$0xB000] =	vst v5  }
0x91: {  	v5 =	vld.idx.msk [tilespmem:v11+s8+$0x0], $0xffff;
	v11 =	vadd.s32 $0x5, v2  }
0x92: {  	v4 =	vmul.u32 $0x24, v4;
	[tilespmem:s22+$0x9C00] =	vst v10;
	v10 =	vadd.s32 $0x15, v7  }
0x93: {  	v12 =	vld.idx.msk [tilespmem:v12+s8+$0x0], $0xffff  }
0x94: {  	[tilespmem:s21+$0x8800] =	vst v8;
	v8 =	vadd.s32 $0x10, v3  }
0x95: {  	v9 =	vld.idx.msk [tilespmem:v9+s8+$0x0], $0xffff;
	[tilespmem:s23+$0x7400] =	vst v6  }
0x96: {  	v6 =	vld.idx.msk [tilespmem:v11+s8+$0x0], $0xffff;
	v11 =	vadd.s32 $0xB, v1;
	[tilespmem:s26+$0xB400] =	vst v5  }
0x97: {  	v5 =	vld.idx.msk [tilespmem:v10+s8+$0x0], $0xffff;
	v10 =	vadd.s32 $0x6, v2  }
0x98: {  	v13 =	vld.idx.msk [tilespmem:v4+s8+$0x0], $0xffff;
	[tilespmem:s22+$0xA000] =	vst v12;
	v12 =	vadd.s32 $0x16, v7  }
0x99: {  	v14 =	vor.u32 $0x1, v4;
	v8 =	vld.idx.msk [tilespmem:v8+s8+$0x0], $0xffff  }
0x9a: {  	[tilespmem:s21+$0x8C00] =	vst v9;
	v9 =	vadd.s32 $0x11, v3  }
0x9b: {  	v11 =	vld.idx.msk [tilespmem:v11+s8+$0x0], $0xffff;
	[tilespmem:s23+$0x7800] =	vst v6  }
0x9c: {  	s24 =	simm.s32 $0x40;
	v6 =	vld.idx.msk [tilespmem:v10+s8+$0x0], $0xffff;
	v10 =	vadd.s32 $0xC, v1;
	[tilespmem:s26+$0xB800] =	vst v5  }
0x9d: {  	[tilespmem:s24+$0x6400] =	vst v13;
	v5 =	vld.idx.msk [tilespmem:v12+s8+$0x0], $0xffff;
	v12 =	vadd.s32 $0x7, v2  }
0x9e: {  	v13 =	vld.idx.msk [tilespmem:v14+s8+$0x0], $0xffff;
	[tilespmem:s22+$0xA400] =	vst v8;
	v8 =	vadd.s32 $0x17, v7  }
0x9f: {  	v14 =	vor.u32 $0x2, v4;
	v9 =	vld.idx.msk [tilespmem:v9+s8+$0x0], $0xffff  }
0xa0: {  	s5 =	simm.s32 $0x50;
	[tilespmem:s21+$0x9000] =	vst v11;
	v11 =	vadd.s32 $0x12, v3  }
0xa1: {  	v15 =	vmov s5;
	v10 =	vld.idx.msk [tilespmem:v10+s8+$0x0], $0xffff;
	[tilespmem:s23+$0x7C00] =	vst v6  }
0xa2: {  	v6 =	vmul.u32 $0xC8, v15;
	v15 =	vadd.s32 $0xD, v1;
	v12 =	vld.idx.msk [tilespmem:v12+s8+$0x0], $0xffff;
	[tilespmem:s26+$0xBC00] =	vst v5  }
0xa3: {  	s7 =	sadd.s32 $0x0, s29;
	[tilespmem:s24+$0x6800] =	vst v13;
	v5 =	vld.idx.msk [tilespmem:v8+s8+$0x0], $0xffff;
	v8 =	vadd.s32 $0x8, v2  }
0xa4: {  	v13 =	vld.idx.msk [tilespmem:v14+s8+$0x0], $0xffff;
	v6 =	vadd.s32 s7, v6;
	[tilespmem:s22+$0xA800] =	vst v9;
	v9 =	vadd.s32 $0x18, v7  }
0xa5: {  	v14 =	vor.u32 $0x3, v4;
	v6 =	vbroadcast v6, $0x0;
	v11 =	vld.idx.msk [tilespmem:v11+s8+$0x0], $0xffff  }
0xa6: {  	s25 =	simm.s32 $0x60;
	[tilespmem:s21+$0x9400] =	vst v10;
	v10 =	vadd.s32 $0x13, v3  }
0xa7: {  	v6 =	vadd.s32 v0, v6;
	v15 =	vld.idx.msk [tilespmem:v15+s8+$0x0], $0xffff;
	[tilespmem:s23+$0x8000] =	vst v12;
	v12 =	vmov s25  }
0xa8: {  	v16 =	vadd.s32 $0xE, v1;
	v8 =	vld.idx.msk [tilespmem:v8+s8+$0x0], $0xffff;
	[tilespmem:s26+$0xC000] =	vst v5;
	v5 =	vmul.u32 $0xC8, v12  }
0xa9: {  	s3 =	sadd.s32 $0x0, s29;
	[tilespmem:s24+$0x6C00] =	vst v13;
	v12 =	vadd.s32 $0x9, v2;
	v9 =	vld.idx.msk [tilespmem:v9+s8+$0x0], $0xffff  }
0xaa: {  	v13 =	vld.idx.msk [tilespmem:v14+s8+$0x0], $0xffff;
	[tilespmem:s22+$0xAC00] =	vst v11;
	v5 =	vadd.s32 s3, v5;
	v11 =	vadd.s32 $0x19, v7  }
0xab: {  	v14 =	vadd.s32 $0x4, v4;
	v10 =	vld.idx.msk [tilespmem:v10+s8+$0x0], $0xffff;
	v5 =	vbroadcast v5, $0x0  }
0xac: {  	v6 =	vld.idx.msk [tilespmem:v6+s2+$0x0], $0xffff;
	[tilespmem:s21+$0x9800] =	vst v15;
	v15 =	vadd.s32 $0x14, v3  }
0xad: {  	v16 =	vld.idx.msk [tilespmem:v16+s8+$0x0], $0xffff;
	v5 =	vadd.s32 v0, v5;
	[tilespmem:s23+$0x8400] =	vst v8  }
0xae: {  	v8 =	vld.idx.msk [tilespmem:v12+s8+$0x0], $0xffff;
	v12 =	vadd.s32 $0xF, v1;
	[tilespmem:s26+$0xC400] =	vst v9  }
0xaf: {  	[tilespmem:s24+$0x7000] =	vst v13;
	v9 =	vld.idx.msk [tilespmem:v11+s8+$0x0], $0xffff;
	v11 =	vadd.s32 $0xA, v2  }
0xb0: {  	v13 =	vld.idx.msk [tilespmem:v14+s8+$0x0], $0xffff;
	[tilespmem:s22+$0xB000] =	vst v10;
	v10 =	vadd.s32 $0x1A, v7  }
0xb1: {  	v14 =	vld.idx.msk [tilespmem:v15+s8+$0x0], $0xffff;
	v15 =	vadd.s32 $0x5, v4  }
0xb2: {  	v17 =	vld.idx.msk [tilespmem:v5+s2+$0x0], $0xffff;
	[tilespmem:s21+$0x9C00] =	vst v16;
	v5 =	vmul.u32 $0x24, v6;
	v6 =	vadd.s32 $0x15, v3  }
0xb3: {  	v12 =	vld.idx.msk [tilespmem:v12+s8+$0x0], $0xffff;
	[tilespmem:s23+$0x8800] =	vst v8  }
0xb4: {  	v8 =	vld.idx.msk [tilespmem:v11+s8+$0x0], $0xffff;
	v11 =	vadd.s32 $0x10, v1;
	[tilespmem:s26+$0xC800] =	vst v9  }
0xb5: {  	[tilespmem:s24+$0x7400] =	vst v13;
	v9 =	vld.idx.msk [tilespmem:v10+s8+$0x0], $0xffff;
	v10 =	vadd.s32 $0xB, v2  }
0xb6: {  	v13 =	vld.idx.msk [tilespmem:v15+s8+$0x0], $0xffff;
	[tilespmem:s22+$0xB400] =	vst v14;
	v14 =	vadd.s32 $0x1B, v7  }
0xb7: {  	v15 =	vadd.s32 $0x6, v4;
	v6 =	vld.idx.msk [tilespmem:v6+s8+$0x0], $0xffff  }
0xb8: {  	v16 =	vld.idx.msk [tilespmem:v5+s8+$0x0], $0xffff;
	[tilespmem:s21+$0xA000] =	vst v12;
	v12 =	vadd.s32 $0x16, v3  }
0xb9: {  	v18 =	vor.u32 $0x1, v5;
	v11 =	vld.idx.msk [tilespmem:v11+s8+$0x0], $0xffff;
	[tilespmem:s23+$0x8C00] =	vst v8  }
0xba: {  	v8 =	vld.idx.msk [tilespmem:v10+s8+$0x0], $0xffff;
	v10 =	vadd.s32 $0x11, v1;
	[tilespmem:s26+$0xCC00] =	vst v9  }
0xbb: {  	[tilespmem:s24+$0x7800] =	vst v13;
	v9 =	vld.idx.msk [tilespmem:v14+s8+$0x0], $0xffff;
	v13 =	vadd.s32 $0xC, v2  }
0xbc: {  	s25 =	simm.s32 $0x50;
	v14 =	vld.idx.msk [tilespmem:v15+s8+$0x0], $0xffff;
	[tilespmem:s22+$0xB800] =	vst v6;
	v6 =	vadd.s32 $0x1C, v7  }
0xbd: {  	v15 =	vadd.s32 $0x7, v4;
	[tilespmem:s25+$0x6400] =	vst v16;
	v12 =	vld.idx.msk [tilespmem:v12+s8+$0x0], $0xffff  }
0xbe: {  	v16 =	vld.idx.msk [tilespmem:v18+s8+$0x0], $0xffff;
	[tilespmem:s21+$0xA400] =	vst v11;
	v11 =	vadd.s32 $0x17, v3  }
0xbf: {  	v18 =	vor.u32 $0x2, v5;
	v10 =	vld.idx.msk [tilespmem:v10+s8+$0x0], $0xffff;
	[tilespmem:s23+$0x9000] =	vst v8  }
0xc0: {  	v8 =	vld.idx.msk [tilespmem:v13+s8+$0x0], $0xffff;
	v13 =	vadd.s32 $0x12, v1;
	[tilespmem:s26+$0xD000] =	vst v9  }
0xc1: {  	v9 =	vadd.s32 $0xD, v2;
	[tilespmem:s24+$0x7C00] =	vst v14;
	v6 =	vld.idx.msk [tilespmem:v6+s8+$0x0], $0xffff  }
0xc2: {  	v14 =	vld.idx.msk [tilespmem:v15+s8+$0x0], $0xffff;
	[tilespmem:s22+$0xBC00] =	vst v12;
	v12 =	vadd.s32 $0x1D, v7  }
0xc3: {  	v15 =	vadd.s32 $0x8, v4;
	[tilespmem:s25+$0x6800] =	vst v16;
	v11 =	vld.idx.msk [tilespmem:v11+s8+$0x0], $0xffff  }
0xc4: {  	v16 =	vld.idx.msk [tilespmem:v18+s8+$0x0], $0xffff;
	[tilespmem:s21+$0xA800] =	vst v10;
	v10 =	vadd.s32 $0x18, v3  }
0xc5: {  	v18 =	vor.u32 $0x3, v5;
	v13 =	vld.idx.msk [tilespmem:v13+s8+$0x0], $0xffff;
	[tilespmem:s23+$0x9400] =	vst v8  }
0xc6: {  	s5 =	simm.s32 $0x70;
	v8 =	vld.idx.msk [tilespmem:v9+s8+$0x0], $0xffff;
	v9 =	vadd.s32 $0x13, v1;
	[tilespmem:s26+$0xD400] =	vst v6  }
0xc7: {  	[tilespmem:s24+$0x8000] =	vst v14;
	v6 =	vld.idx.msk [tilespmem:v12+s8+$0x0], $0xffff;
	v12 =	vmov s5;
	v14 =	vadd.s32 $0xE, v2  }
0xc8: {  	v15 =	vld.idx.msk [tilespmem:v15+s8+$0x0], $0xffff;
	[tilespmem:s22+$0xC000] =	vst v11;
	v11 =	vmul.u32 $0xC8, v12;
	v12 =	vadd.s32 $0x1E, v7  }
0xc9: {  	s7 =	sadd.s32 $0x0, s29;
	[tilespmem:s25+$0x6C00] =	vst v16;
	v10 =	vld.idx.msk [tilespmem:v10+s8+$0x0], $0xffff;
	v16 =	vadd.s32 $0x9, v4  }
0xca: {  	v18 =	vld.idx.msk [tilespmem:v18+s8+$0x0], $0xffff;
	[tilespmem:s21+$0xAC00] =	vst v13;
	v11 =	vadd.s32 s7, v11;
	v13 =	vadd.s32 $0x19, v3  }
0xcb: {  	v19 =	vadd.s32 $0x4, v5;
	v9 =	vld.idx.msk [tilespmem:v9+s8+$0x0], $0xffff;
	v11 =	vbroadcast v11, $0x0;
	[tilespmem:s23+$0x9800] =	vst v8  }
0xcc: {  	v8 =	vadd.s32 $0x14, v1;
	v14 =	vld.idx.msk [tilespmem:v14+s8+$0x0], $0xffff;
	[tilespmem:s26+$0xD800] =	vst v6  }
0xcd: {  	v6 =	vadd.s32 v0, v11;
	[tilespmem:s24+$0x8400] =	vst v15;
	v11 =	vld.idx.msk [tilespmem:v12+s8+$0x0], $0xffff  }
0xce: {  	v15 =	vadd.s32 $0xF, v2;
	v12 =	vld.idx.msk [tilespmem:v16+s8+$0x0], $0xffff;
	[tilespmem:s22+$0xC400] =	vst v10  }
0xcf: {  	[tilespmem:s25+$0x7000] =	vst v18;
	v10 =	vld.idx.msk [tilespmem:v13+s8+$0x0], $0xffff;
	v13 =	vadd.s32 $0x1F, v7  }
0xd0: {  	v18 =	vadd.s32 $0xA, v4;
	v16 =	vld.idx.msk [tilespmem:v19+s8+$0x0], $0xffff;
	[tilespmem:s21+$0xB000] =	vst v9  }
0xd1: {  	v19 =	vadd.s32 $0x1A, v3;
	v9 =	vld.idx.msk [tilespmem:v8+s8+$0x0], $0xffff  }
0xd2: {  	v20 =	vadd.s32 $0x5, v5;
	[tilespmem:s23+$0x9C00] =	vst v14;
	v8 =	vld.idx.msk [tilespmem:v6+s2+$0x0], $0xffff  }
0xd3: {  	v6 =	vmul.u32 $0x24, v17;
	v14 =	vld.idx.msk [tilespmem:v15+s8+$0x0], $0xffff;
	v15 =	vadd.s32 $0x15, v1;
	[tilespmem:s26+$0xDC00] =	vst v11  }
0xd4: {  	[tilespmem:s24+$0x8800] =	vst v12;
	v11 =	vld.idx.msk [tilespmem:v13+s8+$0x0], $0xffff  }
0xd5: {  	v12 =	vld.idx.msk [tilespmem:v18+s8+$0x0], $0xffff;
	v13 =	vadd.s32 $0x10, v2;
	[tilespmem:s22+$0xC800] =	vst v10  }
0xd6: {  	[tilespmem:s25+$0x7400] =	vst v16;
	v10 =	vld.idx.msk [tilespmem:v19+s8+$0x0], $0xffff;
	v16 =	vadd.s32 $0x20, v7  }
0xd7: {  	v18 =	vadd.s32 $0xB, v4;
	v17 =	vld.idx.msk [tilespmem:v20+s8+$0x0], $0xffff;
	[tilespmem:s21+$0xB400] =	vst v9  }
0xd8: {  	v9 =	vld.idx.msk [tilespmem:v15+s8+$0x0], $0xffff;
	v15 =	vadd.s32 $0x1B, v3  }
0xd9: {  	v20 =	vadd.s32 $0x6, v5;
	[tilespmem:s23+$0xA000] =	vst v14;
	v19 =	vld.idx.msk [tilespmem:v6+s8+$0x0], $0xffff  }
0xda: {  	v14 =	vadd.s32 $0x16, v1;
	v13 =	vld.idx.msk [tilespmem:v13+s8+$0x0], $0xffff;
	[tilespmem:s26+$0xE000] =	vst v11  }
0xdb: {  	v11 =	vor.u32 $0x1, v6;
	[tilespmem:s24+$0x8C00] =	vst v12;
	v16 =	vld.idx.msk [tilespmem:v16+s8+$0x0], $0xffff  }
0xdc: {  	v21 =	vadd.s32 $0x11, v2;
	v18 =	vld.idx.msk [tilespmem:v18+s8+$0x0], $0xffff;
	[tilespmem:s22+$0xCC00] =	vst v10  }
0xdd: {  	v10 =	vadd.s32 $0x21, v7;
	[tilespmem:s25+$0x7800] =	vst v17;
	v15 =	vld.idx.msk [tilespmem:v15+s8+$0x0], $0xffff  }
0xde: {  	s28 =	simm.s32 $0x60;
	v17 =	vadd.s32 $0xC, v4;
	v20 =	vld.idx.msk [tilespmem:v20+s8+$0x0], $0xffff;
	[tilespmem:s21+$0xB800] =	vst v9  }
0xdf: {  	v22 =	vadd.s32 $0x1C, v3;
	[tilespmem:s28+$0x6400] =	vst v19;
	v12 =	vld.idx.msk [tilespmem:v14+s8+$0x0], $0xffff  }
0xe0: {  	v19 =	vadd.s32 $0x7, v5;
	v14 =	vld.idx.msk [tilespmem:v11+s8+$0x0], $0xffff;
	[tilespmem:s23+$0xA400] =	vst v13  }
0xe1: {  	v9 =	vld.idx.msk [tilespmem:v21+s8+$0x0], $0xffff;
	[tilespmem:s26+$0xE400] =	vst v16;
	v16 =	vadd.s32 $0x17, v1  }
0xe2: {  	[tilespmem:s24+$0x9000] =	vst v18;
	v18 =	vor.u32 $0x2, v6;
	v10 =	vld.idx.msk [tilespmem:v10+s8+$0x0], $0xffff  }
0xe3: {  	s30 =	simm.s32 $0x1C0;
	v11 =	vld.idx.msk [tilespmem:v17+s8+$0x0], $0xffff;
	v17 =	vadd.s32 $0x12, v2;
	[tilespmem:s22+$0xD000] =	vst v15  }
0xe4: {  	s31 =	simm.s32 $0x7;
	s0 =	simm.s32 $0x70;
	s3 =	simm.s32 $0x200;
	[tilespmem:s25+$0x7C00] =	vst v20;
	v15 =	vadd.s32 $0x22, v7;
	v13 =	vld.idx.msk [tilespmem:v22+s8+$0x0], $0xffff  }
.LBB2_3:
0xe5: {  	p1 =	sne.s32 s3, $0xFC0;
	v19 =	vld.idx.msk [tilespmem:v19+s8+$0x0], $0xffff;
	v20 =	vadd.s32 $0xD, v4;
	[tilespmem:s21+$0xBC00] =	vst v12  }
0xe6: {  	[tilespmem:s28+$0x6800] =	vst v14;
	v12 =	vld.idx.msk [tilespmem:v16+s8+$0x0], $0xffff;
	v14 =	vadd.s32 $0x1D, v3  }
0xe7: {  	v16 =	vld.idx.msk [tilespmem:v18+s8+$0x0], $0xffff;
	v18 =	vadd.s32 $0x8, v5;
	[tilespmem:s23+$0xA800] =	vst v9  }
0xe8: {  	s31 =	sadd.s32 $0x1, s31;
	v9 =	vld.idx.msk [tilespmem:v17+s8+$0x0], $0xffff;
	v17 =	vadd.s32 $0x18, v1;
	[tilespmem:s26+$0xE800] =	vst v10  }
0xe9: {  	s5 =	sshrl.u32 s31, $0x3;
	v10 =	vor.u32 $0x3, v6;
	[tilespmem:s24+$0x9400] =	vst v11;
	v11 =	vld.idx.msk [tilespmem:v15+s8+$0x0], $0xffff  }
0xea: {  	s0 =	sadd.s32 $0x10, s0;
	s7 =	sshll.u32 s5, $0x7;
	v15 =	vld.idx.msk [tilespmem:v20+s8+$0x0], $0xffff;
	v20 =	vadd.s32 $0x13, v2;
	[tilespmem:s22+$0xD400] =	vst v13  }
0xeb: {  	s7 =	ssub.s32 s0, s7;
	[tilespmem:s25+$0x8000] =	vst v19;
	v13 =	vld.idx.msk [tilespmem:v14+s8+$0x0], $0xffff;
	v14 =	vadd.s32 $0x23, v7;
	v7 =	vmovc v3;
	v3 =	vmovc v1;
	v1 =	vmov v2;
	v2 =	vmov v4  }
0xec: {  	v19 =	vmov s7;
	v4 =	vmovc v5;
	v5 =	vmov v6;
	v18 =	vld.idx.msk [tilespmem:v18+s8+$0x0], $0xffff;
	v21 =	vadd.s32 $0xE, v2;
	[tilespmem:s21+$0xC000] =	vst v12  }
0xed: {  	v6 =	vmul.u32 $0xC8, v19;
	[tilespmem:s28+$0x6C00] =	vst v16;
	v12 =	vld.idx.msk [tilespmem:v17+s8+$0x0], $0xffff;
	v16 =	vadd.s32 $0x1E, v7  }
0xee: {  	s5 =	sadd.s32 s29, s5;
	v17 =	vadd.s32 $0x9, v4;
	v10 =	vld.idx.msk [tilespmem:v10+s8+$0x0], $0xffff;
	[tilespmem:s23+$0xAC00] =	vst v9  }
0xef: {  	v19 =	vadd.s32 $0x19, v3;
	v6 =	vadd.s32 s5, v6;
	v9 =	vld.idx.msk [tilespmem:v20+s8+$0x0], $0xffff;
	[tilespmem:s26+$0xEC00] =	vst v11  }
0xf0: {  	v6 =	vbroadcast v6, $0x0;
	v11 =	vadd.s32 $0x4, v5;
	[tilespmem:s24+$0x9800] =	vst v15;
	v14 =	vld.idx.msk [tilespmem:v14+s8+$0x0], $0xffff  }
0xf1: {  	v20 =	vadd.s32 $0x14, v1;
	v15 =	vld.idx.msk [tilespmem:v21+s8+$0x0], $0xffff;
	[tilespmem:s22+$0xD800] =	vst v13  }
0xf2: {  	v6 =	vadd.s32 v0, v6;
	[tilespmem:s25+$0x8400] =	vst v18;
	v13 =	vld.idx.msk [tilespmem:v16+s8+$0x0], $0xffff  }
0xf3: {  	v16 =	vld.idx.msk [tilespmem:v17+s8+$0x0], $0xffff;
	v17 =	vadd.s32 $0xF, v2;
	[tilespmem:s21+$0xC400] =	vst v12  }
0xf4: {  	v12 =	vadd.s32 $0x1F, v7;
	[tilespmem:s28+$0x7000] =	vst v10;
	v10 =	vld.idx.msk [tilespmem:v19+s8+$0x0], $0xffff  }
0xf5: {  	v18 =	vadd.s32 $0xA, v4;
	v11 =	vld.idx.msk [tilespmem:v11+s8+$0x0], $0xffff;
	[tilespmem:s23+$0xB000] =	vst v9  }
0xf6: {  	v19 =	vadd.s32 $0x1A, v3;
	v9 =	vld.idx.msk [tilespmem:v20+s8+$0x0], $0xffff;
	[tilespmem:s26+$0xF000] =	vst v14;
	s26 =	smov.u32 s22;
	s22 =	smov.u32 s21;
	s21 =	smov.u32 s23  }
0xf7: {  	v20 =	vadd.s32 $0x5, v5;
	s23 =	smov.u32 s24;
	v14 =	vld.idx.msk [tilespmem:v6+s2+$0x0], $0xffff;
	[tilespmem:s24+$0x9C00] =	vst v15;
	s24 =	smov.u32 s25;
	s25 =	smov.u32 s28  }
0xf8: {  	v6 =	vmul.u32 $0x24, v8;
	v8 =	vadd.s32 $0x15, v1;
	v15 =	vld.idx.msk [tilespmem:v17+s8+$0x0], $0xffff;
	[tilespmem:s26+$0xDC00] =	vst v13  }
0xf9: {  	[tilespmem:s24+$0x8800] =	vst v16;
	v12 =	vld.idx.msk [tilespmem:v12+s8+$0x0], $0xffff  }
0xfa: {  	v16 =	vadd.s32 $0x10, v2;
	v13 =	vld.idx.msk [tilespmem:v18+s8+$0x0], $0xffff;
	[tilespmem:s22+$0xC800] =	vst v10  }
0xfb: {  	[tilespmem:s25+$0x7400] =	vst v11;
	v10 =	vld.idx.msk [tilespmem:v19+s8+$0x0], $0xffff;
	v11 =	vadd.s32 $0x20, v7  }
0xfc: {  	v18 =	vadd.s32 $0xB, v4;
	v17 =	vld.idx.msk [tilespmem:v20+s8+$0x0], $0xffff;
	[tilespmem:s21+$0xB400] =	vst v9  }
0xfd: {  	v19 =	vadd.s32 $0x1B, v3;
	v9 =	vld.idx.msk [tilespmem:v8+s8+$0x0], $0xffff;
	v8 =	vmov v14  }
0xfe: {  	v20 =	vadd.s32 $0x6, v5;
	v14 =	vld.idx.msk [tilespmem:v6+s8+$0x0], $0xffff;
	[tilespmem:s23+$0xA000] =	vst v15  }
0xff: {  	v15 =	vld.idx.msk [tilespmem:v16+s8+$0x0], $0xffff;
	v16 =	vadd.s32 $0x16, v1;
	[tilespmem:s26+$0xE000] =	vst v12  }
0x100: {  	v21 =	vor.u32 $0x1, v6;
	[tilespmem:s24+$0x8C00] =	vst v13;
	v11 =	vld.idx.msk [tilespmem:v11+s8+$0x0], $0xffff  }
0x101: {  	v13 =	vld.idx.msk [tilespmem:v18+s8+$0x0], $0xffff;
	v18 =	vadd.s32 $0x11, v2;
	[tilespmem:s22+$0xCC00] =	vst v10  }
0x102: {  	v10 =	vadd.s32 $0x21, v7;
	[tilespmem:s25+$0x7800] =	vst v17;
	v22 =	vld.idx.msk [tilespmem:v19+s8+$0x0], $0xffff  }
0x103: {  	s28 =	sshra.s32 s30, $0x2;
	s30 =	smov.u32 s3;
	v17 =	vadd.s32 $0xC, v4;
	v20 =	vld.idx.msk [tilespmem:v20+s8+$0x0], $0xffff;
	[tilespmem:s21+$0xB800] =	vst v9  }
0x104: {  	v23 =	vadd.s32 $0x1C, v3;
	[tilespmem:s28+$0x6400] =	vst v14;
	v12 =	vld.idx.msk [tilespmem:v16+s8+$0x0], $0xffff  }
.Ltmp0:
0x105: {  	v19 =	vadd.s32 $0x7, v5;
	v14 =	vld.idx.msk [tilespmem:v21+s8+$0x0], $0xffff;
	[tilespmem:s23+$0xA400] =	vst v15;
	(pc) =	sbr.rel @p1 .LBB2_3-.Ltmp0, $4  }
0x106: {  	v16 =	vadd.s32 $0x17, v1;
	v9 =	vld.idx.msk [tilespmem:v18+s8+$0x0], $0xffff;
	[tilespmem:s26+$0xE400] =	vst v11  }
0x107: {  	v18 =	vor.u32 $0x2, v6;
	[tilespmem:s24+$0x9000] =	vst v13;
	v10 =	vld.idx.msk [tilespmem:v10+s8+$0x0], $0xffff  }
0x108: {  	v11 =	vld.idx.msk [tilespmem:v17+s8+$0x0], $0xffff;
	v17 =	vadd.s32 $0x12, v2;
	[tilespmem:s22+$0xD000] =	vst v22  }
0x109: {  	s3 =	sadd.s32 $0x40, s3;
	v15 =	vadd.s32 $0x22, v7;
	[tilespmem:s25+$0x7C00] =	vst v20;
	v13 =	vld.idx.msk [tilespmem:v23+s8+$0x0], $0xffff  }
0x10a: {  	_ =	sdelay $0x2  }
0x10b: {  	[tilespmem:s21+$0xBC00] =	vst v12  }
0x10c: {  	v19 =	vld.idx.msk [tilespmem:v19+s8+$0x0], $0xffff;
	v20 =	vadd.s32 $0xD, v4;
	[tilespmem:s28+$0x6800] =	vst v14  }
0x10d: {  	v14 =	vadd.s32 $0x1D, v3;
	v12 =	vld.idx.msk [tilespmem:v16+s8+$0x0], $0xffff;
	[tilespmem:s23+$0xA800] =	vst v9  }
0x10e: {  	v16 =	vld.idx.msk [tilespmem:v18+s8+$0x0], $0xffff;
	v18 =	vadd.s32 $0x8, v5;
	[tilespmem:s26+$0xE800] =	vst v10  }
0x10f: {  	v9 =	vld.idx.msk [tilespmem:v17+s8+$0x0], $0xffff;
	v17 =	vadd.s32 $0x18, v1;
	[tilespmem:s24+$0x9400] =	vst v11  }
0x110: {  	v10 =	vor.u32 $0x3, v6;
	v11 =	vld.idx.msk [tilespmem:v15+s8+$0x0], $0xffff;
	[tilespmem:s22+$0xD400] =	vst v13  }
0x111: {  	v15 =	vld.idx.msk [tilespmem:v20+s8+$0x0], $0xffff;
	v20 =	vadd.s32 $0x13, v2;
	[tilespmem:s25+$0x8000] =	vst v19  }
0x112: {  	v7 =	vadd.s32 $0x23, v7;
	v13 =	vld.idx.msk [tilespmem:v14+s8+$0x0], $0xffff;
	[tilespmem:s21+$0xC000] =	vst v12  }
0x113: {  	v14 =	vld.idx.msk [tilespmem:v18+s8+$0x0], $0xffff;
	v18 =	vadd.s32 $0xE, v4;
	[tilespmem:s28+$0x6C00] =	vst v16  }
0x114: {  	v16 =	vadd.s32 $0x1E, v3;
	v12 =	vld.idx.msk [tilespmem:v17+s8+$0x0], $0xffff;
	[tilespmem:s23+$0xAC00] =	vst v9  }
0x115: {  	v10 =	vld.idx.msk [tilespmem:v10+s8+$0x0], $0xffff;
	v17 =	vadd.s32 $0x9, v5;
	[tilespmem:s26+$0xEC00] =	vst v11  }
0x116: {  	v11 =	vadd.s32 $0x4, v6;
	v9 =	vld.idx.msk [tilespmem:v20+s8+$0x0], $0xffff;
	[tilespmem:s24+$0x9800] =	vst v15  }
0x117: {  	v19 =	vadd.s32 $0x19, v1;
	v15 =	vld.idx.msk [tilespmem:v7+s8+$0x0], $0xffff;
	[tilespmem:s22+$0xD800] =	vst v13  }
0x118: {  	v7 =	vld.idx.msk [tilespmem:v18+s8+$0x0], $0xffff;
	v18 =	vadd.s32 $0x14, v2;
	[tilespmem:s25+$0x8400] =	vst v14  }
0x119: {  	v13 =	vld.idx.msk [tilespmem:v16+s8+$0x0], $0xffff;
	v14 =	vadd.s32 $0xF, v4;
	[tilespmem:s21+$0xC400] =	vst v12  }
0x11a: {  	v16 =	vld.idx.msk [tilespmem:v17+s8+$0x0], $0xffff;
	v12 =	vadd.s32 $0x1F, v3;
	[tilespmem:s28+$0x7000] =	vst v10  }
0x11b: {  	v17 =	vadd.s32 $0xA, v5;
	v11 =	vld.idx.msk [tilespmem:v11+s8+$0x0], $0xffff  }
0x11c: {  	v10 =	vld.idx.msk [tilespmem:v19+s8+$0x0], $0xffff;
	v19 =	vadd.s32 $0x5, v6;
	[tilespmem:s23+$0xB000] =	vst v9  }
0x11d: {  	v9 =	vadd.s32 $0x1A, v1;
	v18 =	vld.idx.msk [tilespmem:v18+s8+$0x0], $0xffff;
	[tilespmem:s24+$0x9C00] =	vst v7  }
0x11e: {  	v7 =	vmul.u32 $0x24, v8;
	[tilespmem:s22+$0xDC00] =	vst v13;
	v8 =	vld.idx.msk [tilespmem:v14+s8+$0x0], $0xffff;
	v14 =	vadd.s32 $0x15, v2  }
0x11f: {  	[tilespmem:s25+$0x8800] =	vst v16;
	v12 =	vld.idx.msk [tilespmem:v12+s8+$0x0], $0xffff  }
0x120: {  	v16 =	vadd.s32 $0x10, v4;
	v13 =	vld.idx.msk [tilespmem:v17+s8+$0x0], $0xffff;
	[tilespmem:s28+$0x7400] =	vst v11  }
0x121: {  	[tilespmem:s21+$0xC800] =	vst v10;
	v10 =	vadd.s32 $0x20, v3;
	v11 =	vld.idx.msk [tilespmem:v19+s8+$0x0], $0xffff  }
0x122: {  	v17 =	vadd.s32 $0xB, v5;
	v9 =	vld.idx.msk [tilespmem:v9+s8+$0x0], $0xffff;
	[tilespmem:s23+$0xB400] =	vst v18  }
0x123: {  	[tilespmem:s26+$0xF000] =	vst v15;
	v15 =	vadd.s32 $0x1B, v1;
	v14 =	vld.idx.msk [tilespmem:v14+s8+$0x0], $0xffff  }
0x124: {  	v19 =	vadd.s32 $0x6, v6;
	v18 =	vld.idx.msk [tilespmem:v7+s8+$0x0], $0xffff;
	[tilespmem:s24+$0xA000] =	vst v8  }
0x125: {  	[tilespmem:s22+$0xE000] =	vst v12;
	v8 =	vld.idx.msk [tilespmem:v16+s8+$0x0], $0xffff;
	v16 =	vadd.s32 $0x16, v2  }
0x126: {  	v12 =	vor.u32 $0x1, v7;
	[tilespmem:s25+$0x8C00] =	vst v13;
	v10 =	vld.idx.msk [tilespmem:v10+s8+$0x0], $0xffff  }
0x127: {  	v13 =	vld.idx.msk [tilespmem:v17+s8+$0x0], $0xffff;
	v17 =	vadd.s32 $0x11, v4;
	[tilespmem:s21+$0xCC00] =	vst v9  }
0x128: {  	[tilespmem:s28+$0x7800] =	vst v11;
	v11 =	vadd.s32 $0x21, v3;
	v9 =	vld.idx.msk [tilespmem:v15+s8+$0x0], $0xffff  }
0x129: {  	s31 =	sshra.s32 s30, $0x2;
	v15 =	vld.idx.msk [tilespmem:v19+s8+$0x0], $0xffff;
	v19 =	vadd.s32 $0xC, v5;
	[tilespmem:s23+$0xB800] =	vst v14  }
0x12a: {  	[tilespmem:s31+$0x6400] =	vst v18;
	v14 =	vld.idx.msk [tilespmem:v16+s8+$0x0], $0xffff;
	v16 =	vadd.s32 $0x1C, v1  }
0x12b: {  	v18 =	vadd.s32 $0x7, v6;
	v12 =	vld.idx.msk [tilespmem:v12+s8+$0x0], $0xffff;
	[tilespmem:s24+$0xA400] =	vst v8  }
0x12c: {  	[tilespmem:s22+$0xE400] =	vst v10;
	v8 =	vld.idx.msk [tilespmem:v17+s8+$0x0], $0xffff;
	v17 =	vadd.s32 $0x17, v2  }
0x12d: {  	v10 =	vor.u32 $0x2, v7;
	[tilespmem:s25+$0x9000] =	vst v13;
	v11 =	vld.idx.msk [tilespmem:v11+s8+$0x0], $0xffff  }
0x12e: {  	v13 =	vld.idx.msk [tilespmem:v19+s8+$0x0], $0xffff;
	v19 =	vadd.s32 $0x12, v4;
	[tilespmem:s21+$0xD000] =	vst v9  }
0x12f: {  	[tilespmem:s28+$0x7C00] =	vst v15;
	v9 =	vadd.s32 $0x22, v3;
	v15 =	vld.idx.msk [tilespmem:v16+s8+$0x0], $0xffff  }
0x130: {  	v16 =	vld.idx.msk [tilespmem:v18+s8+$0x0], $0xffff;
	v18 =	vadd.s32 $0xD, v5;
	[tilespmem:s23+$0xBC00] =	vst v14  }
0x131: {  	[tilespmem:s31+$0x6800] =	vst v12;
	v14 =	vadd.s32 $0x1D, v1;
	v12 =	vld.idx.msk [tilespmem:v17+s8+$0x0], $0xffff  }
0x132: {  	v10 =	vld.idx.msk [tilespmem:v10+s8+$0x0], $0xffff;
	v17 =	vadd.s32 $0x8, v6;
	[tilespmem:s24+$0xA800] =	vst v8  }
0x133: {  	v20 =	vadd.s32 $0x18, v2;
	[tilespmem:s22+$0xE800] =	vst v11;
	v19 =	vld.idx.msk [tilespmem:v19+s8+$0x0], $0xffff  }
0x134: {  	v11 =	vor.u32 $0x3, v7;
	[tilespmem:s25+$0x9400] =	vst v13;
	v9 =	vld.idx.msk [tilespmem:v9+s8+$0x0], $0xffff  }
0x135: {  	v13 =	vld.idx.msk [tilespmem:v18+s8+$0x0], $0xffff;
	[tilespmem:s21+$0xD400] =	vst v15  }
0x136: {  	[tilespmem:s28+$0x8000] =	vst v16;
	v8 =	vld.idx.msk [tilespmem:v14+s8+$0x0], $0xffff  }
0x137: {  	v14 =	vld.idx.msk [tilespmem:v17+s8+$0x0], $0xffff;
	[tilespmem:s23+$0xC000] =	vst v12  }
0x138: {  	[tilespmem:s31+$0x6C00] =	vst v10;
	v10 =	vld.idx.msk [tilespmem:v20+s8+$0x0], $0xffff  }
0x139: {  	v11 =	vld.idx.msk [tilespmem:v11+s8+$0x0], $0xffff  }
0x13a: {  	v12 =	vadd.s32 $0x4, v7;
	_ =	sdelay $0x3  }
0x13b: {  	[tilespmem:s31+$0x7000] =	vst v11  }
0x13c: {  	v11 =	vld.idx.msk [tilespmem:v12+s8+$0x0], $0xffff  }
0x13d: {  	v12 =	vadd.s32 $0x5, v7;
	_ =	sdelay $0x3  }
0x13e: {  	[tilespmem:s31+$0x7400] =	vst v11  }
0x13f: {  	v11 =	vld.idx.msk [tilespmem:v12+s8+$0x0], $0xffff  }
0x140: {  	v12 =	vadd.s32 $0x6, v7;
	_ =	sdelay $0x3  }
0x141: {  	[tilespmem:s31+$0x7800] =	vst v11  }
0x142: {  	v11 =	vld.idx.msk [tilespmem:v12+s8+$0x0], $0xffff  }
0x143: {  	v12 =	vadd.s32 $0x7, v7;
	_ =	sdelay $0x3  }
0x144: {  	[tilespmem:s31+$0x7C00] =	vst v11  }
0x145: {  	v11 =	vld.idx.msk [tilespmem:v12+s8+$0x0], $0xffff  }
0x146: {  	v12 =	vadd.s32 $0x8, v7;
	_ =	sdelay $0x3  }
0x147: {  	[tilespmem:s31+$0x8000] =	vst v11;
	v11 =	vadd.s32 $0x9, v6  }
0x148: {  	v12 =	vld.idx.msk [tilespmem:v12+s8+$0x0], $0xffff  }
0x149: {  	v15 =	vadd.s32 $0x9, v7;
	_ =	sdelay $0x1  }
0x14a: {  	[tilespmem:s28+$0x8400] =	vst v14  }
0x14b: {  	v11 =	vld.idx.msk [tilespmem:v11+s8+$0x0], $0xffff  }
0x14c: {  	[tilespmem:s31+$0x8400] =	vst v12;
	v12 =	vadd.s32 $0xA, v6  }
0x14d: {  	v14 =	vld.idx.msk [tilespmem:v15+s8+$0x0], $0xffff  }
0x14e: {  	v15 =	vadd.s32 $0xA, v7;
	_ =	sdelay $0x1  }
0x14f: {  	[tilespmem:s28+$0x8800] =	vst v11  }
0x150: {  	v11 =	vld.idx.msk [tilespmem:v12+s8+$0x0], $0xffff  }
0x151: {  	v12 =	vadd.s32 $0xB, v6;
	[tilespmem:s31+$0x8800] =	vst v14  }
0x152: {  	v14 =	vld.idx.msk [tilespmem:v15+s8+$0x0], $0xffff  }
0x153: {  	v15 =	vadd.s32 $0xB, v7;
	_ =	sdelay $0x1  }
0x154: {  	[tilespmem:s28+$0x8C00] =	vst v11  }
0x155: {  	v11 =	vld.idx.msk [tilespmem:v12+s8+$0x0], $0xffff  }
0x156: {  	v12 =	vadd.s32 $0xC, v6;
	[tilespmem:s31+$0x8C00] =	vst v14  }
0x157: {  	v14 =	vld.idx.msk [tilespmem:v15+s8+$0x0], $0xffff  }
0x158: {  	v15 =	vadd.s32 $0xC, v7;
	_ =	sdelay $0x1  }
0x159: {  	[tilespmem:s28+$0x9000] =	vst v11  }
0x15a: {  	v11 =	vld.idx.msk [tilespmem:v12+s8+$0x0], $0xffff  }
0x15b: {  	v12 =	vadd.s32 $0xD, v6;
	[tilespmem:s31+$0x9000] =	vst v14  }
0x15c: {  	v14 =	vld.idx.msk [tilespmem:v15+s8+$0x0], $0xffff  }
0x15d: {  	v15 =	vadd.s32 $0xD, v7;
	_ =	sdelay $0x1  }
0x15e: {  	[tilespmem:s28+$0x9400] =	vst v11  }
0x15f: {  	v11 =	vadd.s32 $0xE, v5;
	v12 =	vld.idx.msk [tilespmem:v12+s8+$0x0], $0xffff  }
0x160: {  	[tilespmem:s31+$0x9400] =	vst v14;
	v14 =	vadd.s32 $0xE, v6  }
0x161: {  	v15 =	vld.idx.msk [tilespmem:v15+s8+$0x0], $0xffff  }
0x162: {  	v16 =	vadd.s32 $0xE, v7  }
0x163: {  	[tilespmem:s25+$0x9800] =	vst v13  }
0x164: {  	v11 =	vld.idx.msk [tilespmem:v11+s8+$0x0], $0xffff;
	[tilespmem:s28+$0x9800] =	vst v12  }
0x165: {  	v12 =	vadd.s32 $0xF, v5;
	v13 =	vld.idx.msk [tilespmem:v14+s8+$0x0], $0xffff  }
0x166: {  	v14 =	vadd.s32 $0xF, v6;
	[tilespmem:s31+$0x9800] =	vst v15  }
0x167: {  	v15 =	vld.idx.msk [tilespmem:v16+s8+$0x0], $0xffff  }
0x168: {  	v16 =	vadd.s32 $0xF, v7  }
0x169: {  	[tilespmem:s25+$0x9C00] =	vst v11  }
0x16a: {  	v11 =	vld.idx.msk [tilespmem:v12+s8+$0x0], $0xffff;
	[tilespmem:s28+$0x9C00] =	vst v13  }
0x16b: {  	v12 =	vadd.s32 $0x10, v5;
	v13 =	vld.idx.msk [tilespmem:v14+s8+$0x0], $0xffff  }
0x16c: {  	v14 =	vadd.s32 $0x10, v6;
	[tilespmem:s31+$0x9C00] =	vst v15  }
0x16d: {  	v15 =	vld.idx.msk [tilespmem:v16+s8+$0x0], $0xffff  }
0x16e: {  	v16 =	vadd.s32 $0x10, v7  }
0x16f: {  	[tilespmem:s25+$0xA000] =	vst v11  }
0x170: {  	v11 =	vld.idx.msk [tilespmem:v12+s8+$0x0], $0xffff;
	[tilespmem:s28+$0xA000] =	vst v13  }
0x171: {  	v12 =	vadd.s32 $0x11, v5;
	v13 =	vld.idx.msk [tilespmem:v14+s8+$0x0], $0xffff  }
0x172: {  	v14 =	vadd.s32 $0x11, v6;
	[tilespmem:s31+$0xA000] =	vst v15  }
0x173: {  	v15 =	vld.idx.msk [tilespmem:v16+s8+$0x0], $0xffff  }
0x174: {  	v16 =	vadd.s32 $0x11, v7  }
0x175: {  	[tilespmem:s25+$0xA400] =	vst v11  }
0x176: {  	v11 =	vld.idx.msk [tilespmem:v12+s8+$0x0], $0xffff;
	[tilespmem:s28+$0xA400] =	vst v13  }
0x177: {  	v12 =	vadd.s32 $0x12, v5;
	v13 =	vld.idx.msk [tilespmem:v14+s8+$0x0], $0xffff  }
0x178: {  	v14 =	vadd.s32 $0x12, v6;
	[tilespmem:s31+$0xA400] =	vst v15  }
0x179: {  	v15 =	vld.idx.msk [tilespmem:v16+s8+$0x0], $0xffff  }
0x17a: {  	v16 =	vadd.s32 $0x12, v7  }
0x17b: {  	[tilespmem:s25+$0xA800] =	vst v11;
	v11 =	vadd.s32 $0x13, v4  }
0x17c: {  	v12 =	vld.idx.msk [tilespmem:v12+s8+$0x0], $0xffff;
	[tilespmem:s28+$0xA800] =	vst v13  }
0x17d: {  	v13 =	vadd.s32 $0x13, v5;
	v14 =	vld.idx.msk [tilespmem:v14+s8+$0x0], $0xffff  }
0x17e: {  	[tilespmem:s31+$0xA800] =	vst v15;
	v15 =	vadd.s32 $0x13, v6  }
0x17f: {  	[tilespmem:s24+$0xAC00] =	vst v19;
	v16 =	vld.idx.msk [tilespmem:v16+s8+$0x0], $0xffff  }
0x180: {  	v17 =	vadd.s32 $0x13, v7;
	v11 =	vld.idx.msk [tilespmem:v11+s8+$0x0], $0xffff  }
0x181: {  	[tilespmem:s25+$0xAC00] =	vst v12;
	v12 =	vadd.s32 $0x14, v4  }
0x182: {  	v13 =	vld.idx.msk [tilespmem:v13+s8+$0x0], $0xffff;
	[tilespmem:s28+$0xAC00] =	vst v14  }
0x183: {  	v14 =	vadd.s32 $0x14, v5;
	v15 =	vld.idx.msk [tilespmem:v15+s8+$0x0], $0xffff  }
0x184: {  	[tilespmem:s31+$0xAC00] =	vst v16;
	v16 =	vadd.s32 $0x14, v6  }
0x185: {  	[tilespmem:s24+$0xB000] =	vst v11;
	v17 =	vld.idx.msk [tilespmem:v17+s8+$0x0], $0xffff  }
0x186: {  	v18 =	vadd.s32 $0x14, v7;
	v11 =	vld.idx.msk [tilespmem:v12+s8+$0x0], $0xffff  }
0x187: {  	v12 =	vadd.s32 $0x15, v4;
	[tilespmem:s25+$0xB000] =	vst v13  }
0x188: {  	v13 =	vld.idx.msk [tilespmem:v14+s8+$0x0], $0xffff;
	[tilespmem:s28+$0xB000] =	vst v15  }
0x189: {  	v14 =	vadd.s32 $0x15, v5;
	v15 =	vld.idx.msk [tilespmem:v16+s8+$0x0], $0xffff  }
0x18a: {  	v16 =	vadd.s32 $0x15, v6;
	[tilespmem:s31+$0xB000] =	vst v17  }
0x18b: {  	[tilespmem:s24+$0xB400] =	vst v11;
	v17 =	vld.idx.msk [tilespmem:v18+s8+$0x0], $0xffff  }
0x18c: {  	v18 =	vadd.s32 $0x15, v7;
	v11 =	vld.idx.msk [tilespmem:v12+s8+$0x0], $0xffff  }
0x18d: {  	v12 =	vadd.s32 $0x16, v4;
	[tilespmem:s25+$0xB400] =	vst v13  }
0x18e: {  	v13 =	vld.idx.msk [tilespmem:v14+s8+$0x0], $0xffff;
	[tilespmem:s28+$0xB400] =	vst v15  }
0x18f: {  	v14 =	vadd.s32 $0x16, v5;
	v15 =	vld.idx.msk [tilespmem:v16+s8+$0x0], $0xffff  }
0x190: {  	v16 =	vadd.s32 $0x16, v6;
	[tilespmem:s31+$0xB400] =	vst v17  }
0x191: {  	[tilespmem:s24+$0xB800] =	vst v11;
	v17 =	vld.idx.msk [tilespmem:v18+s8+$0x0], $0xffff  }
0x192: {  	v18 =	vadd.s32 $0x16, v7;
	v11 =	vld.idx.msk [tilespmem:v12+s8+$0x0], $0xffff  }
0x193: {  	v12 =	vadd.s32 $0x17, v4;
	[tilespmem:s25+$0xB800] =	vst v13  }
0x194: {  	v13 =	vld.idx.msk [tilespmem:v14+s8+$0x0], $0xffff;
	[tilespmem:s28+$0xB800] =	vst v15  }
0x195: {  	v14 =	vadd.s32 $0x17, v5;
	v15 =	vld.idx.msk [tilespmem:v16+s8+$0x0], $0xffff  }
0x196: {  	v16 =	vadd.s32 $0x17, v6;
	[tilespmem:s31+$0xB800] =	vst v17  }
0x197: {  	[tilespmem:s24+$0xBC00] =	vst v11;
	v17 =	vld.idx.msk [tilespmem:v18+s8+$0x0], $0xffff  }
0x198: {  	v18 =	vadd.s32 $0x17, v7;
	v11 =	vld.idx.msk [tilespmem:v12+s8+$0x0], $0xffff  }
0x199: {  	v12 =	vadd.s32 $0x18, v4;
	[tilespmem:s25+$0xBC00] =	vst v13  }
0x19a: {  	v13 =	vld.idx.msk [tilespmem:v14+s8+$0x0], $0xffff;
	[tilespmem:s28+$0xBC00] =	vst v15  }
0x19b: {  	v14 =	vadd.s32 $0x18, v5;
	v15 =	vld.idx.msk [tilespmem:v16+s8+$0x0], $0xffff  }
0x19c: {  	v16 =	vadd.s32 $0x18, v6;
	[tilespmem:s31+$0xBC00] =	vst v17  }
0x19d: {  	[tilespmem:s24+$0xC000] =	vst v11;
	v11 =	vadd.s32 $0x19, v2;
	v17 =	vld.idx.msk [tilespmem:v18+s8+$0x0], $0xffff  }
0x19e: {  	v18 =	vadd.s32 $0x18, v7;
	v12 =	vld.idx.msk [tilespmem:v12+s8+$0x0], $0xffff  }
0x19f: {  	[tilespmem:s25+$0xC000] =	vst v13;
	v13 =	vadd.s32 $0x19, v4  }
0x1a0: {  	v14 =	vld.idx.msk [tilespmem:v14+s8+$0x0], $0xffff;
	[tilespmem:s28+$0xC000] =	vst v15  }
0x1a1: {  	[tilespmem:s23+$0xC400] =	vst v10;
	v15 =	vadd.s32 $0x19, v5;
	v16 =	vld.idx.msk [tilespmem:v16+s8+$0x0], $0xffff  }
0x1a2: {  	v11 =	vld.idx.msk [tilespmem:v11+s8+$0x0], $0xffff;
	[tilespmem:s31+$0xC000] =	vst v17;
	v17 =	vadd.s32 $0x19, v6  }
0x1a3: {  	[tilespmem:s24+$0xC400] =	vst v12;
	v12 =	vadd.s32 $0x1A, v2;
	v18 =	vld.idx.msk [tilespmem:v18+s8+$0x0], $0xffff  }
0x1a4: {  	v10 =	vadd.s32 $0x19, v7;
	v13 =	vld.idx.msk [tilespmem:v13+s8+$0x0], $0xffff  }
0x1a5: {  	[tilespmem:s25+$0xC400] =	vst v14;
	v14 =	vadd.s32 $0x1A, v4  }
0x1a6: {  	v15 =	vld.idx.msk [tilespmem:v15+s8+$0x0], $0xffff;
	[tilespmem:s28+$0xC400] =	vst v16  }
0x1a7: {  	v16 =	vadd.s32 $0x1A, v5;
	[tilespmem:s23+$0xC800] =	vst v11;
	v17 =	vld.idx.msk [tilespmem:v17+s8+$0x0], $0xffff  }
0x1a8: {  	v12 =	vld.idx.msk [tilespmem:v12+s8+$0x0], $0xffff;
	[tilespmem:s31+$0xC400] =	vst v18;
	v18 =	vadd.s32 $0x1A, v6  }
0x1a9: {  	[tilespmem:s24+$0xC800] =	vst v13;
	v13 =	vadd.s32 $0x1B, v2;
	v10 =	vld.idx.msk [tilespmem:v10+s8+$0x0], $0xffff  }
0x1aa: {  	v11 =	vadd.s32 $0x1A, v7;
	v14 =	vld.idx.msk [tilespmem:v14+s8+$0x0], $0xffff  }
0x1ab: {  	[tilespmem:s25+$0xC800] =	vst v15;
	v15 =	vadd.s32 $0x1B, v4  }
0x1ac: {  	v16 =	vld.idx.msk [tilespmem:v16+s8+$0x0], $0xffff;
	[tilespmem:s28+$0xC800] =	vst v17  }
0x1ad: {  	v17 =	vadd.s32 $0x1B, v5;
	[tilespmem:s23+$0xCC00] =	vst v12;
	v18 =	vld.idx.msk [tilespmem:v18+s8+$0x0], $0xffff  }
0x1ae: {  	v13 =	vld.idx.msk [tilespmem:v13+s8+$0x0], $0xffff;
	[tilespmem:s31+$0xC800] =	vst v10;
	v10 =	vadd.s32 $0x1B, v6  }
0x1af: {  	[tilespmem:s24+$0xCC00] =	vst v14;
	v14 =	vadd.s32 $0x1C, v2;
	v11 =	vld.idx.msk [tilespmem:v11+s8+$0x0], $0xffff  }
0x1b0: {  	[tilespmem:s22+$0xEC00] =	vst v9;
	v12 =	vadd.s32 $0x1B, v7;
	v15 =	vld.idx.msk [tilespmem:v15+s8+$0x0], $0xffff  }
0x1b1: {  	[tilespmem:s25+$0xCC00] =	vst v16;
	v16 =	vadd.s32 $0x1C, v4  }
0x1b2: {  	v3 =	vadd.s32 $0x23, v3;
	v17 =	vld.idx.msk [tilespmem:v17+s8+$0x0], $0xffff;
	[tilespmem:s28+$0xCC00] =	vst v18  }
0x1b3: {  	v18 =	vadd.s32 $0x1C, v5;
	[tilespmem:s23+$0xD000] =	vst v13;
	v10 =	vld.idx.msk [tilespmem:v10+s8+$0x0], $0xffff  }
0x1b4: {  	v9 =	vadd.s32 $0x1C, v6;
	v13 =	vld.idx.msk [tilespmem:v14+s8+$0x0], $0xffff;
	[tilespmem:s31+$0xCC00] =	vst v11  }
0x1b5: {  	v14 =	vadd.s32 $0x1D, v2;
	[tilespmem:s24+$0xD000] =	vst v15;
	v11 =	vld.idx.msk [tilespmem:v12+s8+$0x0], $0xffff  }
0x1b6: {  	[tilespmem:s21+$0xD800] =	vst v8;
	v12 =	vadd.s32 $0x1C, v7;
	v15 =	vld.idx.msk [tilespmem:v16+s8+$0x0], $0xffff  }
0x1b7: {  	v3 =	vld.idx.msk [tilespmem:v3+s8+$0x0], $0xffff;
	v16 =	vadd.s32 $0x1D, v4;
	[tilespmem:s25+$0xD000] =	vst v17  }
0x1b8: {  	v17 =	vld.idx.msk [tilespmem:v18+s8+$0x0], $0xffff;
	[tilespmem:s28+$0xD000] =	vst v10  }
0x1b9: {  	v10 =	vadd.s32 $0x1D, v5;
	[tilespmem:s23+$0xD400] =	vst v13;
	v9 =	vld.idx.msk [tilespmem:v9+s8+$0x0], $0xffff  }
0x1ba: {  	v8 =	vadd.s32 $0x1D, v6;
	v14 =	vld.idx.msk [tilespmem:v14+s8+$0x0], $0xffff;
	[tilespmem:s31+$0xD000] =	vst v11  }
0x1bb: {  	[tilespmem:s24+$0xD400] =	vst v15;
	v15 =	vadd.s32 $0x1E, v2;
	v11 =	vld.idx.msk [tilespmem:v12+s8+$0x0], $0xffff  }
0x1bc: {  	[tilespmem:s22+$0xF000] =	vst v3;
	v12 =	vadd.s32 $0x1D, v7;
	v16 =	vld.idx.msk [tilespmem:v16+s8+$0x0], $0xffff  }
0x1bd: {  	v13 =	vadd.s32 $0x1E, v1;
	[tilespmem:s25+$0xD400] =	vst v17  }
0x1be: {  	v17 =	vadd.s32 $0x1E, v4;
	v10 =	vld.idx.msk [tilespmem:v10+s8+$0x0], $0xffff;
	[tilespmem:s28+$0xD400] =	vst v9  }
0x1bf: {  	v9 =	vadd.s32 $0x1E, v5;
	[tilespmem:s23+$0xD800] =	vst v14;
	v8 =	vld.idx.msk [tilespmem:v8+s8+$0x0], $0xffff  }
0x1c0: {  	v3 =	vadd.s32 $0x1E, v6;
	v15 =	vld.idx.msk [tilespmem:v15+s8+$0x0], $0xffff;
	[tilespmem:s31+$0xD400] =	vst v11  }
0x1c1: {  	[tilespmem:s24+$0xD800] =	vst v16;
	v16 =	vadd.s32 $0x1F, v2;
	v11 =	vld.idx.msk [tilespmem:v12+s8+$0x0], $0xffff  }
0x1c2: {  	v12 =	vld.idx.msk [tilespmem:v13+s8+$0x0], $0xffff;
	v13 =	vadd.s32 $0x1E, v7  }
0x1c3: {  	v14 =	vadd.s32 $0x1F, v1;
	v17 =	vld.idx.msk [tilespmem:v17+s8+$0x0], $0xffff;
	[tilespmem:s25+$0xD800] =	vst v10  }
0x1c4: {  	v10 =	vadd.s32 $0x1F, v4;
	v9 =	vld.idx.msk [tilespmem:v9+s8+$0x0], $0xffff;
	[tilespmem:s28+$0xD800] =	vst v8  }
0x1c5: {  	[tilespmem:s23+$0xDC00] =	vst v15;
	v3 =	vld.idx.msk [tilespmem:v3+s8+$0x0], $0xffff  }
0x1c6: {  	v8 =	vadd.s32 $0x1F, v5;
	v16 =	vld.idx.msk [tilespmem:v16+s8+$0x0], $0xffff;
	[tilespmem:s31+$0xD800] =	vst v11  }
0x1c7: {  	[tilespmem:s21+$0xDC00] =	vst v12;
	v11 =	vadd.s32 $0x1F, v6;
	v12 =	vld.idx.msk [tilespmem:v13+s8+$0x0], $0xffff  }
0x1c8: {  	[tilespmem:s24+$0xDC00] =	vst v17;
	v17 =	vadd.s32 $0x20, v2;
	v13 =	vld.idx.msk [tilespmem:v14+s8+$0x0], $0xffff  }
0x1c9: {  	v14 =	vadd.s32 $0x1F, v7;
	v10 =	vld.idx.msk [tilespmem:v10+s8+$0x0], $0xffff;
	[tilespmem:s25+$0xDC00] =	vst v9  }
0x1ca: {  	v15 =	vadd.s32 $0x20, v1;
	[tilespmem:s28+$0xDC00] =	vst v3  }
0x1cb: {  	v9 =	vadd.s32 $0x20, v4;
	v8 =	vld.idx.msk [tilespmem:v8+s8+$0x0], $0xffff;
	[tilespmem:s23+$0xE000] =	vst v16  }
0x1cc: {  	v3 =	vadd.s32 $0x20, v5;
	v11 =	vld.idx.msk [tilespmem:v11+s8+$0x0], $0xffff;
	[tilespmem:s31+$0xDC00] =	vst v12  }
0x1cd: {  	v17 =	vld.idx.msk [tilespmem:v17+s8+$0x0], $0xffff;
	[tilespmem:s21+$0xE000] =	vst v13;
	v12 =	vadd.s32 $0x20, v6  }
0x1ce: {  	[tilespmem:s24+$0xE000] =	vst v10;
	v10 =	vadd.s32 $0x21, v2;
	v13 =	vld.idx.msk [tilespmem:v14+s8+$0x0], $0xffff  }
0x1cf: {  	v14 =	vld.idx.msk [tilespmem:v15+s8+$0x0], $0xffff;
	v15 =	vadd.s32 $0x20, v7  }
0x1d0: {  	v16 =	vadd.s32 $0x21, v1;
	v9 =	vld.idx.msk [tilespmem:v9+s8+$0x0], $0xffff;
	[tilespmem:s25+$0xE000] =	vst v8  }
0x1d1: {  	v8 =	vadd.s32 $0x21, v4;
	v3 =	vld.idx.msk [tilespmem:v3+s8+$0x0], $0xffff;
	[tilespmem:s28+$0xE000] =	vst v11  }
0x1d2: {  	v11 =	vadd.s32 $0x21, v5;
	[tilespmem:s23+$0xE400] =	vst v17;
	v12 =	vld.idx.msk [tilespmem:v12+s8+$0x0], $0xffff  }
0x1d3: {  	v10 =	vld.idx.msk [tilespmem:v10+s8+$0x0], $0xffff;
	[tilespmem:s31+$0xE000] =	vst v13  }
0x1d4: {  	[tilespmem:s21+$0xE400] =	vst v14;
	v13 =	vadd.s32 $0x21, v6;
	v14 =	vld.idx.msk [tilespmem:v15+s8+$0x0], $0xffff  }
0x1d5: {  	[tilespmem:s24+$0xE400] =	vst v9;
	v15 =	vld.idx.msk [tilespmem:v16+s8+$0x0], $0xffff;
	v16 =	vadd.s32 $0x21, v7  }
0x1d6: {  	v17 =	vadd.s32 $0x22, v1;
	v8 =	vld.idx.msk [tilespmem:v8+s8+$0x0], $0xffff;
	[tilespmem:s25+$0xE400] =	vst v3  }
0x1d7: {  	v3 =	vadd.s32 $0x22, v4;
	v11 =	vld.idx.msk [tilespmem:v11+s8+$0x0], $0xffff;
	[tilespmem:s28+$0xE400] =	vst v12  }
0x1d8: {  	v12 =	vadd.s32 $0x22, v5;
	[tilespmem:s23+$0xE800] =	vst v10  }
0x1d9: {  	v9 =	vadd.s32 $0x22, v2;
	v13 =	vld.idx.msk [tilespmem:v13+s8+$0x0], $0xffff;
	[tilespmem:s31+$0xE400] =	vst v14  }
0x1da: {  	[tilespmem:s21+$0xE800] =	vst v15;
	v14 =	vadd.s32 $0x22, v6;
	v15 =	vld.idx.msk [tilespmem:v16+s8+$0x0], $0xffff  }
0x1db: {  	v10 =	vadd.s32 $0x22, v7;
	[tilespmem:s24+$0xE800] =	vst v8;
	v16 =	vld.idx.msk [tilespmem:v17+s8+$0x0], $0xffff  }
0x1dc: {  	v1 =	vadd.s32 $0x23, v1;
	v3 =	vld.idx.msk [tilespmem:v3+s8+$0x0], $0xffff;
	[tilespmem:s25+$0xE800] =	vst v11  }
0x1dd: {  	v4 =	vadd.s32 $0x23, v4;
	v8 =	vld.idx.msk [tilespmem:v12+s8+$0x0], $0xffff  }
0x1de: {  	v5 =	vadd.s32 $0x23, v5;
	v9 =	vld.idx.msk [tilespmem:v9+s8+$0x0], $0xffff;
	[tilespmem:s28+$0xE800] =	vst v13  }
0x1df: {  	v2 =	vadd.s32 $0x23, v2;
	v11 =	vld.idx.msk [tilespmem:v14+s8+$0x0], $0xffff;
	[tilespmem:s31+$0xE800] =	vst v15  }
0x1e0: {  	[tilespmem:s21+$0xEC00] =	vst v16;
	v10 =	vld.idx.msk [tilespmem:v10+s8+$0x0], $0xffff  }
0x1e1: {  	v6 =	vadd.s32 $0x23, v6;
	[tilespmem:s24+$0xEC00] =	vst v3;
	v1 =	vld.idx.msk [tilespmem:v1+s8+$0x0], $0xffff  }
0x1e2: {  	v7 =	vadd.s32 $0x23, v7;
	v3 =	vld.idx.msk [tilespmem:v4+s8+$0x0], $0xffff;
	[tilespmem:s25+$0xEC00] =	vst v8  }
0x1e3: {  	[tilespmem:s23+$0xEC00] =	vst v9;
	v4 =	vld.idx.msk [tilespmem:v5+s8+$0x0], $0xffff  }
0x1e4: {  	v2 =	vld.idx.msk [tilespmem:v2+s8+$0x0], $0xffff  }
0x1e5: {  	s0 =	sor.u32 $0x1, s20;
	[tilespmem:s28+$0xEC00] =	vst v11  }
0x1e6: {  	s7 =	smulhi.u32 $0x51EB851F, s0;
	v5 =	vld.idx.msk [tilespmem:v6+s8+$0x0], $0xffff;
	[tilespmem:s31+$0xEC00] =	vst v10  }
0x1e7: {  	[tilespmem:s21+$0xF000] =	vst v1;
	v1 =	vld.idx.msk [tilespmem:v7+s8+$0x0], $0xffff  }
0x1e8: {  	s3 =	sshll.u32 s18, $0x11;
	s5 =	sshll.u32 s19, $0xA;
	[tilespmem:s25+$0xF000] =	vst v4;
	s25 =	sshrl.u32 s7, $0x3  }
0x1e9: {  	s3 =	sadd.s32 s5, s3;
	[tilespmem:s23+$0xF000] =	vst v2;
	s7 =	smul.u32 $0xFFFFFFE7, s25  }
0x1ea: {  	s3 =	sshrl.u32 s3, $0x3;
	[tilespmem:s24+$0xF000] =	vst v3  }
0x1eb: {  	s3 =	sadd.s32 s1, s3;
	[tilespmem:s28+$0xF000] =	vst v5;
	s18 =	sadd.s32 s0, s7  }
0x1ec: {  	s26 =	simm.s32 $0x0;
	s19 =	sadd.s32 s6, s25;
	[tilespmem:s31+$0xF000] =	vst v1;
	p1 =	sne.s32 s18, $0x0  }
0x1ed: {  	[hbm4b:s3+s10] =	stream.strided.scatter [tilespmem:s12], [sflag:$0x1], $0x9000, s11, s10, $0x38;
	[tilespmem:$0x18910] =	vst v63  }
0x1ee: {  	v1 =	vmov s26;
	s3 =	smul.u32 @!p1 $0xC80, s19  }
0x1ef: {  	s28 =	sshll.u32 s18, $0x3;
	v1 =	vmul.u32 $0xC8, v1  }
0x1f0: {  	s31 =	sadd.s32 $0x0, s28;
	s0 =	sadd.s32 @!p1 s4, s3;
	s3 =	simm.s32 @!p1 $0x0  }
0x1f1: {  	v1 =	vadd.s32 s31, v1;
	[tilespmem:s3], [sflag:$0x3] =	stream.linear.gather @!p1 [hbm4b:s0+s3], $0x6400, $0x38;
	[tilespmem:$0x18910] =	vst v63  }
0x1f2: {  	s0 =	simm.s32 @!p1 $0x3;
	v1 =	vbroadcast v1, $0x0  }
0x1f3: {  	_ =	swait.ge @!p1 [sflag:s0], $0x6400  }
0x1f4: {  	[sflag:s0] =	ssyncset.done @!p1 $0x0;
	v1 =	vadd.s32 v0, v1  }
0x1f5: {  	[sflag:s0] =	ssyncadd.s32 @!p1 $0xFFFF9C00;
	s0 =	simm.s32 @!p0 $0x2  }
0x1f6: {  	_ =	swait.ge @!p0 [sflag:s0], $0x9000  }
0x1f7: {  	[sflag:s0] =	ssyncset.done @!p0 $0x0  }
0x1f8: {  	[sflag:s0] =	ssyncadd.s32 @!p0 $0xFFFF7000  }
0x1f9: {  	v1 =	vld.idx.msk [tilespmem:v1+s2+$0x0], $0xffff;
	_ =	sdelay $0x4  }
0x1fa: {  	v6 =	vmul.u32 $0x24, v1;
	_ =	sdelay $0x5  }
0x1fb: {  	v1 =	vld.idx.msk [tilespmem:v6+s8+$0x0], $0xffff  }
0x1fc: {  	v2 =	vor.u32 $0x1, v6;
	_ =	sdelay $0x2  }
0x1fd: {  	s24 =	simm.s32 $0x0  }
0x1fe: {  	[tilespmem:s24+$0xF400] =	vst v1  }
0x1ff: {  	v1 =	vld.idx.msk [tilespmem:v2+s8+$0x0], $0xffff  }
0x200: {  	v2 =	vor.u32 $0x2, v6;
	_ =	sdelay $0x1  }
0x201: {  	s5 =	simm.s32 $0x10  }
0x202: {  	v3 =	vmov s5  }
0x203: {  	v3 =	vmul.u32 $0xC8, v3;
	[tilespmem:s24+$0xF800] =	vst v1  }
0x204: {  	s7 =	sadd.s32 $0x0, s28;
	v1 =	vld.idx.msk [tilespmem:v2+s8+$0x0], $0xffff  }
0x205: {  	v2 =	vadd.s32 s7, v3;
	v3 =	vor.u32 $0x3, v6  }
0x206: {  	v2 =	vbroadcast v2, $0x0;
	_ =	sdelay $0x1  }
0x207: {  	v2 =	vadd.s32 v0, v2  }
0x208: {  	[tilespmem:s24+$0xFC00] =	vst v1  }
0x209: {  	v1 =	vld.idx.msk [tilespmem:v3+s8+$0x0], $0xffff  }
0x20a: {  	v3 =	vadd.s32 $0x4, v6;
	_ =	sdelay $0x1  }
0x20b: {  	v2 =	vld.idx.msk [tilespmem:v2+s2+$0x0], $0xffff;
	_ =	sdelay $0x1  }
0x20c: {  	[tilespmem:s24+$0x10000] =	vst v1  }
0x20d: {  	v1 =	vld.idx.msk [tilespmem:v3+s8+$0x0], $0xffff  }
0x20e: {  	v4 =	vadd.s32 $0x5, v6  }
0x20f: {  	v3 =	vmul.u32 $0x24, v2;
	_ =	sdelay $0x2  }
0x210: {  	[tilespmem:s24+$0x10400] =	vst v1  }
0x211: {  	v1 =	vld.idx.msk [tilespmem:v4+s8+$0x0], $0xffff  }
0x212: {  	v2 =	vadd.s32 $0x6, v6  }
0x213: {  	v4 =	vld.idx.msk [tilespmem:v3+s8+$0x0], $0xffff  }
0x214: {  	v5 =	vor.u32 $0x1, v3;
	_ =	sdelay $0x1  }
0x215: {  	[tilespmem:s24+$0x10800] =	vst v1  }
0x216: {  	s21 =	simm.s32 $0x10;
	v1 =	vld.idx.msk [tilespmem:v2+s8+$0x0], $0xffff  }
0x217: {  	[tilespmem:s21+$0xF400] =	vst v4;
	v2 =	vadd.s32 $0x7, v6  }
0x218: {  	v4 =	vld.idx.msk [tilespmem:v5+s8+$0x0], $0xffff  }
0x219: {  	v5 =	vor.u32 $0x2, v3;
	_ =	sdelay $0x1  }
0x21a: {  	s20 =	simm.s32 $0x20;
	[tilespmem:s24+$0x10C00] =	vst v1  }
0x21b: {  	v1 =	vmov s20;
	v2 =	vld.idx.msk [tilespmem:v2+s8+$0x0], $0xffff  }
0x21c: {  	v1 =	vmul.u32 $0xC8, v1;
	[tilespmem:s21+$0xF800] =	vst v4;
	v4 =	vadd.s32 $0x8, v6  }
0x21d: {  	s22 =	sadd.s32 $0x0, s28;
	v5 =	vld.idx.msk [tilespmem:v5+s8+$0x0], $0xffff  }
0x21e: {  	v7 =	vor.u32 $0x3, v3;
	v1 =	vadd.s32 s22, v1  }
0x21f: {  	v1 =	vbroadcast v1, $0x0  }
0x220: {  	[tilespmem:s24+$0x11000] =	vst v2  }
0x221: {  	v1 =	vadd.s32 v0, v1;
	v2 =	vld.idx.msk [tilespmem:v4+s8+$0x0], $0xffff  }
0x222: {  	[tilespmem:s21+$0xFC00] =	vst v5;
	v4 =	vadd.s32 $0x9, v6  }
0x223: {  	v5 =	vld.idx.msk [tilespmem:v7+s8+$0x0], $0xffff  }
0x224: {  	v7 =	vadd.s32 $0x4, v3;
	_ =	sdelay $0x1  }
0x225: {  	v1 =	vld.idx.msk [tilespmem:v1+s2+$0x0], $0xffff;
	[tilespmem:s24+$0x11400] =	vst v2  }
0x226: {  	v2 =	vld.idx.msk [tilespmem:v4+s8+$0x0], $0xffff  }
0x227: {  	[tilespmem:s21+$0x10000] =	vst v5;
	v4 =	vadd.s32 $0xA, v6  }
0x228: {  	v5 =	vld.idx.msk [tilespmem:v7+s8+$0x0], $0xffff  }
0x229: {  	v7 =	vadd.s32 $0x5, v3  }
0x22a: {  	v1 =	vmul.u32 $0x24, v1  }
0x22b: {  	[tilespmem:s24+$0x11800] =	vst v2  }
0x22c: {  	v2 =	vld.idx.msk [tilespmem:v4+s8+$0x0], $0xffff  }
0x22d: {  	[tilespmem:s21+$0x10400] =	vst v5;
	v4 =	vadd.s32 $0xB, v6  }
0x22e: {  	v5 =	vld.idx.msk [tilespmem:v7+s8+$0x0], $0xffff  }
0x22f: {  	v7 =	vadd.s32 $0x6, v3  }
0x230: {  	v8 =	vld.idx.msk [tilespmem:v1+s8+$0x0], $0xffff  }
0x231: {  	v9 =	vor.u32 $0x1, v1;
	[tilespmem:s24+$0x11C00] =	vst v2  }
0x232: {  	v2 =	vld.idx.msk [tilespmem:v4+s8+$0x0], $0xffff  }
0x233: {  	[tilespmem:s21+$0x10800] =	vst v5;
	v4 =	vadd.s32 $0xC, v6  }
0x234: {  	s20 =	simm.s32 $0x20;
	v5 =	vld.idx.msk [tilespmem:v7+s8+$0x0], $0xffff  }
0x235: {  	v7 =	vadd.s32 $0x7, v3;
	[tilespmem:s20+$0xF400] =	vst v8  }
0x236: {  	v8 =	vld.idx.msk [tilespmem:v9+s8+$0x0], $0xffff  }
0x237: {  	s23 =	simm.s32 $0x30;
	v9 =	vor.u32 $0x2, v1;
	[tilespmem:s24+$0x12000] =	vst v2  }
0x238: {  	v2 =	vmov s23;
	v4 =	vld.idx.msk [tilespmem:v4+s8+$0x0], $0xffff  }
0x239: {  	v2 =	vmul.u32 $0xC8, v2;
	[tilespmem:s21+$0x10C00] =	vst v5;
	v5 =	vadd.s32 $0xD, v6  }
0x23a: {  	s25 =	sadd.s32 $0x0, s28;
	v7 =	vld.idx.msk [tilespmem:v7+s8+$0x0], $0xffff  }
0x23b: {  	v2 =	vadd.s32 s25, v2;
	[tilespmem:s20+$0xF800] =	vst v8;
	v8 =	vadd.s32 $0x8, v3  }
0x23c: {  	v2 =	vbroadcast v2, $0x0;
	v9 =	vld.idx.msk [tilespmem:v9+s8+$0x0], $0xffff  }
0x23d: {  	v10 =	vor.u32 $0x3, v1;
	[tilespmem:s24+$0x12400] =	vst v4  }
0x23e: {  	v2 =	vadd.s32 v0, v2;
	v4 =	vld.idx.msk [tilespmem:v5+s8+$0x0], $0xffff  }
0x23f: {  	[tilespmem:s21+$0x11000] =	vst v7;
	v5 =	vadd.s32 $0xE, v6  }
0x240: {  	v7 =	vld.idx.msk [tilespmem:v8+s8+$0x0], $0xffff  }
0x241: {  	v8 =	vadd.s32 $0x9, v3;
	[tilespmem:s20+$0xFC00] =	vst v9  }
0x242: {  	v9 =	vld.idx.msk [tilespmem:v10+s8+$0x0], $0xffff  }
0x243: {  	v10 =	vadd.s32 $0x4, v1;
	v2 =	vld.idx.msk [tilespmem:v2+s2+$0x0], $0xffff;
	[tilespmem:s24+$0x12800] =	vst v4  }
0x244: {  	v4 =	vld.idx.msk [tilespmem:v5+s8+$0x0], $0xffff  }
0x245: {  	[tilespmem:s21+$0x11400] =	vst v7;
	v5 =	vadd.s32 $0xF, v6  }
0x246: {  	v7 =	vld.idx.msk [tilespmem:v8+s8+$0x0], $0xffff  }
0x247: {  	v8 =	vadd.s32 $0xA, v3;
	[tilespmem:s20+$0x10000] =	vst v9  }
0x248: {  	v9 =	vld.idx.msk [tilespmem:v10+s8+$0x0], $0xffff  }
0x249: {  	v10 =	vadd.s32 $0x5, v1;
	v2 =	vmul.u32 $0x24, v2;
	[tilespmem:s24+$0x12C00] =	vst v4  }
0x24a: {  	v4 =	vld.idx.msk [tilespmem:v5+s8+$0x0], $0xffff  }
0x24b: {  	[tilespmem:s21+$0x11800] =	vst v7;
	v5 =	vadd.s32 $0x10, v6  }
0x24c: {  	v7 =	vld.idx.msk [tilespmem:v8+s8+$0x0], $0xffff  }
0x24d: {  	v8 =	vadd.s32 $0xB, v3;
	[tilespmem:s20+$0x10400] =	vst v9  }
0x24e: {  	v9 =	vld.idx.msk [tilespmem:v10+s8+$0x0], $0xffff  }
0x24f: {  	v11 =	vadd.s32 $0x6, v1;
	v10 =	vld.idx.msk [tilespmem:v2+s8+$0x0], $0xffff;
	[tilespmem:s24+$0x13000] =	vst v4  }
0x250: {  	v4 =	vld.idx.msk [tilespmem:v5+s8+$0x0], $0xffff;
	v5 =	vor.u32 $0x1, v2  }
0x251: {  	[tilespmem:s21+$0x11C00] =	vst v7;
	v7 =	vadd.s32 $0x11, v6  }
0x252: {  	v8 =	vld.idx.msk [tilespmem:v8+s8+$0x0], $0xffff  }
0x253: {  	s22 =	simm.s32 $0x30;
	[tilespmem:s20+$0x10800] =	vst v9;
	v9 =	vadd.s32 $0xC, v3  }
0x254: {  	[tilespmem:s22+$0xF400] =	vst v10;
	v11 =	vld.idx.msk [tilespmem:v11+s8+$0x0], $0xffff  }
0x255: {  	v10 =	vadd.s32 $0x7, v1;
	v5 =	vld.idx.msk [tilespmem:v5+s8+$0x0], $0xffff;
	[tilespmem:s24+$0x13400] =	vst v4  }
0x256: {  	v4 =	vld.idx.msk [tilespmem:v7+s8+$0x0], $0xffff;
	v7 =	vor.u32 $0x2, v2  }
0x257: {  	s26 =	simm.s32 $0x40;
	[tilespmem:s21+$0x12000] =	vst v8;
	v8 =	vadd.s32 $0x12, v6  }
0x258: {  	v12 =	vmov s26;
	v9 =	vld.idx.msk [tilespmem:v9+s8+$0x0], $0xffff  }
0x259: {  	v12 =	vmul.u32 $0xC8, v12;
	[tilespmem:s20+$0x10C00] =	vst v11;
	v11 =	vadd.s32 $0xD, v3  }
0x25a: {  	s31 =	sadd.s32 $0x0, s28;
	v10 =	vld.idx.msk [tilespmem:v10+s8+$0x0], $0xffff;
	[tilespmem:s22+$0xF800] =	vst v5  }
0x25b: {  	v5 =	vadd.s32 s31, v12;
	v12 =	vadd.s32 $0x8, v1;
	v7 =	vld.idx.msk [tilespmem:v7+s8+$0x0], $0xffff;
	[tilespmem:s24+$0x13800] =	vst v4  }
0x25c: {  	v4 =	vbroadcast v5, $0x0;
	v5 =	vld.idx.msk [tilespmem:v8+s8+$0x0], $0xffff;
	v8 =	vor.u32 $0x3, v2  }
0x25d: {  	[tilespmem:s21+$0x12400] =	vst v9;
	v9 =	vadd.s32 $0x13, v6  }
0x25e: {  	v4 =	vadd.s32 v0, v4;
	v11 =	vld.idx.msk [tilespmem:v11+s8+$0x0], $0xffff  }
0x25f: {  	[tilespmem:s20+$0x11000] =	vst v10;
	v10 =	vadd.s32 $0xE, v3  }
0x260: {  	v12 =	vld.idx.msk [tilespmem:v12+s8+$0x0], $0xffff;
	[tilespmem:s22+$0xFC00] =	vst v7  }
0x261: {  	v7 =	vld.idx.msk [tilespmem:v8+s8+$0x0], $0xffff;
	v8 =	vadd.s32 $0x9, v1;
	[tilespmem:s24+$0x13C00] =	vst v5  }
0x262: {  	v5 =	vld.idx.msk [tilespmem:v9+s8+$0x0], $0xffff;
	v9 =	vadd.s32 $0x4, v2  }
0x263: {  	v4 =	vld.idx.msk [tilespmem:v4+s2+$0x0], $0xffff;
	[tilespmem:s21+$0x12800] =	vst v11;
	v11 =	vadd.s32 $0x14, v6  }
0x264: {  	v10 =	vld.idx.msk [tilespmem:v10+s8+$0x0], $0xffff  }
0x265: {  	[tilespmem:s20+$0x11400] =	vst v12;
	v12 =	vadd.s32 $0xF, v3  }
0x266: {  	v8 =	vld.idx.msk [tilespmem:v8+s8+$0x0], $0xffff;
	[tilespmem:s22+$0x10000] =	vst v7  }
0x267: {  	v7 =	vld.idx.msk [tilespmem:v9+s8+$0x0], $0xffff;
	v9 =	vadd.s32 $0xA, v1;
	[tilespmem:s24+$0x14000] =	vst v5  }
0x268: {  	v5 =	vld.idx.msk [tilespmem:v11+s8+$0x0], $0xffff;
	v11 =	vadd.s32 $0x5, v2  }
0x269: {  	v4 =	vmul.u32 $0x24, v4;
	[tilespmem:s21+$0x12C00] =	vst v10;
	v10 =	vadd.s32 $0x15, v6  }
0x26a: {  	v12 =	vld.idx.msk [tilespmem:v12+s8+$0x0], $0xffff  }
0x26b: {  	[tilespmem:s20+$0x11800] =	vst v8;
	v8 =	vadd.s32 $0x10, v3  }
0x26c: {  	v9 =	vld.idx.msk [tilespmem:v9+s8+$0x0], $0xffff;
	[tilespmem:s22+$0x10400] =	vst v7  }
0x26d: {  	v7 =	vld.idx.msk [tilespmem:v11+s8+$0x0], $0xffff;
	v11 =	vadd.s32 $0xB, v1;
	[tilespmem:s24+$0x14400] =	vst v5  }
0x26e: {  	v5 =	vld.idx.msk [tilespmem:v10+s8+$0x0], $0xffff;
	v10 =	vadd.s32 $0x6, v2  }
0x26f: {  	v13 =	vld.idx.msk [tilespmem:v4+s8+$0x0], $0xffff;
	[tilespmem:s21+$0x13000] =	vst v12;
	v12 =	vadd.s32 $0x16, v6  }
0x270: {  	v14 =	vor.u32 $0x1, v4;
	v8 =	vld.idx.msk [tilespmem:v8+s8+$0x0], $0xffff  }
0x271: {  	[tilespmem:s20+$0x11C00] =	vst v9;
	v9 =	vadd.s32 $0x11, v3  }
0x272: {  	v11 =	vld.idx.msk [tilespmem:v11+s8+$0x0], $0xffff;
	[tilespmem:s22+$0x10800] =	vst v7  }
0x273: {  	s23 =	simm.s32 $0x40;
	v7 =	vld.idx.msk [tilespmem:v10+s8+$0x0], $0xffff;
	v10 =	vadd.s32 $0xC, v1;
	[tilespmem:s24+$0x14800] =	vst v5  }
0x274: {  	[tilespmem:s23+$0xF400] =	vst v13;
	v5 =	vld.idx.msk [tilespmem:v12+s8+$0x0], $0xffff;
	v12 =	vadd.s32 $0x7, v2  }
0x275: {  	v13 =	vld.idx.msk [tilespmem:v14+s8+$0x0], $0xffff;
	[tilespmem:s21+$0x13400] =	vst v8;
	v8 =	vadd.s32 $0x17, v6  }
0x276: {  	v14 =	vor.u32 $0x2, v4;
	v9 =	vld.idx.msk [tilespmem:v9+s8+$0x0], $0xffff  }
0x277: {  	s3 =	simm.s32 $0x50;
	[tilespmem:s20+$0x12000] =	vst v11;
	v11 =	vadd.s32 $0x12, v3  }
0x278: {  	v15 =	vmov s3;
	v10 =	vld.idx.msk [tilespmem:v10+s8+$0x0], $0xffff;
	[tilespmem:s22+$0x10C00] =	vst v7  }
0x279: {  	v7 =	vmul.u32 $0xC8, v15;
	v15 =	vadd.s32 $0xD, v1;
	v12 =	vld.idx.msk [tilespmem:v12+s8+$0x0], $0xffff;
	[tilespmem:s24+$0x14C00] =	vst v5  }
0x27a: {  	s5 =	sadd.s32 $0x0, s28;
	[tilespmem:s23+$0xF800] =	vst v13;
	v5 =	vld.idx.msk [tilespmem:v8+s8+$0x0], $0xffff;
	v8 =	vadd.s32 $0x8, v2  }
0x27b: {  	v13 =	vld.idx.msk [tilespmem:v14+s8+$0x0], $0xffff;
	v7 =	vadd.s32 s5, v7;
	[tilespmem:s21+$0x13800] =	vst v9;
	v9 =	vadd.s32 $0x18, v6  }
0x27c: {  	v14 =	vor.u32 $0x3, v4;
	v7 =	vbroadcast v7, $0x0;
	v11 =	vld.idx.msk [tilespmem:v11+s8+$0x0], $0xffff  }
0x27d: {  	s7 =	simm.s32 $0x60;
	[tilespmem:s20+$0x12400] =	vst v10;
	v10 =	vadd.s32 $0x13, v3  }
0x27e: {  	v7 =	vadd.s32 v0, v7;
	v15 =	vld.idx.msk [tilespmem:v15+s8+$0x0], $0xffff;
	[tilespmem:s22+$0x11000] =	vst v12;
	v12 =	vmov s7  }
0x27f: {  	v16 =	vadd.s32 $0xE, v1;
	v8 =	vld.idx.msk [tilespmem:v8+s8+$0x0], $0xffff;
	[tilespmem:s24+$0x15000] =	vst v5;
	v5 =	vmul.u32 $0xC8, v12  }
0x280: {  	s25 =	sadd.s32 $0x0, s28;
	[tilespmem:s23+$0xFC00] =	vst v13;
	v12 =	vadd.s32 $0x9, v2;
	v9 =	vld.idx.msk [tilespmem:v9+s8+$0x0], $0xffff  }
0x281: {  	v13 =	vld.idx.msk [tilespmem:v14+s8+$0x0], $0xffff;
	[tilespmem:s21+$0x13C00] =	vst v11;
	v5 =	vadd.s32 s25, v5;
	v11 =	vadd.s32 $0x19, v6  }
0x282: {  	v14 =	vadd.s32 $0x4, v4;
	v10 =	vld.idx.msk [tilespmem:v10+s8+$0x0], $0xffff;
	v5 =	vbroadcast v5, $0x0  }
0x283: {  	v7 =	vld.idx.msk [tilespmem:v7+s2+$0x0], $0xffff;
	[tilespmem:s20+$0x12800] =	vst v15;
	v15 =	vadd.s32 $0x14, v3  }
0x284: {  	v16 =	vld.idx.msk [tilespmem:v16+s8+$0x0], $0xffff;
	v5 =	vadd.s32 v0, v5;
	[tilespmem:s22+$0x11400] =	vst v8  }
0x285: {  	v8 =	vld.idx.msk [tilespmem:v12+s8+$0x0], $0xffff;
	v12 =	vadd.s32 $0xF, v1;
	[tilespmem:s24+$0x15400] =	vst v9  }
0x286: {  	[tilespmem:s23+$0x10000] =	vst v13;
	v9 =	vld.idx.msk [tilespmem:v11+s8+$0x0], $0xffff;
	v11 =	vadd.s32 $0xA, v2  }
0x287: {  	v13 =	vld.idx.msk [tilespmem:v14+s8+$0x0], $0xffff;
	[tilespmem:s21+$0x14000] =	vst v10;
	v10 =	vadd.s32 $0x1A, v6  }
0x288: {  	v14 =	vld.idx.msk [tilespmem:v15+s8+$0x0], $0xffff;
	v15 =	vadd.s32 $0x5, v4  }
0x289: {  	v17 =	vld.idx.msk [tilespmem:v5+s2+$0x0], $0xffff;
	[tilespmem:s20+$0x12C00] =	vst v16;
	v5 =	vmul.u32 $0x24, v7;
	v7 =	vadd.s32 $0x15, v3  }
0x28a: {  	v12 =	vld.idx.msk [tilespmem:v12+s8+$0x0], $0xffff;
	[tilespmem:s22+$0x11800] =	vst v8  }
0x28b: {  	v8 =	vld.idx.msk [tilespmem:v11+s8+$0x0], $0xffff;
	v11 =	vadd.s32 $0x10, v1;
	[tilespmem:s24+$0x15800] =	vst v9  }
0x28c: {  	[tilespmem:s23+$0x10400] =	vst v13;
	v9 =	vld.idx.msk [tilespmem:v10+s8+$0x0], $0xffff;
	v10 =	vadd.s32 $0xB, v2  }
0x28d: {  	v13 =	vld.idx.msk [tilespmem:v15+s8+$0x0], $0xffff;
	[tilespmem:s21+$0x14400] =	vst v14;
	v14 =	vadd.s32 $0x1B, v6  }
0x28e: {  	v15 =	vadd.s32 $0x6, v4;
	v7 =	vld.idx.msk [tilespmem:v7+s8+$0x0], $0xffff  }
0x28f: {  	v16 =	vld.idx.msk [tilespmem:v5+s8+$0x0], $0xffff;
	[tilespmem:s20+$0x13000] =	vst v12;
	v12 =	vadd.s32 $0x16, v3  }
0x290: {  	v18 =	vor.u32 $0x1, v5;
	v11 =	vld.idx.msk [tilespmem:v11+s8+$0x0], $0xffff;
	[tilespmem:s22+$0x11C00] =	vst v8  }
0x291: {  	v8 =	vld.idx.msk [tilespmem:v10+s8+$0x0], $0xffff;
	v10 =	vadd.s32 $0x11, v1;
	[tilespmem:s24+$0x15C00] =	vst v9  }
0x292: {  	[tilespmem:s23+$0x10800] =	vst v13;
	v9 =	vld.idx.msk [tilespmem:v14+s8+$0x0], $0xffff;
	v13 =	vadd.s32 $0xC, v2  }
0x293: {  	s25 =	simm.s32 $0x50;
	v14 =	vld.idx.msk [tilespmem:v15+s8+$0x0], $0xffff;
	[tilespmem:s21+$0x14800] =	vst v7;
	v7 =	vadd.s32 $0x1C, v6  }
0x294: {  	v15 =	vadd.s32 $0x7, v4;
	[tilespmem:s25+$0xF400] =	vst v16;
	v12 =	vld.idx.msk [tilespmem:v12+s8+$0x0], $0xffff  }
0x295: {  	v16 =	vld.idx.msk [tilespmem:v18+s8+$0x0], $0xffff;
	[tilespmem:s20+$0x13400] =	vst v11;
	v11 =	vadd.s32 $0x17, v3  }
0x296: {  	v18 =	vor.u32 $0x2, v5;
	v10 =	vld.idx.msk [tilespmem:v10+s8+$0x0], $0xffff;
	[tilespmem:s22+$0x12000] =	vst v8  }
0x297: {  	v8 =	vld.idx.msk [tilespmem:v13+s8+$0x0], $0xffff;
	v13 =	vadd.s32 $0x12, v1;
	[tilespmem:s24+$0x16000] =	vst v9  }
0x298: {  	v9 =	vadd.s32 $0xD, v2;
	[tilespmem:s23+$0x10C00] =	vst v14;
	v7 =	vld.idx.msk [tilespmem:v7+s8+$0x0], $0xffff  }
0x299: {  	v14 =	vld.idx.msk [tilespmem:v15+s8+$0x0], $0xffff;
	[tilespmem:s21+$0x14C00] =	vst v12;
	v12 =	vadd.s32 $0x1D, v6  }
0x29a: {  	v15 =	vadd.s32 $0x8, v4;
	[tilespmem:s25+$0xF800] =	vst v16;
	v11 =	vld.idx.msk [tilespmem:v11+s8+$0x0], $0xffff  }
0x29b: {  	v16 =	vld.idx.msk [tilespmem:v18+s8+$0x0], $0xffff;
	[tilespmem:s20+$0x13800] =	vst v10;
	v10 =	vadd.s32 $0x18, v3  }
0x29c: {  	v18 =	vor.u32 $0x3, v5;
	v13 =	vld.idx.msk [tilespmem:v13+s8+$0x0], $0xffff;
	[tilespmem:s22+$0x12400] =	vst v8  }
0x29d: {  	s26 =	simm.s32 $0x70;
	v8 =	vld.idx.msk [tilespmem:v9+s8+$0x0], $0xffff;
	v9 =	vadd.s32 $0x13, v1;
	[tilespmem:s24+$0x16400] =	vst v7  }
0x29e: {  	[tilespmem:s23+$0x11000] =	vst v14;
	v7 =	vld.idx.msk [tilespmem:v12+s8+$0x0], $0xffff;
	v12 =	vmov s26;
	v14 =	vadd.s32 $0xE, v2  }
0x29f: {  	v15 =	vld.idx.msk [tilespmem:v15+s8+$0x0], $0xffff;
	[tilespmem:s21+$0x15000] =	vst v11;
	v11 =	vmul.u32 $0xC8, v12;
	v12 =	vadd.s32 $0x1E, v6  }
0x2a0: {  	s31 =	sadd.s32 $0x0, s28;
	[tilespmem:s25+$0xFC00] =	vst v16;
	v10 =	vld.idx.msk [tilespmem:v10+s8+$0x0], $0xffff;
	v16 =	vadd.s32 $0x9, v4  }
0x2a1: {  	v18 =	vld.idx.msk [tilespmem:v18+s8+$0x0], $0xffff;
	[tilespmem:s20+$0x13C00] =	vst v13;
	v11 =	vadd.s32 s31, v11;
	v13 =	vadd.s32 $0x19, v3  }
0x2a2: {  	v19 =	vadd.s32 $0x4, v5;
	v9 =	vld.idx.msk [tilespmem:v9+s8+$0x0], $0xffff;
	v11 =	vbroadcast v11, $0x0;
	[tilespmem:s22+$0x12800] =	vst v8  }
0x2a3: {  	v8 =	vadd.s32 $0x14, v1;
	v14 =	vld.idx.msk [tilespmem:v14+s8+$0x0], $0xffff;
	[tilespmem:s24+$0x16800] =	vst v7  }
0x2a4: {  	v7 =	vadd.s32 v0, v11;
	[tilespmem:s23+$0x11400] =	vst v15;
	v11 =	vld.idx.msk [tilespmem:v12+s8+$0x0], $0xffff  }
0x2a5: {  	v15 =	vadd.s32 $0xF, v2;
	v12 =	vld.idx.msk [tilespmem:v16+s8+$0x0], $0xffff;
	[tilespmem:s21+$0x15400] =	vst v10  }
0x2a6: {  	[tilespmem:s25+$0x10000] =	vst v18;
	v10 =	vld.idx.msk [tilespmem:v13+s8+$0x0], $0xffff;
	v13 =	vadd.s32 $0x1F, v6  }
0x2a7: {  	v18 =	vadd.s32 $0xA, v4;
	v16 =	vld.idx.msk [tilespmem:v19+s8+$0x0], $0xffff;
	[tilespmem:s20+$0x14000] =	vst v9  }
0x2a8: {  	v19 =	vadd.s32 $0x1A, v3;
	v9 =	vld.idx.msk [tilespmem:v8+s8+$0x0], $0xffff  }
0x2a9: {  	v20 =	vadd.s32 $0x5, v5;
	[tilespmem:s22+$0x12C00] =	vst v14;
	v8 =	vld.idx.msk [tilespmem:v7+s2+$0x0], $0xffff  }
0x2aa: {  	v7 =	vmul.u32 $0x24, v17;
	v14 =	vld.idx.msk [tilespmem:v15+s8+$0x0], $0xffff;
	v15 =	vadd.s32 $0x15, v1;
	[tilespmem:s24+$0x16C00] =	vst v11  }
0x2ab: {  	[tilespmem:s23+$0x11800] =	vst v12;
	v11 =	vld.idx.msk [tilespmem:v13+s8+$0x0], $0xffff  }
0x2ac: {  	v12 =	vld.idx.msk [tilespmem:v18+s8+$0x0], $0xffff;
	v13 =	vadd.s32 $0x10, v2;
	[tilespmem:s21+$0x15800] =	vst v10  }
0x2ad: {  	[tilespmem:s25+$0x10400] =	vst v16;
	v10 =	vld.idx.msk [tilespmem:v19+s8+$0x0], $0xffff;
	v16 =	vadd.s32 $0x20, v6  }
0x2ae: {  	v18 =	vadd.s32 $0xB, v4;
	v17 =	vld.idx.msk [tilespmem:v20+s8+$0x0], $0xffff;
	[tilespmem:s20+$0x14400] =	vst v9  }
0x2af: {  	v9 =	vld.idx.msk [tilespmem:v15+s8+$0x0], $0xffff;
	v15 =	vadd.s32 $0x1B, v3  }
0x2b0: {  	v20 =	vadd.s32 $0x6, v5;
	[tilespmem:s22+$0x13000] =	vst v14;
	v19 =	vld.idx.msk [tilespmem:v7+s8+$0x0], $0xffff  }
0x2b1: {  	v14 =	vld.idx.msk [tilespmem:v13+s8+$0x0], $0xffff;
	v13 =	vadd.s32 $0x16, v1;
	[tilespmem:s24+$0x17000] =	vst v11  }
0x2b2: {  	v11 =	vor.u32 $0x1, v7;
	[tilespmem:s23+$0x11C00] =	vst v12;
	v12 =	vld.idx.msk [tilespmem:v16+s8+$0x0], $0xffff  }
0x2b3: {  	v21 =	vadd.s32 $0x11, v2;
	v16 =	vld.idx.msk [tilespmem:v18+s8+$0x0], $0xffff;
	[tilespmem:s21+$0x15C00] =	vst v10  }
0x2b4: {  	v10 =	vadd.s32 $0x21, v6;
	[tilespmem:s25+$0x10800] =	vst v17;
	v15 =	vld.idx.msk [tilespmem:v15+s8+$0x0], $0xffff  }
0x2b5: {  	v22 =	vadd.s32 $0xC, v4;
	s26 =	simm.s32 $0x60;
	v20 =	vld.idx.msk [tilespmem:v20+s8+$0x0], $0xffff;
	[tilespmem:s20+$0x14800] =	vst v9  }
0x2b6: {  	v9 =	vadd.s32 $0x1C, v3;
	[tilespmem:s26+$0xF400] =	vst v19;
	v13 =	vld.idx.msk [tilespmem:v13+s8+$0x0], $0xffff  }
0x2b7: {  	v17 =	vadd.s32 $0x7, v5;
	v18 =	vld.idx.msk [tilespmem:v11+s8+$0x0], $0xffff;
	[tilespmem:s22+$0x13400] =	vst v14  }
0x2b8: {  	v11 =	vadd.s32 $0x17, v1;
	v14 =	vld.idx.msk [tilespmem:v21+s8+$0x0], $0xffff;
	[tilespmem:s24+$0x17400] =	vst v12  }
0x2b9: {  	v19 =	vor.u32 $0x2, v7;
	[tilespmem:s23+$0x12000] =	vst v16;
	v10 =	vld.idx.msk [tilespmem:v10+s8+$0x0], $0xffff  }
0x2ba: {  	s29 =	simm.s32 $0x1C0;
	v16 =	vld.idx.msk [tilespmem:v22+s8+$0x0], $0xffff;
	[tilespmem:s21+$0x16000] =	vst v15;
	v15 =	vadd.s32 $0x12, v2  }
0x2bb: {  	s30 =	simm.s32 $0x7;
	s3 =	simm.s32 $0x200;
	s0 =	simm.s32 $0x70;
	[tilespmem:s25+$0x10C00] =	vst v20;
	v12 =	vld.idx.msk [tilespmem:v9+s8+$0x0], $0xffff;
	v9 =	vadd.s32 $0x22, v6  }
.LBB2_5:
0x2bc: {  	p0 =	sne.s32 s3, $0xFC0;
	v17 =	vld.idx.msk [tilespmem:v17+s8+$0x0], $0xffff;
	v20 =	vadd.s32 $0xD, v4;
	[tilespmem:s20+$0x14C00] =	vst v13  }
0x2bd: {  	v13 =	vadd.s32 $0x1D, v3;
	[tilespmem:s26+$0xF800] =	vst v18;
	v11 =	vld.idx.msk [tilespmem:v11+s8+$0x0], $0xffff  }
0x2be: {  	v18 =	vld.idx.msk [tilespmem:v19+s8+$0x0], $0xffff;
	v19 =	vadd.s32 $0x8, v5;
	[tilespmem:s22+$0x13800] =	vst v14  }
0x2bf: {  	s30 =	sadd.s32 $0x1, s30;
	v14 =	vld.idx.msk [tilespmem:v15+s8+$0x0], $0xffff;
	v15 =	vadd.s32 $0x18, v1;
	[tilespmem:s24+$0x17800] =	vst v10  }
0x2c0: {  	s5 =	sshrl.u32 s30, $0x3;
	v10 =	vor.u32 $0x3, v7;
	[tilespmem:s23+$0x12400] =	vst v16;
	v9 =	vld.idx.msk [tilespmem:v9+s8+$0x0], $0xffff  }
0x2c1: {  	s0 =	sadd.s32 $0x10, s0;
	s7 =	sshll.u32 s5, $0x7;
	v16 =	vld.idx.msk [tilespmem:v20+s8+$0x0], $0xffff;
	v20 =	vadd.s32 $0x13, v2;
	[tilespmem:s21+$0x16400] =	vst v12  }
0x2c2: {  	s7 =	ssub.s32 s0, s7;
	[tilespmem:s25+$0x11000] =	vst v17;
	v12 =	vld.idx.msk [tilespmem:v13+s8+$0x0], $0xffff;
	v13 =	vadd.s32 $0x23, v6;
	v6 =	vmovc v3;
	v3 =	vmovc v1;
	v1 =	vmov v2;
	v2 =	vmov v4  }
0x2c3: {  	v17 =	vmov s7;
	v4 =	vmovc v5;
	v5 =	vmov v7;
	v19 =	vld.idx.msk [tilespmem:v19+s8+$0x0], $0xffff;
	v21 =	vadd.s32 $0xE, v2;
	[tilespmem:s20+$0x15000] =	vst v11  }
0x2c4: {  	v7 =	vmul.u32 $0xC8, v17;
	[tilespmem:s26+$0xFC00] =	vst v18;
	v11 =	vld.idx.msk [tilespmem:v15+s8+$0x0], $0xffff;
	v15 =	vadd.s32 $0x1E, v6  }
0x2c5: {  	s5 =	sadd.s32 s28, s5;
	v17 =	vadd.s32 $0x9, v4;
	v10 =	vld.idx.msk [tilespmem:v10+s8+$0x0], $0xffff;
	[tilespmem:s22+$0x13C00] =	vst v14  }
0x2c6: {  	v18 =	vadd.s32 $0x19, v3;
	v7 =	vadd.s32 s5, v7;
	v14 =	vld.idx.msk [tilespmem:v20+s8+$0x0], $0xffff;
	[tilespmem:s24+$0x17C00] =	vst v9  }
0x2c7: {  	v7 =	vbroadcast v7, $0x0;
	v9 =	vadd.s32 $0x4, v5;
	[tilespmem:s23+$0x12800] =	vst v16;
	v13 =	vld.idx.msk [tilespmem:v13+s8+$0x0], $0xffff  }
0x2c8: {  	v20 =	vadd.s32 $0x14, v1;
	v16 =	vld.idx.msk [tilespmem:v21+s8+$0x0], $0xffff;
	[tilespmem:s21+$0x16800] =	vst v12  }
0x2c9: {  	v7 =	vadd.s32 v0, v7;
	[tilespmem:s25+$0x11400] =	vst v19;
	v12 =	vld.idx.msk [tilespmem:v15+s8+$0x0], $0xffff  }
0x2ca: {  	v15 =	vld.idx.msk [tilespmem:v17+s8+$0x0], $0xffff;
	v17 =	vadd.s32 $0xF, v2;
	[tilespmem:s20+$0x15400] =	vst v11  }
0x2cb: {  	v11 =	vadd.s32 $0x1F, v6;
	[tilespmem:s26+$0x10000] =	vst v10;
	v10 =	vld.idx.msk [tilespmem:v18+s8+$0x0], $0xffff  }
0x2cc: {  	v18 =	vadd.s32 $0xA, v4;
	v9 =	vld.idx.msk [tilespmem:v9+s8+$0x0], $0xffff;
	[tilespmem:s22+$0x14000] =	vst v14  }
0x2cd: {  	v19 =	vadd.s32 $0x1A, v3;
	v14 =	vld.idx.msk [tilespmem:v20+s8+$0x0], $0xffff;
	[tilespmem:s24+$0x18000] =	vst v13;
	s24 =	smov.u32 s21;
	s21 =	smov.u32 s20;
	s20 =	smov.u32 s22  }
0x2ce: {  	v20 =	vadd.s32 $0x5, v5;
	s22 =	smov.u32 s23;
	v13 =	vld.idx.msk [tilespmem:v7+s2+$0x0], $0xffff;
	[tilespmem:s23+$0x12C00] =	vst v16;
	s23 =	smov.u32 s25;
	s25 =	smov.u32 s26  }
0x2cf: {  	v7 =	vmul.u32 $0x24, v8;
	v8 =	vadd.s32 $0x15, v1;
	v16 =	vld.idx.msk [tilespmem:v17+s8+$0x0], $0xffff;
	[tilespmem:s24+$0x16C00] =	vst v12  }
0x2d0: {  	[tilespmem:s23+$0x11800] =	vst v15;
	v11 =	vld.idx.msk [tilespmem:v11+s8+$0x0], $0xffff  }
0x2d1: {  	v15 =	vadd.s32 $0x10, v2;
	v12 =	vld.idx.msk [tilespmem:v18+s8+$0x0], $0xffff;
	[tilespmem:s21+$0x15800] =	vst v10  }
0x2d2: {  	v10 =	vadd.s32 $0x20, v6;
	[tilespmem:s25+$0x10400] =	vst v9;
	v9 =	vld.idx.msk [tilespmem:v19+s8+$0x0], $0xffff  }
0x2d3: {  	v18 =	vadd.s32 $0xB, v4;
	v17 =	vld.idx.msk [tilespmem:v20+s8+$0x0], $0xffff;
	[tilespmem:s20+$0x14400] =	vst v14  }
0x2d4: {  	v19 =	vadd.s32 $0x1B, v3;
	v14 =	vld.idx.msk [tilespmem:v8+s8+$0x0], $0xffff;
	v8 =	vmov v13  }
0x2d5: {  	v20 =	vadd.s32 $0x6, v5;
	v13 =	vld.idx.msk [tilespmem:v7+s8+$0x0], $0xffff;
	[tilespmem:s22+$0x13000] =	vst v16  }
0x2d6: {  	v16 =	vadd.s32 $0x16, v1;
	v15 =	vld.idx.msk [tilespmem:v15+s8+$0x0], $0xffff;
	[tilespmem:s24+$0x17000] =	vst v11  }
0x2d7: {  	v11 =	vor.u32 $0x1, v7;
	[tilespmem:s23+$0x11C00] =	vst v12;
	v10 =	vld.idx.msk [tilespmem:v10+s8+$0x0], $0xffff  }
0x2d8: {  	v21 =	vadd.s32 $0x11, v2;
	v12 =	vld.idx.msk [tilespmem:v18+s8+$0x0], $0xffff;
	[tilespmem:s21+$0x15C00] =	vst v9  }
0x2d9: {  	v22 =	vadd.s32 $0x21, v6;
	[tilespmem:s25+$0x10800] =	vst v17;
	v9 =	vld.idx.msk [tilespmem:v19+s8+$0x0], $0xffff  }
0x2da: {  	v23 =	vadd.s32 $0xC, v4;
	s26 =	sshra.s32 s29, $0x2;
	s29 =	smov.u32 s3;
	v20 =	vld.idx.msk [tilespmem:v20+s8+$0x0], $0xffff;
	[tilespmem:s20+$0x14800] =	vst v14  }
0x2db: {  	v24 =	vadd.s32 $0x1C, v3;
	[tilespmem:s26+$0xF400] =	vst v13;
	v13 =	vld.idx.msk [tilespmem:v16+s8+$0x0], $0xffff  }
.Ltmp1:
0x2dc: {  	v17 =	vadd.s32 $0x7, v5;
	v18 =	vld.idx.msk [tilespmem:v11+s8+$0x0], $0xffff;
	[tilespmem:s22+$0x13400] =	vst v15;
	(pc) =	sbr.rel @p0 .LBB2_5-.Ltmp1, $4  }
0x2dd: {  	v11 =	vadd.s32 $0x17, v1;
	v14 =	vld.idx.msk [tilespmem:v21+s8+$0x0], $0xffff;
	[tilespmem:s24+$0x17400] =	vst v10  }
0x2de: {  	v19 =	vor.u32 $0x2, v7;
	[tilespmem:s23+$0x12000] =	vst v12;
	v10 =	vld.idx.msk [tilespmem:v22+s8+$0x0], $0xffff  }
0x2df: {  	v15 =	vadd.s32 $0x12, v2;
	v16 =	vld.idx.msk [tilespmem:v23+s8+$0x0], $0xffff;
	[tilespmem:s21+$0x16000] =	vst v9  }
0x2e0: {  	s3 =	sadd.s32 $0x40, s3;
	v9 =	vadd.s32 $0x22, v6;
	[tilespmem:s25+$0x10C00] =	vst v20;
	v12 =	vld.idx.msk [tilespmem:v24+s8+$0x0], $0xffff  }
0x2e1: {  	v8 =	vmul.u32 $0x24, v8;
	_ =	sdelay $0x5  }
0x2e2: {  	v20 =	vld.idx.msk [tilespmem:v8+s8+$0x0], $0xffff  }
0x2e3: {  	v21 =	vor.u32 $0x1, v8;
	_ =	sdelay $0x2  }
0x2e4: {  	s28 =	sshra.s32 s29, $0x2  }
0x2e5: {  	[tilespmem:s28+$0xF400] =	vst v20  }
0x2e6: {  	v20 =	vld.idx.msk [tilespmem:v21+s8+$0x0], $0xffff  }
0x2e7: {  	v27 =	vor.u32 $0x2, v8;
	_ =	sdelay $0x2  }
0x2e8: {  	[tilespmem:s26+$0xF800] =	vst v18  }
0x2e9: {  	v18 =	vld.idx.msk [tilespmem:v19+s8+$0x0], $0xffff;
	[tilespmem:s28+$0xF800] =	vst v20  }
0x2ea: {  	v28 =	vor.u32 $0x3, v7;
	v20 =	vld.idx.msk [tilespmem:v27+s8+$0x0], $0xffff  }
0x2eb: {  	v29 =	vor.u32 $0x3, v8;
	_ =	sdelay $0x2  }
0x2ec: {  	[tilespmem:s26+$0xFC00] =	vst v18  }
0x2ed: {  	v18 =	vld.idx.msk [tilespmem:v28+s8+$0x0], $0xffff;
	[tilespmem:s28+$0xFC00] =	vst v20  }
0x2ee: {  	v30 =	vadd.s32 $0x4, v7;
	v20 =	vld.idx.msk [tilespmem:v29+s8+$0x0], $0xffff  }
0x2ef: {  	v31 =	vadd.s32 $0x4, v8;
	_ =	sdelay $0x2  }
0x2f0: {  	[tilespmem:s26+$0x10000] =	vst v18  }
0x2f1: {  	v18 =	vld.idx.msk [tilespmem:v30+s8+$0x0], $0xffff;
	[tilespmem:s28+$0x10000] =	vst v20  }
0x2f2: {  	v32 =	vadd.s32 $0x5, v7;
	v20 =	vld.idx.msk [tilespmem:v31+s8+$0x0], $0xffff  }
0x2f3: {  	v33 =	vadd.s32 $0x5, v8;
	_ =	sdelay $0x2  }
0x2f4: {  	[tilespmem:s26+$0x10400] =	vst v18  }
0x2f5: {  	v18 =	vld.idx.msk [tilespmem:v32+s8+$0x0], $0xffff;
	[tilespmem:s28+$0x10400] =	vst v20  }
0x2f6: {  	v34 =	vadd.s32 $0x6, v7;
	v20 =	vld.idx.msk [tilespmem:v33+s8+$0x0], $0xffff  }
0x2f7: {  	v35 =	vadd.s32 $0x6, v8;
	_ =	sdelay $0x2  }
0x2f8: {  	[tilespmem:s26+$0x10800] =	vst v18  }
0x2f9: {  	v18 =	vld.idx.msk [tilespmem:v34+s8+$0x0], $0xffff;
	[tilespmem:s28+$0x10800] =	vst v20  }
0x2fa: {  	v36 =	vadd.s32 $0x7, v7;
	v20 =	vld.idx.msk [tilespmem:v35+s8+$0x0], $0xffff  }
0x2fb: {  	v37 =	vadd.s32 $0x7, v8;
	_ =	sdelay $0x1  }
0x2fc: {  	v17 =	vld.idx.msk [tilespmem:v17+s8+$0x0], $0xffff  }
0x2fd: {  	v38 =	vadd.s32 $0x8, v5;
	[tilespmem:s26+$0x10C00] =	vst v18  }
0x2fe: {  	v19 =	vld.idx.msk [tilespmem:v36+s8+$0x0], $0xffff;
	[tilespmem:s28+$0x10C00] =	vst v20  }
0x2ff: {  	v39 =	vadd.s32 $0x8, v7;
	v21 =	vld.idx.msk [tilespmem:v37+s8+$0x0], $0xffff  }
0x300: {  	v22 =	vadd.s32 $0x8, v8  }
0x301: {  	[tilespmem:s25+$0x11000] =	vst v17  }
0x302: {  	v17 =	vld.idx.msk [tilespmem:v38+s8+$0x0], $0xffff  }
0x303: {  	v40 =	vadd.s32 $0x9, v5;
	[tilespmem:s26+$0x11000] =	vst v19  }
0x304: {  	v19 =	vld.idx.msk [tilespmem:v39+s8+$0x0], $0xffff;
	[tilespmem:s28+$0x11000] =	vst v21  }
0x305: {  	v41 =	vadd.s32 $0x9, v7;
	v21 =	vld.idx.msk [tilespmem:v22+s8+$0x0], $0xffff  }
0x306: {  	v42 =	vadd.s32 $0x9, v8  }
0x307: {  	[tilespmem:s25+$0x11400] =	vst v17  }
0x308: {  	v17 =	vld.idx.msk [tilespmem:v40+s8+$0x0], $0xffff  }
0x309: {  	v43 =	vadd.s32 $0xA, v5;
	[tilespmem:s26+$0x11400] =	vst v19  }
0x30a: {  	v19 =	vld.idx.msk [tilespmem:v41+s8+$0x0], $0xffff;
	[tilespmem:s28+$0x11400] =	vst v21  }
0x30b: {  	v44 =	vadd.s32 $0xA, v7;
	v21 =	vld.idx.msk [tilespmem:v42+s8+$0x0], $0xffff  }
0x30c: {  	v45 =	vadd.s32 $0xA, v8  }
0x30d: {  	[tilespmem:s25+$0x11800] =	vst v17  }
0x30e: {  	v17 =	vld.idx.msk [tilespmem:v43+s8+$0x0], $0xffff  }
0x30f: {  	v46 =	vadd.s32 $0xB, v5;
	[tilespmem:s26+$0x11800] =	vst v19  }
0x310: {  	v19 =	vld.idx.msk [tilespmem:v44+s8+$0x0], $0xffff;
	[tilespmem:s28+$0x11800] =	vst v21  }
0x311: {  	v47 =	vadd.s32 $0xB, v7;
	v21 =	vld.idx.msk [tilespmem:v45+s8+$0x0], $0xffff  }
0x312: {  	v48 =	vadd.s32 $0xB, v8  }
0x313: {  	[tilespmem:s25+$0x11C00] =	vst v17  }
0x314: {  	v17 =	vld.idx.msk [tilespmem:v46+s8+$0x0], $0xffff  }
0x315: {  	v49 =	vadd.s32 $0xC, v5;
	[tilespmem:s26+$0x11C00] =	vst v19  }
0x316: {  	v19 =	vld.idx.msk [tilespmem:v47+s8+$0x0], $0xffff;
	[tilespmem:s28+$0x11C00] =	vst v21  }
0x317: {  	v50 =	vadd.s32 $0xC, v7;
	v21 =	vld.idx.msk [tilespmem:v48+s8+$0x0], $0xffff  }
0x318: {  	v51 =	vadd.s32 $0xC, v8  }
0x319: {  	[tilespmem:s25+$0x12000] =	vst v17  }
0x31a: {  	v18 =	vld.idx.msk [tilespmem:v49+s8+$0x0], $0xffff  }
0x31b: {  	v53 =	vadd.s32 $0xD, v5;
	[tilespmem:s26+$0x12000] =	vst v19  }
0x31c: {  	v52 =	vadd.s32 $0xD, v4;
	v20 =	vld.idx.msk [tilespmem:v50+s8+$0x0], $0xffff;
	[tilespmem:s28+$0x12000] =	vst v21  }
0x31d: {  	v54 =	vadd.s32 $0xD, v7;
	v22 =	vld.idx.msk [tilespmem:v51+s8+$0x0], $0xffff  }
0x31e: {  	v23 =	vadd.s32 $0xD, v8  }
0x31f: {  	[tilespmem:s25+$0x12400] =	vst v18  }
0x320: {  	[tilespmem:s23+$0x12400] =	vst v16;
	v18 =	vld.idx.msk [tilespmem:v53+s8+$0x0], $0xffff  }
0x321: {  	v56 =	vadd.s32 $0xE, v5;
	v16 =	vld.idx.msk [tilespmem:v52+s8+$0x0], $0xffff;
	[tilespmem:s26+$0x12400] =	vst v20  }
0x322: {  	v55 =	vadd.s32 $0xE, v4;
	v20 =	vld.idx.msk [tilespmem:v54+s8+$0x0], $0xffff;
	[tilespmem:s28+$0x12400] =	vst v22  }
0x323: {  	v57 =	vadd.s32 $0xE, v7;
	v22 =	vld.idx.msk [tilespmem:v23+s8+$0x0], $0xffff  }
0x324: {  	v58 =	vadd.s32 $0xE, v8  }
0x325: {  	[tilespmem:s25+$0x12800] =	vst v18  }
0x326: {  	[tilespmem:s23+$0x12800] =	vst v16;
	v18 =	vld.idx.msk [tilespmem:v56+s8+$0x0], $0xffff  }
0x327: {  	v60 =	vadd.s32 $0xF, v5;
	v16 =	vld.idx.msk [tilespmem:v55+s8+$0x0], $0xffff;
	[tilespmem:s26+$0x12800] =	vst v20  }
0x328: {  	v59 =	vadd.s32 $0xF, v4;
	v20 =	vld.idx.msk [tilespmem:v57+s8+$0x0], $0xffff;
	[tilespmem:s28+$0x12800] =	vst v22  }
0x329: {  	[tilespmem:s20+$0x14C00] =	vst v13;
	v61 =	vadd.s32 $0xF, v7;
	v62 =	vld.idx.msk [tilespmem:v58+s8+$0x0], $0xffff  }
0x32a: {  	[tilespmem:s22+$0x13800] =	vst v14;
	v63 =	vadd.s32 $0xF, v8  }
0x32b: {  	[tilespmem:s25+$0x12C00] =	vst v18  }
0x32c: {  	[tilespmem:s23+$0x12C00] =	vst v16;
	v18 =	vld.idx.msk [tilespmem:v60+s8+$0x0], $0xffff  }
0x32d: {  	v16 =	vld.idx.msk [tilespmem:v59+s8+$0x0], $0xffff;
	[tilespmem:s26+$0x12C00] =	vst v20;
	v23 =	vadd.s32 $0x10, v5  }
0x32e: {  	v13 =	vld.idx.msk [tilespmem:v61+s8+$0x0], $0xffff;
	v22 =	vadd.s32 $0x10, v4;
	[tilespmem:s28+$0x12C00] =	vst v62  }
0x32f: {  	v24 =	vadd.s32 $0x10, v7;
	[tilespmem:s24+$0x17800] =	vst v10;
	v14 =	vld.idx.msk [tilespmem:v63+s8+$0x0], $0xffff  }
0x330: {  	v11 =	vld.idx.msk [tilespmem:v11+s8+$0x0], $0xffff;
	v25 =	vadd.s32 $0x10, v8;
	[tilespmem:s21+$0x16400] =	vst v12  }
0x331: {  	v9 =	vld.idx.msk [tilespmem:v9+s8+$0x0], $0xffff;
	[tilespmem:s25+$0x13000] =	vst v18  }
0x332: {  	v6 =	vadd.s32 $0x23, v6;
	[tilespmem:s23+$0x13000] =	vst v16;
	v19 =	vld.idx.msk [tilespmem:v23+s8+$0x0], $0xffff  }
0x333: {  	v28 =	vadd.s32 $0x11, v5;
	[tilespmem:s26+$0x13000] =	vst v13;
	v17 =	vld.idx.msk [tilespmem:v22+s8+$0x0], $0xffff  }
0x334: {  	v27 =	vadd.s32 $0x11, v4;
	v10 =	vld.idx.msk [tilespmem:v24+s8+$0x0], $0xffff;
	[tilespmem:s28+$0x13000] =	vst v14  }
0x335: {  	[tilespmem:s20+$0x15000] =	vst v11;
	v29 =	vadd.s32 $0x11, v7;
	v12 =	vld.idx.msk [tilespmem:v25+s8+$0x0], $0xffff  }
0x336: {  	v15 =	vld.idx.msk [tilespmem:v15+s8+$0x0], $0xffff;
	[tilespmem:s24+$0x17C00] =	vst v9;
	v30 =	vadd.s32 $0x11, v8  }
0x337: {  	v6 =	vld.idx.msk [tilespmem:v6+s8+$0x0], $0xffff;
	v31 =	vadd.s32 $0x18, v1;
	[tilespmem:s25+$0x13400] =	vst v19  }
0x338: {  	v26 =	vadd.s32 $0x1D, v3;
	v13 =	vld.idx.msk [tilespmem:v28+s8+$0x0], $0xffff;
	[tilespmem:s23+$0x13400] =	vst v17  }
0x339: {  	v34 =	vadd.s32 $0x12, v5;
	[tilespmem:s26+$0x13400] =	vst v10;
	v18 =	vld.idx.msk [tilespmem:v27+s8+$0x0], $0xffff  }
0x33a: {  	v33 =	vadd.s32 $0x12, v4;
	v11 =	vld.idx.msk [tilespmem:v29+s8+$0x0], $0xffff;
	[tilespmem:s28+$0x13400] =	vst v12  }
0x33b: {  	[tilespmem:s22+$0x13C00] =	vst v15;
	v35 =	vadd.s32 $0x12, v7;
	v12 =	vld.idx.msk [tilespmem:v30+s8+$0x0], $0xffff  }
0x33c: {  	[tilespmem:s24+$0x18000] =	vst v6;
	v36 =	vld.idx.msk [tilespmem:v31+s8+$0x0], $0xffff;
	v37 =	vadd.s32 $0x12, v8  }
0x33d: {  	v16 =	vld.idx.msk [tilespmem:v26+s8+$0x0], $0xffff;
	v45 =	vadd.s32 $0x19, v1;
	[tilespmem:s25+$0x13800] =	vst v13  }
0x33e: {  	v32 =	vadd.s32 $0x13, v2;
	v10 =	vld.idx.msk [tilespmem:v34+s8+$0x0], $0xffff;
	[tilespmem:s23+$0x13800] =	vst v18  }
0x33f: {  	v41 =	vadd.s32 $0x13, v5;
	[tilespmem:s26+$0x13800] =	vst v11;
	v18 =	vld.idx.msk [tilespmem:v33+s8+$0x0], $0xffff  }
0x340: {  	v40 =	vadd.s32 $0x13, v4;
	v9 =	vld.idx.msk [tilespmem:v35+s8+$0x0], $0xffff;
	[tilespmem:s28+$0x13800] =	vst v12  }
0x341: {  	[tilespmem:s20+$0x15400] =	vst v36;
	v42 =	vadd.s32 $0x13, v7;
	v43 =	vld.idx.msk [tilespmem:v37+s8+$0x0], $0xffff  }
0x342: {  	[tilespmem:s21+$0x16800] =	vst v16;
	v44 =	vadd.s32 $0x13, v8;
	v50 =	vld.idx.msk [tilespmem:v45+s8+$0x0], $0xffff  }
0x343: {  	v38 =	vld.idx.msk [tilespmem:v32+s8+$0x0], $0xffff;
	v60 =	vadd.s32 $0x1A, v1;
	[tilespmem:s25+$0x13C00] =	vst v10  }
0x344: {  	v46 =	vadd.s32 $0x14, v2;
	v11 =	vld.idx.msk [tilespmem:v41+s8+$0x0], $0xffff;
	[tilespmem:s23+$0x13C00] =	vst v18  }
0x345: {  	v48 =	vadd.s32 $0x14, v5;
	[tilespmem:s26+$0x13C00] =	vst v9;
	v13 =	vld.idx.msk [tilespmem:v40+s8+$0x0], $0xffff  }
0x346: {  	v47 =	vadd.s32 $0x14, v4;
	v12 =	vld.idx.msk [tilespmem:v42+s8+$0x0], $0xffff;
	[tilespmem:s28+$0x13C00] =	vst v43  }
0x347: {  	v49 =	vadd.s32 $0x14, v7;
	[tilespmem:s20+$0x15800] =	vst v50;
	v14 =	vld.idx.msk [tilespmem:v44+s8+$0x0], $0xffff  }
0x348: {  	[tilespmem:s22+$0x14000] =	vst v38;
	v51 =	vadd.s32 $0x14, v8;
	v23 =	vld.idx.msk [tilespmem:v60+s8+$0x0], $0xffff  }
0x349: {  	v39 =	vadd.s32 $0x1E, v3;
	v18 =	vld.idx.msk [tilespmem:v46+s8+$0x0], $0xffff;
	[tilespmem:s25+$0x14000] =	vst v11  }
0x34a: {  	v53 =	vadd.s32 $0x15, v2;
	v9 =	vld.idx.msk [tilespmem:v48+s8+$0x0], $0xffff;
	[tilespmem:s23+$0x14000] =	vst v13  }
0x34b: {  	v55 =	vadd.s32 $0x15, v5;
	v10 =	vld.idx.msk [tilespmem:v47+s8+$0x0], $0xffff;
	[tilespmem:s26+$0x14000] =	vst v12  }
0x34c: {  	v54 =	vadd.s32 $0x15, v4;
	v6 =	vld.idx.msk [tilespmem:v49+s8+$0x0], $0xffff;
	[tilespmem:s28+$0x14000] =	vst v14  }
0x34d: {  	v56 =	vadd.s32 $0x15, v7;
	[tilespmem:s20+$0x15C00] =	vst v23;
	v57 =	vld.idx.msk [tilespmem:v51+s8+$0x0], $0xffff  }
0x34e: {  	v59 =	vadd.s32 $0x15, v8;
	v17 =	vld.idx.msk [tilespmem:v39+s8+$0x0], $0xffff;
	[tilespmem:s22+$0x14400] =	vst v18  }
0x34f: {  	v52 =	vadd.s32 $0x1F, v3;
	v13 =	vld.idx.msk [tilespmem:v53+s8+$0x0], $0xffff;
	[tilespmem:s25+$0x14400] =	vst v9  }
0x350: {  	v61 =	vadd.s32 $0x16, v2;
	v12 =	vld.idx.msk [tilespmem:v55+s8+$0x0], $0xffff;
	[tilespmem:s23+$0x14400] =	vst v10  }
0x351: {  	v63 =	vadd.s32 $0x16, v5;
	v11 =	vld.idx.msk [tilespmem:v54+s8+$0x0], $0xffff;
	[tilespmem:s26+$0x14400] =	vst v6  }
0x352: {  	v62 =	vadd.s32 $0x16, v4;
	v14 =	vld.idx.msk [tilespmem:v56+s8+$0x0], $0xffff;
	[tilespmem:s28+$0x14400] =	vst v57  }
0x353: {  	v21 =	vadd.s32 $0x16, v7;
	[tilespmem:s21+$0x16C00] =	vst v17;
	v22 =	vld.idx.msk [tilespmem:v59+s8+$0x0], $0xffff  }
0x354: {  	v24 =	vadd.s32 $0x16, v8;
	v58 =	vld.idx.msk [tilespmem:v52+s8+$0x0], $0xffff;
	[tilespmem:s22+$0x14800] =	vst v13  }
0x355: {  	v25 =	vadd.s32 $0x20, v3;
	v10 =	vld.idx.msk [tilespmem:v61+s8+$0x0], $0xffff;
	[tilespmem:s25+$0x14800] =	vst v12  }
0x356: {  	v26 =	vadd.s32 $0x17, v2;
	v6 =	vld.idx.msk [tilespmem:v63+s8+$0x0], $0xffff;
	[tilespmem:s23+$0x14800] =	vst v11  }
0x357: {  	v28 =	vadd.s32 $0x17, v5;
	v9 =	vld.idx.msk [tilespmem:v62+s8+$0x0], $0xffff;
	[tilespmem:s26+$0x14800] =	vst v14  }
0x358: {  	v27 =	vadd.s32 $0x17, v4;
	v15 =	vld.idx.msk [tilespmem:v21+s8+$0x0], $0xffff;
	[tilespmem:s28+$0x14800] =	vst v22  }
0x359: {  	v29 =	vadd.s32 $0x17, v7;
	[tilespmem:s21+$0x17000] =	vst v58;
	v13 =	vld.idx.msk [tilespmem:v24+s8+$0x0], $0xffff  }
0x35a: {  	v31 =	vadd.s32 $0x17, v8;
	v30 =	vld.idx.msk [tilespmem:v25+s8+$0x0], $0xffff;
	[tilespmem:s22+$0x14C00] =	vst v10  }
0x35b: {  	v32 =	vadd.s32 $0x1B, v1;
	v11 =	vld.idx.msk [tilespmem:v26+s8+$0x0], $0xffff;
	[tilespmem:s25+$0x14C00] =	vst v6  }
0x35c: {  	v33 =	vadd.s32 $0x18, v2;
	v14 =	vld.idx.msk [tilespmem:v28+s8+$0x0], $0xffff;
	[tilespmem:s23+$0x14C00] =	vst v9  }
0x35d: {  	v35 =	vadd.s32 $0x18, v5;
	v12 =	vld.idx.msk [tilespmem:v27+s8+$0x0], $0xffff;
	[tilespmem:s26+$0x14C00] =	vst v15  }
0x35e: {  	v34 =	vadd.s32 $0x18, v4;
	v16 =	vld.idx.msk [tilespmem:v29+s8+$0x0], $0xffff;
	[tilespmem:s28+$0x14C00] =	vst v13  }
0x35f: {  	v36 =	vadd.s32 $0x18, v7;
	[tilespmem:s21+$0x17400] =	vst v30;
	v10 =	vld.idx.msk [tilespmem:v31+s8+$0x0], $0xffff  }
0x360: {  	v38 =	vadd.s32 $0x18, v8;
	v37 =	vld.idx.msk [tilespmem:v32+s8+$0x0], $0xffff;
	[tilespmem:s22+$0x15000] =	vst v11  }
0x361: {  	v39 =	vadd.s32 $0x21, v3;
	v9 =	vld.idx.msk [tilespmem:v33+s8+$0x0], $0xffff;
	[tilespmem:s25+$0x15000] =	vst v14  }
0x362: {  	v40 =	vadd.s32 $0x19, v2;
	v15 =	vld.idx.msk [tilespmem:v35+s8+$0x0], $0xffff;
	[tilespmem:s23+$0x15000] =	vst v12  }
0x363: {  	v42 =	vadd.s32 $0x19, v5;
	v6 =	vld.idx.msk [tilespmem:v34+s8+$0x0], $0xffff;
	[tilespmem:s26+$0x15000] =	vst v16  }
0x364: {  	v41 =	vadd.s32 $0x19, v4;
	v13 =	vld.idx.msk [tilespmem:v36+s8+$0x0], $0xffff;
	[tilespmem:s28+$0x15000] =	vst v10  }
0x365: {  	[tilespmem:s20+$0x16000] =	vst v37;
	v43 =	vadd.s32 $0x19, v7;
	v11 =	vld.idx.msk [tilespmem:v38+s8+$0x0], $0xffff  }
0x366: {  	v45 =	vadd.s32 $0x19, v8;
	v44 =	vld.idx.msk [tilespmem:v39+s8+$0x0], $0xffff;
	[tilespmem:s22+$0x15400] =	vst v9  }
0x367: {  	v46 =	vadd.s32 $0x1C, v1;
	v12 =	vld.idx.msk [tilespmem:v40+s8+$0x0], $0xffff;
	[tilespmem:s25+$0x15400] =	vst v15  }
0x368: {  	v47 =	vadd.s32 $0x1A, v2;
	v16 =	vld.idx.msk [tilespmem:v42+s8+$0x0], $0xffff;
	[tilespmem:s23+$0x15400] =	vst v6  }
0x369: {  	v49 =	vadd.s32 $0x1A, v5;
	v14 =	vld.idx.msk [tilespmem:v41+s8+$0x0], $0xffff;
	[tilespmem:s26+$0x15400] =	vst v13  }
0x36a: {  	v48 =	vadd.s32 $0x1A, v4;
	v10 =	vld.idx.msk [tilespmem:v43+s8+$0x0], $0xffff;
	[tilespmem:s28+$0x15400] =	vst v11  }
0x36b: {  	v50 =	vadd.s32 $0x1A, v7;
	[tilespmem:s21+$0x17800] =	vst v44;
	v9 =	vld.idx.msk [tilespmem:v45+s8+$0x0], $0xffff  }
0x36c: {  	v52 =	vadd.s32 $0x1A, v8;
	v51 =	vld.idx.msk [tilespmem:v46+s8+$0x0], $0xffff;
	[tilespmem:s22+$0x15800] =	vst v12  }
0x36d: {  	v53 =	vadd.s32 $0x22, v3;
	v6 =	vld.idx.msk [tilespmem:v47+s8+$0x0], $0xffff;
	[tilespmem:s25+$0x15800] =	vst v16  }
0x36e: {  	v54 =	vadd.s32 $0x1B, v2;
	v13 =	vld.idx.msk [tilespmem:v49+s8+$0x0], $0xffff;
	[tilespmem:s23+$0x15800] =	vst v14  }
0x36f: {  	v56 =	vadd.s32 $0x1B, v5;
	v15 =	vld.idx.msk [tilespmem:v48+s8+$0x0], $0xffff;
	[tilespmem:s26+$0x15800] =	vst v10  }
0x370: {  	v55 =	vadd.s32 $0x1B, v4;
	v11 =	vld.idx.msk [tilespmem:v50+s8+$0x0], $0xffff;
	[tilespmem:s28+$0x15800] =	vst v9  }
0x371: {  	[tilespmem:s20+$0x16400] =	vst v51;
	v57 =	vadd.s32 $0x1B, v7;
	v12 =	vld.idx.msk [tilespmem:v52+s8+$0x0], $0xffff  }
0x372: {  	v58 =	vld.idx.msk [tilespmem:v53+s8+$0x0], $0xffff;
	v59 =	vadd.s32 $0x1B, v8;
	[tilespmem:s22+$0x15C00] =	vst v6  }
0x373: {  	v60 =	vadd.s32 $0x1D, v1;
	v14 =	vld.idx.msk [tilespmem:v54+s8+$0x0], $0xffff;
	[tilespmem:s25+$0x15C00] =	vst v13  }
0x374: {  	v61 =	vadd.s32 $0x1C, v2;
	v10 =	vld.idx.msk [tilespmem:v56+s8+$0x0], $0xffff;
	[tilespmem:s23+$0x15C00] =	vst v15  }
0x375: {  	v63 =	vadd.s32 $0x1C, v5;
	v16 =	vld.idx.msk [tilespmem:v55+s8+$0x0], $0xffff;
	[tilespmem:s26+$0x15C00] =	vst v11  }
0x376: {  	v62 =	vadd.s32 $0x1C, v4;
	v9 =	vld.idx.msk [tilespmem:v57+s8+$0x0], $0xffff;
	[tilespmem:s28+$0x15C00] =	vst v12  }
0x377: {  	v20 =	vadd.s32 $0x1C, v7;
	[tilespmem:s21+$0x17C00] =	vst v58;
	v6 =	vld.idx.msk [tilespmem:v59+s8+$0x0], $0xffff  }
0x378: {  	v21 =	vld.idx.msk [tilespmem:v60+s8+$0x0], $0xffff;
	v22 =	vadd.s32 $0x1C, v8;
	[tilespmem:s22+$0x16000] =	vst v14  }
0x379: {  	v3 =	vadd.s32 $0x23, v3;
	v15 =	vld.idx.msk [tilespmem:v61+s8+$0x0], $0xffff;
	[tilespmem:s25+$0x16000] =	vst v10  }
0x37a: {  	v23 =	vadd.s32 $0x1D, v2;
	v11 =	vld.idx.msk [tilespmem:v63+s8+$0x0], $0xffff;
	[tilespmem:s23+$0x16000] =	vst v16  }
0x37b: {  	v25 =	vadd.s32 $0x1D, v5;
	v13 =	vld.idx.msk [tilespmem:v62+s8+$0x0], $0xffff;
	[tilespmem:s26+$0x16000] =	vst v9  }
0x37c: {  	v24 =	vadd.s32 $0x1D, v4;
	v12 =	vld.idx.msk [tilespmem:v20+s8+$0x0], $0xffff;
	[tilespmem:s28+$0x16000] =	vst v6  }
0x37d: {  	v26 =	vadd.s32 $0x1D, v7;
	[tilespmem:s20+$0x16800] =	vst v21;
	v14 =	vld.idx.msk [tilespmem:v22+s8+$0x0], $0xffff  }
0x37e: {  	v3 =	vld.idx.msk [tilespmem:v3+s8+$0x0], $0xffff;
	v27 =	vadd.s32 $0x1D, v8;
	[tilespmem:s22+$0x16400] =	vst v15  }
0x37f: {  	v28 =	vadd.s32 $0x1E, v1;
	v16 =	vld.idx.msk [tilespmem:v23+s8+$0x0], $0xffff;
	[tilespmem:s25+$0x16400] =	vst v11  }
0x380: {  	v29 =	vadd.s32 $0x1E, v2;
	v9 =	vld.idx.msk [tilespmem:v25+s8+$0x0], $0xffff;
	[tilespmem:s23+$0x16400] =	vst v13  }
0x381: {  	v31 =	vadd.s32 $0x1E, v5;
	v10 =	vld.idx.msk [tilespmem:v24+s8+$0x0], $0xffff;
	[tilespmem:s26+$0x16400] =	vst v12  }
0x382: {  	v30 =	vadd.s32 $0x1E, v4;
	v6 =	vld.idx.msk [tilespmem:v26+s8+$0x0], $0xffff;
	[tilespmem:s28+$0x16400] =	vst v14  }
0x383: {  	[tilespmem:s21+$0x18000] =	vst v3;
	v3 =	vadd.s32 $0x1E, v7;
	v14 =	vld.idx.msk [tilespmem:v27+s8+$0x0], $0xffff  }
0x384: {  	v33 =	vadd.s32 $0x1E, v8;
	v32 =	vld.idx.msk [tilespmem:v28+s8+$0x0], $0xffff;
	[tilespmem:s22+$0x16800] =	vst v16  }
0x385: {  	v34 =	vadd.s32 $0x1F, v1;
	v13 =	vld.idx.msk [tilespmem:v29+s8+$0x0], $0xffff;
	[tilespmem:s25+$0x16800] =	vst v9  }
0x386: {  	v35 =	vadd.s32 $0x1F, v2;
	v12 =	vld.idx.msk [tilespmem:v31+s8+$0x0], $0xffff;
	[tilespmem:s23+$0x16800] =	vst v10  }
0x387: {  	v37 =	vadd.s32 $0x1F, v5;
	v11 =	vld.idx.msk [tilespmem:v30+s8+$0x0], $0xffff;
	[tilespmem:s26+$0x16800] =	vst v6  }
0x388: {  	v36 =	vadd.s32 $0x1F, v4;
	v3 =	vld.idx.msk [tilespmem:v3+s8+$0x0], $0xffff;
	[tilespmem:s28+$0x16800] =	vst v14  }
0x389: {  	[tilespmem:s20+$0x16C00] =	vst v32;
	v38 =	vadd.s32 $0x1F, v7;
	v39 =	vld.idx.msk [tilespmem:v33+s8+$0x0], $0xffff  }
0x38a: {  	v40 =	vld.idx.msk [tilespmem:v34+s8+$0x0], $0xffff;
	v41 =	vadd.s32 $0x1F, v8;
	[tilespmem:s22+$0x16C00] =	vst v13  }
0x38b: {  	v42 =	vadd.s32 $0x20, v1;
	v10 =	vld.idx.msk [tilespmem:v35+s8+$0x0], $0xffff;
	[tilespmem:s25+$0x16C00] =	vst v12  }
0x38c: {  	v43 =	vadd.s32 $0x20, v2;
	v6 =	vld.idx.msk [tilespmem:v37+s8+$0x0], $0xffff;
	[tilespmem:s23+$0x16C00] =	vst v11  }
0x38d: {  	v9 =	vld.idx.msk [tilespmem:v36+s8+$0x0], $0xffff;
	[tilespmem:s26+$0x16C00] =	vst v3;
	v3 =	vadd.s32 $0x20, v5  }
0x38e: {  	v44 =	vadd.s32 $0x20, v4;
	v14 =	vld.idx.msk [tilespmem:v38+s8+$0x0], $0xffff;
	[tilespmem:s28+$0x16C00] =	vst v39  }
0x38f: {  	[tilespmem:s20+$0x17000] =	vst v40;
	v45 =	vadd.s32 $0x20, v7;
	v13 =	vld.idx.msk [tilespmem:v41+s8+$0x0], $0xffff  }
0x390: {  	v46 =	vadd.s32 $0x20, v8;
	v16 =	vld.idx.msk [tilespmem:v42+s8+$0x0], $0xffff;
	[tilespmem:s22+$0x17000] =	vst v10  }
0x391: {  	v47 =	vadd.s32 $0x21, v1;
	v11 =	vld.idx.msk [tilespmem:v43+s8+$0x0], $0xffff;
	[tilespmem:s25+$0x17000] =	vst v6  }
0x392: {  	v48 =	vadd.s32 $0x21, v2;
	[tilespmem:s23+$0x17000] =	vst v9;
	v3 =	vld.idx.msk [tilespmem:v3+s8+$0x0], $0xffff  }
0x393: {  	v50 =	vadd.s32 $0x21, v5;
	v12 =	vld.idx.msk [tilespmem:v44+s8+$0x0], $0xffff;
	[tilespmem:s26+$0x17000] =	vst v14  }
0x394: {  	v49 =	vadd.s32 $0x21, v4;
	v15 =	vld.idx.msk [tilespmem:v45+s8+$0x0], $0xffff;
	[tilespmem:s28+$0x17000] =	vst v13  }
0x395: {  	v51 =	vadd.s32 $0x21, v7;
	[tilespmem:s20+$0x17400] =	vst v16;
	v10 =	vld.idx.msk [tilespmem:v46+s8+$0x0], $0xffff  }
0x396: {  	v52 =	vadd.s32 $0x21, v8;
	v16 =	vld.idx.msk [tilespmem:v47+s8+$0x0], $0xffff;
	[tilespmem:s22+$0x17400] =	vst v11  }
0x397: {  	v53 =	vadd.s32 $0x22, v1;
	v9 =	vld.idx.msk [tilespmem:v48+s8+$0x0], $0xffff;
	[tilespmem:s25+$0x17400] =	vst v3  }
0x398: {  	v54 =	vadd.s32 $0x22, v2;
	[tilespmem:s23+$0x17400] =	vst v12;
	v14 =	vld.idx.msk [tilespmem:v50+s8+$0x0], $0xffff  }
0x399: {  	v55 =	vadd.s32 $0x22, v5;
	v6 =	vld.idx.msk [tilespmem:v49+s8+$0x0], $0xffff;
	[tilespmem:s26+$0x17400] =	vst v15  }
0x39a: {  	v3 =	vadd.s32 $0x22, v4;
	v13 =	vld.idx.msk [tilespmem:v51+s8+$0x0], $0xffff;
	[tilespmem:s28+$0x17400] =	vst v10  }
0x39b: {  	v56 =	vadd.s32 $0x22, v7;
	[tilespmem:s20+$0x17800] =	vst v16;
	v11 =	vld.idx.msk [tilespmem:v52+s8+$0x0], $0xffff  }
0x39c: {  	v57 =	vadd.s32 $0x22, v8;
	v16 =	vld.idx.msk [tilespmem:v53+s8+$0x0], $0xffff;
	[tilespmem:s22+$0x17800] =	vst v9  }
0x39d: {  	v1 =	vadd.s32 $0x23, v1;
	v12 =	vld.idx.msk [tilespmem:v54+s8+$0x0], $0xffff;
	[tilespmem:s25+$0x17800] =	vst v14  }
0x39e: {  	v2 =	vadd.s32 $0x23, v2;
	[tilespmem:s23+$0x17800] =	vst v6;
	v59 =	vld.idx.msk [tilespmem:v55+s8+$0x0], $0xffff  }
0x39f: {  	v60 =	vadd.s32 $0x23, v5;
	v3 =	vld.idx.msk [tilespmem:v3+s8+$0x0], $0xffff;
	[tilespmem:s26+$0x17800] =	vst v13  }
0x3a0: {  	v58 =	vadd.s32 $0x23, v4;
	v10 =	vld.idx.msk [tilespmem:v56+s8+$0x0], $0xffff;
	[tilespmem:s28+$0x17800] =	vst v11  }
0x3a1: {  	v61 =	vadd.s32 $0x23, v7;
	[tilespmem:s20+$0x17C00] =	vst v16;
	v9 =	vld.idx.msk [tilespmem:v57+s8+$0x0], $0xffff  }
0x3a2: {  	v8 =	vadd.s32 $0x23, v8;
	v1 =	vld.idx.msk [tilespmem:v1+s8+$0x0], $0xffff;
	[tilespmem:s22+$0x17C00] =	vst v12  }
0x3a3: {  	v2 =	vld.idx.msk [tilespmem:v2+s8+$0x0], $0xffff;
	[tilespmem:s25+$0x17C00] =	vst v59  }
0x3a4: {  	[tilespmem:s23+$0x17C00] =	vst v3;
	v62 =	vld.idx.msk [tilespmem:v60+s8+$0x0], $0xffff  }
0x3a5: {  	v3 =	vld.idx.msk [tilespmem:v58+s8+$0x0], $0xffff;
	[tilespmem:s26+$0x17C00] =	vst v10  }
0x3a6: {  	v63 =	vld.idx.msk [tilespmem:v61+s8+$0x0], $0xffff;
	[tilespmem:s28+$0x17C00] =	vst v9  }
0x3a7: {  	s17 =	sadd.s32 $0x1, s17;
	[tilespmem:s20+$0x18000] =	vst v1;
	v1 =	vld.idx.msk [tilespmem:v8+s8+$0x0], $0xffff  }
0x3a8: {  	p0 =	sne.s32 s17, $0x32;
	[tilespmem:s22+$0x18000] =	vst v2  }
.Ltmp2:
0x3a9: {  	s0 =	sshll.u32 s18, $0x11;
	s3 =	sshll.u32 s19, $0xA;
	[tilespmem:s25+$0x18000] =	vst v62;
	(pc) =	sbr.rel @p0 .LBB2_2-.Ltmp2, $4  }
0x3aa: {  	s0 =	sadd.s32 s3, s0;
	[tilespmem:s23+$0x18000] =	vst v3  }
0x3ab: {  	s0 =	sshrl.u32 s0, $0x3;
	[tilespmem:s26+$0x18000] =	vst v63  }
0x3ac: {  	s0 =	sadd.s32 s1, s0;
	[tilespmem:s28+$0x18000] =	vst v1  }
0x3ad: {  	[hbm4b:s0+s10] =	stream.strided.scatter [tilespmem:s13], [sflag:$0x2], $0x9000, s11, s10, $0x38;
	[tilespmem:$0x18910] =	vst v63  }
0x3ae: {  	_ =	swait.ge [sflag:s14], $0x9000  }
0x3af: {  	[sflag:s14] =	ssyncset.done $0x0  }
0x3b0: {  	[sflag:s14] =	ssyncadd.s32 $0xFFFF7000  }
0x3b1: {  	_ =	swait.ge [sflag:s15], $0x9000  }
0x3b2: {  	s16 =	sadd.s32 $0x1, s16;
	s0 =	rddreg [dreg:$0x4]  }
0x3b3: {  	p0 =	sne.s32 s16, s0  }
.Ltmp3:
0x3b4: {  	_ = 	snop;
	(pc) =	sbr.rel @p0 .LBB2_1-.Ltmp3, $3  }
0x3b5: {  	_ =	sdelay $0x1  }
0x3b6: {  	[sflag:s15] =	ssyncset.done $0x0  }
0x3b7: {  	[sflag:s15] =	ssyncadd.s32 $0xFFFF7000  }
0x3b8: {  	_ =	sfence.sel $0x180000  }
0x3b9: {  	[bflag:$0x0] =	sbarrier.arrive $0xFFFF  }
0x3ba: {  	_ =	strace $0x90000047  }
0x3bb: {  	s0 =	stileid.u32;
	[bflag:$0x2] =	sbarrier.arrive $0xFFFF  }
0x3bc: {  	p0 =	sne.s32 s0, $0x0;
	s0 =	rddreg [dreg:$0x2]  }
0x3bd: {  	s0 =	sadd.s32 @!p0 $0x100000, s0  }
0x3be: {  	[sflag:s0] =	ssyncadd.tile.s32 @!p0 $0x1;
	_ =	shalt  }
.Lfunc_end2:
_tile_overlayer_lowered:
.L_overlay_start_2:
0x3bf: {  	(tag) =	ssettag $0x2  }
0x3c0: {  	s0 =	rddreg [dreg:$0x0];
	s2 =	stileid.u32  }
0x3c1: {  	s1 =	rddreg [dreg:$0x1];
	p0 =	sne.s32 s2, $0x0  }
0x3c2: {  	s3 =	rddreg [dreg:$0x2];
	[bflag:$0x3] =	sbarrier.arrive $0xFFFF;
	s2 =	simm.s32 @!p0 $0x1C03  }
0x3c3: {  	[timem:s3], [sflag:s2] =	dma.local @!p0 [hbm:s0], s1  }
0x3c4: {  	s0 =	simm.s32 @!p0 $0x3  }
0x3c5: {  	_ =	swait.ge @!p0 [sflag:s0], s1  }
0x3c6: {  	s1 =	ssub.s32 @!p0 $0x0, s1;
	[sflag:s0] =	ssyncset.done @!p0 $0x0  }
0x3c7: {  	[sflag:s0] =	ssyncadd.s32 @!p0 s1  }
0x3c8: {  	[bflag:$0x3] =	sbarrier.arrive $0xFFFF  }
0x3c9: {  	_ =	shalt  }

</sc_bundles>
